<compile_context>
chip_gen: v7x
topology: tpu7x:2x2x1
jax: 0.10.2.dev20260603
libtpu: 0.0.44.dev20260713+nightly
codegen_flags: <defaults>
</compile_context>

<pallas_src>
import functools

import jax
import jax.numpy as jnp
from jax import lax
from jax.experimental import pallas as pl
from jax.experimental.pallas import tpu as pltpu
from jax.experimental.pallas import tpu_sc as plsc

S, M, A, H, DIN = 32, 256, 64, 64, 128
N = 262144
NSLOT = S * M * A
PAD = 1024
BLK = 4096

_info = plsc.get_sparse_core_info()
NC, NS, L = _info.num_cores, _info.num_subcores, _info.num_lanes
NW = NC * NS
R = NSLOT // NW
CHUNK = 8192
GB = 128


def _mm_body(x_ref, w_ref, o_ref):
    i = pl.program_id(0)
    nb = pl.num_programs(0)

    @pl.when(i < nb - 1)
    def _compute():
        y = jnp.tanh(
            jnp.dot(x_ref[...], w_ref[...], preferred_element_type=jnp.float32)
        )
        o_ref[...] = jnp.concatenate([y, jnp.zeros_like(y)], axis=1)

    @pl.when(i == nb - 1)
    def _zero_pad():
        o_ref[...] = jnp.zeros_like(o_ref)


def _encode_vals(feats, w):
    nx = N // BLK
    return pl.pallas_call(
        _mm_body,
        grid=(nx + 1,),
        in_specs=[
            pl.BlockSpec((BLK, DIN), lambda i: (jnp.minimum(i, nx - 1), 0)),
            pl.BlockSpec((DIN, H), lambda i: (0, 0)),
        ],
        out_specs=pl.BlockSpec((BLK, 2 * H), lambda i: (i, 0)),
        out_shape=jax.ShapeDtypeStruct((N + PAD, 2 * H), jnp.float32),
    )(feats, w)


UNROLL = 16
NCHUNK = N // CHUNK
GN = R // GB
RING = 4


def _winner_body(sidx_hbm, nidx_hbm, aidx_hbm, winner_hbm,
                 sbufs, nbufs, abufs, insems, winner):
    wid = lax.axis_index("s") * NC + lax.axis_index("c")
    base = wid * R

    def _init(t, _):
        v = jnp.full((L,), 2 * N + 2 * ((t * L) & (PAD - 1)), jnp.int32) + (
            lax.iota(jnp.int32, L) * 2
        )
        winner[pl.ds(t * L, L)] = v
        return 0

    lax.fori_loop(0, R // L, _init, 0)

    def _stage(c, p):
        cb = c * CHUNK
        pltpu.async_copy(sidx_hbm.at[pl.ds(cb, CHUNK)], sbufs[p], insems[p])
        pltpu.async_copy(nidx_hbm.at[pl.ds(cb, CHUNK)], nbufs[p], insems[p])
        pltpu.async_copy(aidx_hbm.at[pl.ds(cb, CHUNK)], abufs[p], insems[p])

    def _wait_stage(p):
        pltpu.make_async_copy(sidx_hbm.at[pl.ds(0, CHUNK)], sbufs[p], insems[p]).wait()
        pltpu.make_async_copy(nidx_hbm.at[pl.ds(0, CHUNK)], nbufs[p], insems[p]).wait()
        pltpu.make_async_copy(aidx_hbm.at[pl.ds(0, CHUNK)], abufs[p], insems[p]).wait()

    def _scan_chunk(c, p):
        cbase = c * CHUNK

        def _group(t, _):
            for u in range(UNROLL):
                off = t * (L * UNROLL) + u * L
                sv = sbufs[p][pl.ds(off, L)]
                nv = nbufs[p][pl.ds(off, L)]
                av = abufs[p][pl.ds(off, L)]
                flat = sv * (M * A) + nv * A + av
                occ = jnp.full((L,), 2 * (cbase + off), jnp.int32) + (
                    lax.iota(jnp.int32, L) * 2
                )
                rel = flat - base
                mask = plsc.bitcast(rel, jnp.uint32) < jnp.uint32(R)
                loc = rel & (R - 1)
                plsc.store_scatter(winner, [loc], occ, mask=mask)
            return 0

        lax.fori_loop(0, CHUNK // (L * UNROLL), _group, 0)

    _stage(0, 0)
    _stage(1, 1)

    def _chunk_pair(cp, _):
        for p in range(2):
            c = cp * 2 + p
            _wait_stage(p)
            _scan_chunk(c, p)

            @pl.when(c + 2 < NCHUNK)
            def _():
                _stage(c + 2, p)
        return 0

    lax.fori_loop(0, NCHUNK // 2, _chunk_pair, 0)

    pltpu.sync_copy(winner, winner_hbm.at[pl.ds(base, R)])


def _gather_body(winner_hbm, vals_hbm, out_hbm, winner, rows, gsems, wsems):
    wid = lax.axis_index("s") * NC + lax.axis_index("c")
    base = wid * R
    pltpu.sync_copy(winner_hbm.at[pl.ds(base, R)], winner)

    LAG = 2

    def _start_gather(g, b):
        pltpu.async_copy(vals_hbm.at[winner.at[pl.ds(g * GB, GB)]], rows[b], gsems[b])

    def _wait_gather(b):
        pltpu.make_async_copy(vals_hbm.at[winner.at[pl.ds(0, GB)]], rows[b], gsems[b]).wait()

    def _start_write(g, b):
        pltpu.async_copy(rows[b], out_hbm.at[pl.ds(base + g * GB, GB)], wsems[b])

    def _wait_write(b):
        pltpu.make_async_copy(rows[b], out_hbm.at[pl.ds(0, GB)], wsems[b]).wait()

    def _ring_iter(k, first):
        for b in range(RING):
            g = k * RING + b
            if not first:
                _wait_write(b)
            _start_gather(g, b)
            gr = g - LAG
            br = (b - LAG) % RING
            if not (first and b < LAG):
                _wait_gather(br)
                _start_write(gr, br)
        return 0

    _ring_iter(0, True)
    lax.fori_loop(1, GN // RING, lambda k, _: _ring_iter(k, False), 0)
    for i in range(LAG):
        g = GN - LAG + i
        b = g % RING
        _wait_gather(b)
        _start_write(g, b)
    for b in range(RING):
        _wait_write(b)


_sc_mesh = plsc.VectorSubcoreMesh(core_axis_name="c", subcore_axis_name="s")
_sc_params = pltpu.CompilerParams(
    needs_layout_passes=False, use_tc_tiling_on_sc=False
)

_winner_kernel = pl.kernel(
    _winner_body,
    out_type=jax.ShapeDtypeStruct((NSLOT,), jnp.int32),
    mesh=_sc_mesh,
    compiler_params=_sc_params,
    scratch_types=[
        [pltpu.VMEM((CHUNK,), jnp.int32) for _ in range(2)],
        [pltpu.VMEM((CHUNK,), jnp.int32) for _ in range(2)],
        [pltpu.VMEM((CHUNK,), jnp.int32) for _ in range(2)],
        [pltpu.SemaphoreType.DMA for _ in range(2)],
        pltpu.VMEM((R,), jnp.int32),
    ],
)

_gather_kernel = pl.kernel(
    _gather_body,
    out_type=jax.ShapeDtypeStruct((NSLOT, H), jnp.float32),
    mesh=_sc_mesh,
    compiler_params=_sc_params,
    scratch_types=[
        pltpu.VMEM((R,), jnp.int32),
        [pltpu.VMEM((GB, H), jnp.float32) for _ in range(RING)],
        [pltpu.SemaphoreType.DMA for _ in range(RING)],
        [pltpu.SemaphoreType.DMA for _ in range(RING)],
    ],
)


def _tr_body(x_ref, o_ref):
    ident = jnp.eye(2 * H, dtype=jnp.float32)
    xt = lax.dot_general(
        x_ref[0], ident, (((0,), (0,)), ((), ())),
        preferred_element_type=jnp.float32,
    )
    o_ref[0] = xt.reshape(A * H, 2 * H)


def _to_final(gout):
    g4 = gout.reshape(S * M // 128, 128, 32, 128)
    out3 = pl.pallas_call(
        _tr_body,
        grid=(S, M // 128),
        in_specs=[
            pl.BlockSpec((1, 128, 32, 128), lambda s, mb: (s * 2 + mb, 0, 0, 0)),
        ],
        out_specs=pl.BlockSpec((1, A * H, 128), lambda s, mb: (s, 0, mb)),
        out_shape=jax.ShapeDtypeStruct((S, A * H, M), jnp.float32),
    )(g4)
    return out3.reshape(S, A, H, M).transpose(0, 3, 1, 2)


@jax.jit
def kernel(attrib_value_feats, W, sample_idx, node_idx, attrib_idx):
    winner = _winner_kernel(sample_idx, node_idx, attrib_idx)
    vals_wide = _encode_vals(attrib_value_feats, W)
    table = vals_wide.reshape(2 * (N + PAD), H)
    out = _gather_kernel(winner, table)
    return _to_final(out)

# --- scband reference (transcript-rebuilt; emitter-appended) ---
"""Pipeline reference for scband-attribs-encoder-38525856645682 (READ-ONLY COPY).

The authoritative reference and input builder live on the scoring server;
editing this copy changes nothing except your own understanding.
"""

import jax, jax.numpy as jnp
import numpy as np

# Constants mirroring the module config:
# sampleCount S, max_node_count M, attrCount A = len(attribsVocab),
# attrVecLen H = attribValueEncoder.hidden_size, encoder input dim DIN,
# N = total number of (node, attribute) occurrences across all XML trees,
# flattened out of the python triple-loop in the original forward.
S, M, A, H, DIN, N = 32, 256, 64, 64, 128, 262144


def setup_inputs(seed: int = 0) -> dict:
    key = jax.random.key(seed)
    k1, k2, k3, k4, k5 = jax.random.split(key, 5)
    return {
        # raw features of each attribute value string (encoder input)
        "attrib_value_feats": jax.random.normal(k1, (N, DIN), dtype=jnp.float32),
        # attribValueEncoder parameters (linear + tanh encoder proxy)
        "W": jax.random.normal(k2, (DIN, H), dtype=jnp.float32) * (1.0 / np.sqrt(DIN)),
        # which sample (xmlTree) each occurrence belongs to
        "sample_idx": jax.random.randint(k3, (N,), 0, S, dtype=jnp.int32),
        # node2Index[node] for each occurrence
        "node_idx": jax.random.randint(k4, (N,), 0, M, dtype=jnp.int32),
        # attribsVocab.stoi[attribName] for each occurrence
        "attrib_idx": jax.random.randint(k5, (N,), 0, A, dtype=jnp.int32),
    }


def reference(attrib_value_feats, W, sample_idx, node_idx, attrib_idx):
    # attribValueEncoder applied to every attribute value occurrence
    vals = jnp.tanh(attrib_value_feats @ W)  # [N, H]
    # retval = torch.zeros([S, M, A, H]); retval[s, n, a] = attribVec
    retval = jnp.zeros((S, M, A, H), dtype=jnp.float32)
    retval = retval.at[sample_idx, node_idx, attrib_idx].set(vals)
    return retval

if __name__ == "__main__":
    import jax
    _d = setup_inputs()
    print(jax.jit(kernel)(*tuple(_d.values())))

</pallas_src>

<mosaic_0001>
#map = affine_map<(d0, d1) -> (0)>
module attributes {stable_mosaic.version = 14 : i64} {
  func.func @_winner_body(%arg0: i32, %arg1: i32, %arg2: memref<262144xi32, #tpu.memory_space<hbm>>, %arg3: memref<262144xi32, #tpu.memory_space<hbm>>, %arg4: memref<262144xi32, #tpu.memory_space<hbm>>, %arg5: memref<524288xi32, #tpu.memory_space<hbm>>, %arg6: memref<8192xi32, #tpu.memory_space<vmem>>, %arg7: memref<8192xi32, #tpu.memory_space<vmem>>, %arg8: memref<8192xi32, #tpu.memory_space<vmem>>, %arg9: memref<8192xi32, #tpu.memory_space<vmem>>, %arg10: memref<8192xi32, #tpu.memory_space<vmem>>, %arg11: memref<8192xi32, #tpu.memory_space<vmem>>, %arg12: memref<!tpu.dma_semaphore, #tpu.memory_space<semaphore_mem>>, %arg13: memref<!tpu.dma_semaphore, #tpu.memory_space<semaphore_mem>>, %arg14: memref<16384xi32, #tpu.memory_space<vmem>>) attributes {dimension_semantics = [#tpu.dimension_semantics<core_parallel>, #tpu.dimension_semantics<subcore_parallel>], iteration_bounds = array<i64: 2, 16>, scalar_prefetch = 0 : i64, scratch_operands = 9 : i64, tpu.core_type = #tpu.core_type<sc_vector_subcore>, window_params = [{transform_indices = #map}, {transform_indices = #map}, {transform_indices = #map}, {transform_indices = #map}]} {
    %mul3A = arith.constant 2 : i32
    %mul3A_0 = arith.muli %arg1, %mul3A : i32
    %add3A = arith.addi %mul3A_0, %arg0 : i32
    %mul3A_1 = arith.constant 16384 : i32
    %mul3A_2 = arith.muli %add3A, %mul3A_1 : i32
    %scan3A = arith.constant 0 : i32
    %scan3A_3 = arith.constant 0 : i32
    %scan3A_4 = arith.constant 1024 : i32
    %scan3A_5 = arith.addi %scan3A_3, %scan3A_4 : i32
    %scan3A_6 = arith.constant 1 : i32
    %scan3A_7 = scf.for %scan3A_39 = %scan3A_3 to %scan3A_5 step %scan3A_6 iter_args(%scan3A_40 = %scan3A) -> (i32)  : i32 {
      %mul3A_41 = arith.constant 16 : i32
      %mul3A_42 = arith.muli %scan3A_39, %mul3A_41 : i32
      %and3A = arith.constant 1023 : i32
      %and3A_43 = arith.andi %mul3A_42, %and3A : i32
      %mul3A_44 = arith.constant 2 : i32
      %mul3A_45 = arith.muli %mul3A_44, %and3A_43 : i32
      %add3A_46 = arith.constant 524288 : i32
      %add3A_47 = arith.addi %add3A_46, %mul3A_45 : i32
      %broadcast_in_dim3A = vector.broadcast %add3A_47 : i32 to vector<16xi32>
      %iota3A = tpu.iota {dimensions = array<i32: 0>} : vector<16xi32>
      %mul3A_48 = arith.constant 2 : i32
      %mul3A_49 = vector.broadcast %mul3A_48 : i32 to vector<16xi32>
      %mul3A_50 = arith.muli %iota3A, %mul3A_49 : vector<16xi32>
      %add3A_51 = arith.addi %broadcast_in_dim3A, %mul3A_50 : vector<16xi32>
      %mul3A_52 = arith.constant 16 : i32
      %mul3A_53 = arith.muli %scan3A_39, %mul3A_52 : i32
      %swap3A = arith.index_cast %mul3A_53 : i32 to index
      %swap3A_54 = tpu.vector_load %arg14[%swap3A] {strides = array<i32>} : memref<16384xi32, #tpu.memory_space<vmem>>, vector<16xi32>,
      tpu.vector_store %arg14[%swap3A], %add3A_51 {strides = array<i32>} : memref<16384xi32, #tpu.memory_space<vmem>>, vector<16xi32>,
      %scan3A_55 = arith.constant 0 : i32
      scf.yield %scan3A_55 : i32
    }
    %scan3A_8 = arith.constant 1024 : i32
    %dma_start3A = arith.constant 0 : i32
    %dma_start3A_9 = tpu.memref_slice %arg2[%dma_start3A] : memref<262144xi32, #tpu.memory_space<hbm>> -> memref<8192xi32, #tpu.memory_space<hbm>>
    %dma_start3A_10 = arith.constant 0 : i32
    %dma_start3A_11 = tpu.memref_slice %arg2[%dma_start3A_10] : memref<262144xi32, #tpu.memory_space<hbm>> -> memref<8192xi32, #tpu.memory_space<hbm>>
    tpu.enqueue_dma source(%dma_start3A_11 : memref<8192xi32, #tpu.memory_space<hbm>>) target(%arg6 : memref<8192xi32, #tpu.memory_space<vmem>>) target_semaphore(%arg12 : memref<!tpu.dma_semaphore, #tpu.memory_space<semaphore_mem>>)
    %dma_start3A_12 = arith.constant 0 : i32
    %dma_start3A_13 = tpu.memref_slice %arg3[%dma_start3A_12] : memref<262144xi32, #tpu.memory_space<hbm>> -> memref<8192xi32, #tpu.memory_space<hbm>>
    %dma_start3A_14 = arith.constant 0 : i32
    %dma_start3A_15 = tpu.memref_slice %arg3[%dma_start3A_14] : memref<262144xi32, #tpu.memory_space<hbm>> -> memref<8192xi32, #tpu.memory_space<hbm>>
    tpu.enqueue_dma source(%dma_start3A_15 : memref<8192xi32, #tpu.memory_space<hbm>>) target(%arg8 : memref<8192xi32, #tpu.memory_space<vmem>>) target_semaphore(%arg12 : memref<!tpu.dma_semaphore, #tpu.memory_space<semaphore_mem>>)
    %dma_start3A_16 = arith.constant 0 : i32
    %dma_start3A_17 = tpu.memref_slice %arg4[%dma_start3A_16] : memref<262144xi32, #tpu.memory_space<hbm>> -> memref<8192xi32, #tpu.memory_space<hbm>>
    %dma_start3A_18 = arith.constant 0 : i32
    %dma_start3A_19 = tpu.memref_slice %arg4[%dma_start3A_18] : memref<262144xi32, #tpu.memory_space<hbm>> -> memref<8192xi32, #tpu.memory_space<hbm>>
    tpu.enqueue_dma source(%dma_start3A_19 : memref<8192xi32, #tpu.memory_space<hbm>>) target(%arg10 : memref<8192xi32, #tpu.memory_space<vmem>>) target_semaphore(%arg12 : memref<!tpu.dma_semaphore, #tpu.memory_space<semaphore_mem>>)
    %dma_start3A_20 = arith.constant 8192 : i32
    %dma_start3A_21 = tpu.memref_slice %arg2[%dma_start3A_20] : memref<262144xi32, #tpu.memory_space<hbm>> -> memref<8192xi32, #tpu.memory_space<hbm>>
    %dma_start3A_22 = arith.constant 8192 : i32
    %dma_start3A_23 = tpu.memref_slice %arg2[%dma_start3A_22] : memref<262144xi32, #tpu.memory_space<hbm>> -> memref<8192xi32, #tpu.memory_space<hbm>>
    tpu.enqueue_dma source(%dma_start3A_23 : memref<8192xi32, #tpu.memory_space<hbm>>) target(%arg7 : memref<8192xi32, #tpu.memory_space<vmem>>) target_semaphore(%arg13 : memref<!tpu.dma_semaphore, #tpu.memory_space<semaphore_mem>>)
    %dma_start3A_24 = arith.constant 8192 : i32
    %dma_start3A_25 = tpu.memref_slice %arg3[%dma_start3A_24] : memref<262144xi32, #tpu.memory_space<hbm>> -> memref<8192xi32, #tpu.memory_space<hbm>>
    %dma_start3A_26 = arith.constant 8192 : i32
    %dma_start3A_27 = tpu.memref_slice %arg3[%dma_start3A_26] : memref<262144xi32, #tpu.memory_space<hbm>> -> memref<8192xi32, #tpu.memory_space<hbm>>
    tpu.enqueue_dma source(%dma_start3A_27 : memref<8192xi32, #tpu.memory_space<hbm>>) target(%arg9 : memref<8192xi32, #tpu.memory_space<vmem>>) target_semaphore(%arg13 : memref<!tpu.dma_semaphore, #tpu.memory_space<semaphore_mem>>)
    %dma_start3A_28 = arith.constant 8192 : i32
    %dma_start3A_29 = tpu.memref_slice %arg4[%dma_start3A_28] : memref<262144xi32, #tpu.memory_space<hbm>> -> memref<8192xi32, #tpu.memory_space<hbm>>
    %dma_start3A_30 = arith.constant 8192 : i32
    %dma_start3A_31 = tpu.memref_slice %arg4[%dma_start3A_30] : memref<262144xi32, #tpu.memory_space<hbm>> -> memref<8192xi32, #tpu.memory_space<hbm>>
    tpu.enqueue_dma source(%dma_start3A_31 : memref<8192xi32, #tpu.memory_space<hbm>>) target(%arg11 : memref<8192xi32, #tpu.memory_space<vmem>>) target_semaphore(%arg13 : memref<!tpu.dma_semaphore, #tpu.memory_space<semaphore_mem>>)
    %scan3A_32 = arith.constant 0 : i32
    %scan3A_33 = arith.constant 0 : i32
    %scan3A_34 = arith.constant 16 : i32
    %scan3A_35 = arith.addi %scan3A_33, %scan3A_34 : i32
    %scan3A_36 = arith.constant 1 : i32
    %scan3A_37 = scf.for %scan3A_39 = %scan3A_33 to %scan3A_35 step %scan3A_36 iter_args(%scan3A_40 = %scan3A_32) -> (i32)  : i32 {
      %mul3A_41 = arith.constant 2 : i32
      %mul3A_42 = arith.muli %scan3A_39, %mul3A_41 : i32
      %add3A_43 = arith.constant 0 : i32
      %add3A_44 = arith.addi %mul3A_42, %add3A_43 : i32
      %dma_wait3A = arith.constant 0 : i32
      %dma_wait3A_45 = tpu.memref_slice %arg2[%dma_wait3A] : memref<262144xi32, #tpu.memory_space<hbm>> -> memref<8192xi32, #tpu.memory_space<hbm>>
      %dma_wait3A_46 = arith.constant 0 : i32
      %dma_wait3A_47 = tpu.memref_slice %arg2[%dma_wait3A_46] : memref<262144xi32, #tpu.memory_space<hbm>> -> memref<8192xi32, #tpu.memory_space<hbm>>
      tpu.wait_dma2 semaphore(%arg12 : memref<!tpu.dma_semaphore, #tpu.memory_space<semaphore_mem>>) src(%dma_wait3A_47 : memref<8192xi32, #tpu.memory_space<hbm>>) dst(%arg6 : memref<8192xi32, #tpu.memory_space<vmem>>)
      %dma_wait3A_48 = arith.constant 0 : i32
      %dma_wait3A_49 = tpu.memref_slice %arg3[%dma_wait3A_48] : memref<262144xi32, #tpu.memory_space<hbm>> -> memref<8192xi32, #tpu.memory_space<hbm>>
      %dma_wait3A_50 = arith.constant 0 : i32
      %dma_wait3A_51 = tpu.memref_slice %arg3[%dma_wait3A_50] : memref<262144xi32, #tpu.memory_space<hbm>> -> memref<8192xi32, #tpu.memory_space<hbm>>
      tpu.wait_dma2 semaphore(%arg12 : memref<!tpu.dma_semaphore, #tpu.memory_space<semaphore_mem>>) src(%dma_wait3A_51 : memref<8192xi32, #tpu.memory_space<hbm>>) dst(%arg8 : memref<8192xi32, #tpu.memory_space<vmem>>)
      %dma_wait3A_52 = arith.constant 0 : i32
      %dma_wait3A_53 = tpu.memref_slice %arg4[%dma_wait3A_52] : memref<262144xi32, #tpu.memory_space<hbm>> -> memref<8192xi32, #tpu.memory_space<hbm>>
      %dma_wait3A_54 = arith.constant 0 : i32
      %dma_wait3A_55 = tpu.memref_slice %arg4[%dma_wait3A_54] : memref<262144xi32, #tpu.memory_space<hbm>> -> memref<8192xi32, #tpu.memory_space<hbm>>
      tpu.wait_dma2 semaphore(%arg12 : memref<!tpu.dma_semaphore, #tpu.memory_space<semaphore_mem>>) src(%dma_wait3A_55 : memref<8192xi32, #tpu.memory_space<hbm>>) dst(%arg10 : memref<8192xi32, #tpu.memory_space<vmem>>)
      %mul3A_56 = arith.constant 8192 : i32
      %mul3A_57 = arith.muli %add3A_44, %mul3A_56 : i32
      %scan3A_58 = arith.constant 0 : i32
      %scan3A_59 = arith.constant 0 : i32
      %scan3A_60 = arith.constant 32 : i32
      %scan3A_61 = arith.addi %scan3A_59, %scan3A_60 : i32
      %scan3A_62 = arith.constant 1 : i32
      %scan3A_63 = scf.for %scan3A_102 = %scan3A_59 to %scan3A_61 step %scan3A_62 iter_args(%scan3A_103 = %scan3A_58) -> (i32)  : i32 {
        %mul3A_104 = arith.constant 256 : i32
        %mul3A_105 = arith.muli %scan3A_102, %mul3A_104 : i32
        %add3A_106 = arith.constant 0 : i32
        %add3A_107 = arith.addi %mul3A_105, %add3A_106 : i32
        %get3A = arith.index_cast %add3A_107 : i32 to index
        %get3A_108 = tpu.vector_load %arg6[%get3A] {strides = array<i32>} : memref<8192xi32, #tpu.memory_space<vmem>>, vector<16xi32>,
        %get3A_109 = arith.index_cast %add3A_107 : i32 to index
        %get3A_110 = tpu.vector_load %arg8[%get3A_109] {strides = array<i32>} : memref<8192xi32, #tpu.memory_space<vmem>>, vector<16xi32>,
        %get3A_111 = arith.index_cast %add3A_107 : i32 to index
        %get3A_112 = tpu.vector_load %arg10[%get3A_111] {strides = array<i32>} : memref<8192xi32, #tpu.memory_space<vmem>>, vector<16xi32>,
        %mul3A_113 = arith.constant 16384 : i32
        %mul3A_114 = vector.broadcast %mul3A_113 : i32 to vector<16xi32>
        %mul3A_115 = arith.muli %get3A_108, %mul3A_114 : vector<16xi32>
        %mul3A_116 = arith.constant 64 : i32
        %mul3A_117 = vector.broadcast %mul3A_116 : i32 to vector<16xi32>
        %mul3A_118 = arith.muli %get3A_110, %mul3A_117 : vector<16xi32>
        %add3A_119 = arith.addi %mul3A_115, %mul3A_118 : vector<16xi32>
        %add3A_120 = arith.addi %add3A_119, %get3A_112 : vector<16xi32>
        %add3A_121 = arith.addi %mul3A_57, %add3A_107 : i32
        %mul3A_122 = arith.constant 2 : i32
        %mul3A_123 = arith.muli %mul3A_122, %add3A_121 : i32
        %broadcast_in_dim3A = vector.broadcast %mul3A_123 : i32 to vector<16xi32>
        %iota3A = tpu.iota {dimensions = array<i32: 0>} : vector<16xi32>
        %mul3A_124 = arith.constant 2 : i32
        %mul3A_125 = vector.broadcast %mul3A_124 : i32 to vector<16xi32>
        %mul3A_126 = arith.muli %iota3A, %mul3A_125 : vector<16xi32>
        %add3A_127 = arith.addi %broadcast_in_dim3A, %mul3A_126 : vector<16xi32>
        %sub3A = vector.broadcast %mul3A_2 : i32 to vector<16xi32>
        %sub3A_128 = arith.subi %add3A_120, %sub3A : vector<16xi32>
        %bitcast3A = vector.bitcast %sub3A_128 : vector<16xi32> to vector<16xi32>
        %lt3A_129 = arith.constant 16384 : i32
        %lt3A_130 = vector.broadcast %lt3A_129 : i32 to vector<16xi32>
        %lt3A_131 = arith.cmpi ult, %bitcast3A, %lt3A_130 : vector<16xi32>
        %and3A = arith.constant 16383 : i32
        %and3A_132 = vector.broadcast %and3A : i32 to vector<16xi32>
        %and3A_133 = arith.andi %sub3A_128, %and3A_132 : vector<16xi32>
        tpu.vector_store_idx %arg14[%and3A_133], %add3A_127 masked %lt3A_131 : memref<16384xi32, #tpu.memory_space<vmem>>[vector<16xi32>], vector<16xi32>, vector<16xi1>
        %mul3A_134 = arith.constant 256 : i32
        %mul3A_135 = arith.muli %scan3A_102, %mul3A_134 : i32
        %add3A_136 = arith.constant 16 : i32
        %add3A_137 = arith.addi %mul3A_135, %add3A_136 : i32
        %get3A_138 = arith.index_cast %add3A_137 : i32 to index
        %get3A_139 = tpu.vector_load %arg6[%get3A_138] {strides = array<i32>} : memref<8192xi32, #tpu.memory_space<vmem>>, vector<16xi32>,
        %get3A_140 = arith.index_cast %add3A_137 : i32 to index
        %get3A_141 = tpu.vector_load %arg8[%get3A_140] {strides = array<i32>} : memref<8192xi32, #tpu.memory_space<vmem>>, vector<16xi32>,
        %get3A_142 = arith.index_cast %add3A_137 : i32 to index
        %get3A_143 = tpu.vector_load %arg10[%get3A_142] {strides = array<i32>} : memref<8192xi32, #tpu.memory_space<vmem>>, vector<16xi32>,
        %mul3A_144 = arith.constant 16384 : i32
        %mul3A_145 = vector.broadcast %mul3A_144 : i32 to vector<16xi32>
        %mul3A_146 = arith.muli %get3A_139, %mul3A_145 : vector<16xi32>
        %mul3A_147 = arith.constant 64 : i32
        %mul3A_148 = vector.broadcast %mul3A_147 : i32 to vector<16xi32>
        %mul3A_149 = arith.muli %get3A_141, %mul3A_148 : vector<16xi32>
        %add3A_150 = arith.addi %mul3A_146, %mul3A_149 : vector<16xi32>
        %add3A_151 = arith.addi %add3A_150, %get3A_143 : vector<16xi32>
        %add3A_152 = arith.addi %mul3A_57, %add3A_137 : i32
        %mul3A_153 = arith.constant 2 : i32
        %mul3A_154 = arith.muli %mul3A_153, %add3A_152 : i32
        %broadcast_in_dim3A_155 = vector.broadcast %mul3A_154 : i32 to vector<16xi32>
        %iota3A_156 = tpu.iota {dimensions = array<i32: 0>} : vector<16xi32>
        %mul3A_157 = arith.constant 2 : i32
        %mul3A_158 = vector.broadcast %mul3A_157 : i32 to vector<16xi32>
        %mul3A_159 = arith.muli %iota3A_156, %mul3A_158 : vector<16xi32>
        %add3A_160 = arith.addi %broadcast_in_dim3A_155, %mul3A_159 : vector<16xi32>
        %sub3A_161 = vector.broadcast %mul3A_2 : i32 to vector<16xi32>
        %sub3A_162 = arith.subi %add3A_151, %sub3A_161 : vector<16xi32>
        %bitcast3A_163 = vector.bitcast %sub3A_162 : vector<16xi32> to vector<16xi32>
        %lt3A_164 = arith.constant 16384 : i32
        %lt3A_165 = vector.broadcast %lt3A_164 : i32 to vector<16xi32>
        %lt3A_166 = arith.cmpi ult, %bitcast3A_163, %lt3A_165 : vector<16xi32>
        %and3A_167 = arith.constant 16383 : i32
        %and3A_168 = vector.broadcast %and3A_167 : i32 to vector<16xi32>
        %and3A_169 = arith.andi %sub3A_162, %and3A_168 : vector<16xi32>
        tpu.vector_store_idx %arg14[%and3A_169], %add3A_160 masked %lt3A_166 : memref<16384xi32, #tpu.memory_space<vmem>>[vector<16xi32>], vector<16xi32>, vector<16xi1>
        %mul3A_170 = arith.constant 256 : i32
        %mul3A_171 = arith.muli %scan3A_102, %mul3A_170 : i32
        %add3A_172 = arith.constant 32 : i32
        %add3A_173 = arith.addi %mul3A_171, %add3A_172 : i32
        %get3A_174 = arith.index_cast %add3A_173 : i32 to index
        %get3A_175 = tpu.vector_load %arg6[%get3A_174] {strides = array<i32>} : memref<8192xi32, #tpu.memory_space<vmem>>, vector<16xi32>,
        %get3A_176 = arith.index_cast %add3A_173 : i32 to index
        %get3A_177 = tpu.vector_load %arg8[%get3A_176] {strides = array<i32>} : memref<8192xi32, #tpu.memory_space<vmem>>, vector<16xi32>,
        %get3A_178 = arith.index_cast %add3A_173 : i32 to index
        %get3A_179 = tpu.vector_load %arg10[%get3A_178] {strides = array<i32>} : memref<8192xi32, #tpu.memory_space<vmem>>, vector<16xi32>,
        %mul3A_180 = arith.constant 16384 : i32
        %mul3A_181 = vector.broadcast %mul3A_180 : i32 to vector<16xi32>
        %mul3A_182 = arith.muli %get3A_175, %mul3A_181 : vector<16xi32>
        %mul3A_183 = arith.constant 64 : i32
        %mul3A_184 = vector.broadcast %mul3A_183 : i32 to vector<16xi32>
        %mul3A_185 = arith.muli %get3A_177, %mul3A_184 : vector<16xi32>
        %add3A_186 = arith.addi %mul3A_182, %mul3A_185 : vector<16xi32>
        %add3A_187 = arith.addi %add3A_186, %get3A_179 : vector<16xi32>
        %add3A_188 = arith.addi %mul3A_57, %add3A_173 : i32
        %mul3A_189 = arith.constant 2 : i32
        %mul3A_190 = arith.muli %mul3A_189, %add3A_188 : i32
        %broadcast_in_dim3A_191 = vector.broadcast %mul3A_190 : i32 to vector<16xi32>
        %iota3A_192 = tpu.iota {dimensions = array<i32: 0>} : vector<16xi32>
        %mul3A_193 = arith.constant 2 : i32
        %mul3A_194 = vector.broadcast %mul3A_193 : i32 to vector<16xi32>
        %mul3A_195 = arith.muli %iota3A_192, %mul3A_194 : vector<16xi32>
        %add3A_196 = arith.addi %broadcast_in_dim3A_191, %mul3A_195 : vector<16xi32>
        %sub3A_197 = vector.broadcast %mul3A_2 : i32 to vector<16xi32>
        %sub3A_198 = arith.subi %add3A_187, %sub3A_197 : vector<16xi32>
        %bitcast3A_199 = vector.bitcast %sub3A_198 : vector<16xi32> to vector<16xi32>
        %lt3A_200 = arith.constant 16384 : i32
        %lt3A_201 = vector.broadcast %lt3A_200 : i32 to vector<16xi32>
        %lt3A_202 = arith.cmpi ult, %bitcast3A_199, %lt3A_201 : vector<16xi32>
        %and3A_203 = arith.constant 16383 : i32
        %and3A_204 = vector.broadcast %and3A_203 : i32 to vector<16xi32>
        %and3A_205 = arith.andi %sub3A_198, %and3A_204 : vector<16xi32>
        tpu.vector_store_idx %arg14[%and3A_205], %add3A_196 masked %lt3A_202 : memref<16384xi32, #tpu.memory_space<vmem>>[vector<16xi32>], vector<16xi32>, vector<16xi1>
        %mul3A_206 = arith.constant 256 : i32
        %mul3A_207 = arith.muli %scan3A_102, %mul3A_206 : i32
        %add3A_208 = arith.constant 48 : i32
        %add3A_209 = arith.addi %mul3A_207, %add3A_208 : i32
        %get3A_210 = arith.index_cast %add3A_209 : i32 to index
        %get3A_211 = tpu.vector_load %arg6[%get3A_210] {strides = array<i32>} : memref<8192xi32, #tpu.memory_space<vmem>>, vector<16xi32>,
        %get3A_212 = arith.index_cast %add3A_209 : i32 to index
        %get3A_213 = tpu.vector_load %arg8[%get3A_212] {strides = array<i32>} : memref<8192xi32, #tpu.memory_space<vmem>>, vector<16xi32>,
        %get3A_214 = arith.index_cast %add3A_209 : i32 to index
        %get3A_215 = tpu.vector_load %arg10[%get3A_214] {strides = array<i32>} : memref<8192xi32, #tpu.memory_space<vmem>>, vector<16xi32>,
        %mul3A_216 = arith.constant 16384 : i32
        %mul3A_217 = vector.broadcast %mul3A_216 : i32 to vector<16xi32>
        %mul3A_218 = arith.muli %get3A_211, %mul3A_217 : vector<16xi32>
        %mul3A_219 = arith.constant 64 : i32
        %mul3A_220 = vector.broadcast %mul3A_219 : i32 to vector<16xi32>
        %mul3A_221 = arith.muli %get3A_213, %mul3A_220 : vector<16xi32>
        %add3A_222 = arith.addi %mul3A_218, %mul3A_221 : vector<16xi32>
        %add3A_223 = arith.addi %add3A_222, %get3A_215 : vector<16xi32>
        %add3A_224 = arith.addi %mul3A_57, %add3A_209 : i32
        %mul3A_225 = arith.constant 2 : i32
        %mul3A_226 = arith.muli %mul3A_225, %add3A_224 : i32
        %broadcast_in_dim3A_227 = vector.broadcast %mul3A_226 : i32 to vector<16xi32>
        %iota3A_228 = tpu.iota {dimensions = array<i32: 0>} : vector<16xi32>
        %mul3A_229 = arith.constant 2 : i32
        %mul3A_230 = vector.broadcast %mul3A_229 : i32 to vector<16xi32>
        %mul3A_231 = arith.muli %iota3A_228, %mul3A_230 : vector<16xi32>
        %add3A_232 = arith.addi %broadcast_in_dim3A_227, %mul3A_231 : vector<16xi32>
        %sub3A_233 = vector.broadcast %mul3A_2 : i32 to vector<16xi32>
        %sub3A_234 = arith.subi %add3A_223, %sub3A_233 : vector<16xi32>
        %bitcast3A_235 = vector.bitcast %sub3A_234 : vector<16xi32> to vector<16xi32>
        %lt3A_236 = arith.constant 16384 : i32
        %lt3A_237 = vector.broadcast %lt3A_236 : i32 to vector<16xi32>
        %lt3A_238 = arith.cmpi ult, %bitcast3A_235, %lt3A_237 : vector<16xi32>
        %and3A_239 = arith.constant 16383 : i32
        %and3A_240 = vector.broadcast %and3A_239 : i32 to vector<16xi32>
        %and3A_241 = arith.andi %sub3A_234, %and3A_240 : vector<16xi32>
        tpu.vector_store_idx %arg14[%and3A_241], %add3A_232 masked %lt3A_238 : memref<16384xi32, #tpu.memory_space<vmem>>[vector<16xi32>], vector<16xi32>, vector<16xi1>
        %mul3A_242 = arith.constant 256 : i32
        %mul3A_243 = arith.muli %scan3A_102, %mul3A_242 : i32
        %add3A_244 = arith.constant 64 : i32
        %add3A_245 = arith.addi %mul3A_243, %add3A_244 : i32
        %get3A_246 = arith.index_cast %add3A_245 : i32 to index
        %get3A_247 = tpu.vector_load %arg6[%get3A_246] {strides = array<i32>} : memref<8192xi32, #tpu.memory_space<vmem>>, vector<16xi32>,
        %get3A_248 = arith.index_cast %add3A_245 : i32 to index
        %get3A_249 = tpu.vector_load %arg8[%get3A_248] {strides = array<i32>} : memref<8192xi32, #tpu.memory_space<vmem>>, vector<16xi32>,
        %get3A_250 = arith.index_cast %add3A_245 : i32 to index
        %get3A_251 = tpu.vector_load %arg10[%get3A_250] {strides = array<i32>} : memref<8192xi32, #tpu.memory_space<vmem>>, vector<16xi32>,
        %mul3A_252 = arith.constant 16384 : i32
        %mul3A_253 = vector.broadcast %mul3A_252 : i32 to vector<16xi32>
        %mul3A_254 = arith.muli %get3A_247, %mul3A_253 : vector<16xi32>
        %mul3A_255 = arith.constant 64 : i32
        %mul3A_256 = vector.broadcast %mul3A_255 : i32 to vector<16xi32>
        %mul3A_257 = arith.muli %get3A_249, %mul3A_256 : vector<16xi32>
        %add3A_258 = arith.addi %mul3A_254, %mul3A_257 : vector<16xi32>
        %add3A_259 = arith.addi %add3A_258, %get3A_251 : vector<16xi32>
        %add3A_260 = arith.addi %mul3A_57, %add3A_245 : i32
        %mul3A_261 = arith.constant 2 : i32
        %mul3A_262 = arith.muli %mul3A_261, %add3A_260 : i32
        %broadcast_in_dim3A_263 = vector.broadcast %mul3A_262 : i32 to vector<16xi32>
        %iota3A_264 = tpu.iota {dimensions = array<i32: 0>} : vector<16xi32>
        %mul3A_265 = arith.constant 2 : i32
        %mul3A_266 = vector.broadcast %mul3A_265 : i32 to vector<16xi32>
        %mul3A_267 = arith.muli %iota3A_264, %mul3A_266 : vector<16xi32>
        %add3A_268 = arith.addi %broadcast_in_dim3A_263, %mul3A_267 : vector<16xi32>
        %sub3A_269 = vector.broadcast %mul3A_2 : i32 to vector<16xi32>
        %sub3A_270 = arith.subi %add3A_259, %sub3A_269 : vector<16xi32>
        %bitcast3A_271 = vector.bitcast %sub3A_270 : vector<16xi32> to vector<16xi32>
        %lt3A_272 = arith.constant 16384 : i32
        %lt3A_273 = vector.broadcast %lt3A_272 : i32 to vector<16xi32>
        %lt3A_274 = arith.cmpi ult, %bitcast3A_271, %lt3A_273 : vector<16xi32>
        %and3A_275 = arith.constant 16383 : i32
        %and3A_276 = vector.broadcast %and3A_275 : i32 to vector<16xi32>
        %and3A_277 = arith.andi %sub3A_270, %and3A_276 : vector<16xi32>
        tpu.vector_store_idx %arg14[%and3A_277], %add3A_268 masked %lt3A_274 : memref<16384xi32, #tpu.memory_space<vmem>>[vector<16xi32>], vector<16xi32>, vector<16xi1>
        %mul3A_278 = arith.constant 256 : i32
        %mul3A_279 = arith.muli %scan3A_102, %mul3A_278 : i32
        %add3A_280 = arith.constant 80 : i32
        %add3A_281 = arith.addi %mul3A_279, %add3A_280 : i32
        %get3A_282 = arith.index_cast %add3A_281 : i32 to index
        %get3A_283 = tpu.vector_load %arg6[%get3A_282] {strides = array<i32>} : memref<8192xi32, #tpu.memory_space<vmem>>, vector<16xi32>,
        %get3A_284 = arith.index_cast %add3A_281 : i32 to index
        %get3A_285 = tpu.vector_load %arg8[%get3A_284] {strides = array<i32>} : memref<8192xi32, #tpu.memory_space<vmem>>, vector<16xi32>,
        %get3A_286 = arith.index_cast %add3A_281 : i32 to index
        %get3A_287 = tpu.vector_load %arg10[%get3A_286] {strides = array<i32>} : memref<8192xi32, #tpu.memory_space<vmem>>, vector<16xi32>,
        %mul3A_288 = arith.constant 16384 : i32
        %mul3A_289 = vector.broadcast %mul3A_288 : i32 to vector<16xi32>
        %mul3A_290 = arith.muli %get3A_283, %mul3A_289 : vector<16xi32>
        %mul3A_291 = arith.constant 64 : i32
        %mul3A_292 = vector.broadcast %mul3A_291 : i32 to vector<16xi32>
        %mul3A_293 = arith.muli %get3A_285, %mul3A_292 : vector<16xi32>
        %add3A_294 = arith.addi %mul3A_290, %mul3A_293 : vector<16xi32>
        %add3A_295 = arith.addi %add3A_294, %get3A_287 : vector<16xi32>
        %add3A_296 = arith.addi %mul3A_57, %add3A_281 : i32
        %mul3A_297 = arith.constant 2 : i32
        %mul3A_298 = arith.muli %mul3A_297, %add3A_296 : i32
        %broadcast_in_dim3A_299 = vector.broadcast %mul3A_298 : i32 to vector<16xi32>
        %iota3A_300 = tpu.iota {dimensions = array<i32: 0>} : vector<16xi32>
        %mul3A_301 = arith.constant 2 : i32
        %mul3A_302 = vector.broadcast %mul3A_301 : i32 to vector<16xi32>
        %mul3A_303 = arith.muli %iota3A_300, %mul3A_302 : vector<16xi32>
        %add3A_304 = arith.addi %broadcast_in_dim3A_299, %mul3A_303 : vector<16xi32>
        %sub3A_305 = vector.broadcast %mul3A_2 : i32 to vector<16xi32>
        %sub3A_306 = arith.subi %add3A_295, %sub3A_305 : vector<16xi32>
        %bitcast3A_307 = vector.bitcast %sub3A_306 : vector<16xi32> to vector<16xi32>
        %lt3A_308 = arith.constant 16384 : i32
        %lt3A_309 = vector.broadcast %lt3A_308 : i32 to vector<16xi32>
        %lt3A_310 = arith.cmpi ult, %bitcast3A_307, %lt3A_309 : vector<16xi32>
        %and3A_311 = arith.constant 16383 : i32
        %and3A_312 = vector.broadcast %and3A_311 : i32 to vector<16xi32>
        %and3A_313 = arith.andi %sub3A_306, %and3A_312 : vector<16xi32>
        tpu.vector_store_idx %arg14[%and3A_313], %add3A_304 masked %lt3A_310 : memref<16384xi32, #tpu.memory_space<vmem>>[vector<16xi32>], vector<16xi32>, vector<16xi1>
        %mul3A_314 = arith.constant 256 : i32
        %mul3A_315 = arith.muli %scan3A_102, %mul3A_314 : i32
        %add3A_316 = arith.constant 96 : i32
        %add3A_317 = arith.addi %mul3A_315, %add3A_316 : i32
        %get3A_318 = arith.index_cast %add3A_317 : i32 to index
        %get3A_319 = tpu.vector_load %arg6[%get3A_318] {strides = array<i32>} : memref<8192xi32, #tpu.memory_space<vmem>>, vector<16xi32>,
        %get3A_320 = arith.index_cast %add3A_317 : i32 to index
        %get3A_321 = tpu.vector_load %arg8[%get3A_320] {strides = array<i32>} : memref<8192xi32, #tpu.memory_space<vmem>>, vector<16xi32>,
        %get3A_322 = arith.index_cast %add3A_317 : i32 to index
        %get3A_323 = tpu.vector_load %arg10[%get3A_322] {strides = array<i32>} : memref<8192xi32, #tpu.memory_space<vmem>>, vector<16xi32>,
        %mul3A_324 = arith.constant 16384 : i32
        %mul3A_325 = vector.broadcast %mul3A_324 : i32 to vector<16xi32>
        %mul3A_326 = arith.muli %get3A_319, %mul3A_325 : vector<16xi32>
        %mul3A_327 = arith.constant 64 : i32
        %mul3A_328 = vector.broadcast %mul3A_327 : i32 to vector<16xi32>
        %mul3A_329 = arith.muli %get3A_321, %mul3A_328 : vector<16xi32>
        %add3A_330 = arith.addi %mul3A_326, %mul3A_329 : vector<16xi32>
        %add3A_331 = arith.addi %add3A_330, %get3A_323 : vector<16xi32>
        %add3A_332 = arith.addi %mul3A_57, %add3A_317 : i32
        %mul3A_333 = arith.constant 2 : i32
        %mul3A_334 = arith.muli %mul3A_333, %add3A_332 : i32
        %broadcast_in_dim3A_335 = vector.broadcast %mul3A_334 : i32 to vector<16xi32>
        %iota3A_336 = tpu.iota {dimensions = array<i32: 0>} : vector<16xi32>
        %mul3A_337 = arith.constant 2 : i32
        %mul3A_338 = vector.broadcast %mul3A_337 : i32 to vector<16xi32>
        %mul3A_339 = arith.muli %iota3A_336, %mul3A_338 : vector<16xi32>
        %add3A_340 = arith.addi %broadcast_in_dim3A_335, %mul3A_339 : vector<16xi32>
        %sub3A_341 = vector.broadcast %mul3A_2 : i32 to vector<16xi32>
        %sub3A_342 = arith.subi %add3A_331, %sub3A_341 : vector<16xi32>
        %bitcast3A_343 = vector.bitcast %sub3A_342 : vector<16xi32> to vector<16xi32>
        %lt3A_344 = arith.constant 16384 : i32
        %lt3A_345 = vector.broadcast %lt3A_344 : i32 to vector<16xi32>
        %lt3A_346 = arith.cmpi ult, %bitcast3A_343, %lt3A_345 : vector<16xi32>
        %and3A_347 = arith.constant 16383 : i32
        %and3A_348 = vector.broadcast %and3A_347 : i32 to vector<16xi32>
        %and3A_349 = arith.andi %sub3A_342, %and3A_348 : vector<16xi32>
        tpu.vector_store_idx %arg14[%and3A_349], %add3A_340 masked %lt3A_346 : memref<16384xi32, #tpu.memory_space<vmem>>[vector<16xi32>], vector<16xi32>, vector<16xi1>
        %mul3A_350 = arith.constant 256 : i32
        %mul3A_351 = arith.muli %scan3A_102, %mul3A_350 : i32
        %add3A_352 = arith.constant 112 : i32
        %add3A_353 = arith.addi %mul3A_351, %add3A_352 : i32
        %get3A_354 = arith.index_cast %add3A_353 : i32 to index
        %get3A_355 = tpu.vector_load %arg6[%get3A_354] {strides = array<i32>} : memref<8192xi32, #tpu.memory_space<vmem>>, vector<16xi32>,
        %get3A_356 = arith.index_cast %add3A_353 : i32 to index
        %get3A_357 = tpu.vector_load %arg8[%get3A_356] {strides = array<i32>} : memref<8192xi32, #tpu.memory_space<vmem>>, vector<16xi32>,
        %get3A_358 = arith.index_cast %add3A_353 : i32 to index
        %get3A_359 = tpu.vector_load %arg10[%get3A_358] {strides = array<i32>} : memref<8192xi32, #tpu.memory_space<vmem>>, vector<16xi32>,
        %mul3A_360 = arith.constant 16384 : i32
        %mul3A_361 = vector.broadcast %mul3A_360 : i32 to vector<16xi32>
        %mul3A_362 = arith.muli %get3A_355, %mul3A_361 : vector<16xi32>
        %mul3A_363 = arith.constant 64 : i32
        %mul3A_364 = vector.broadcast %mul3A_363 : i32 to vector<16xi32>
        %mul3A_365 = arith.muli %get3A_357, %mul3A_364 : vector<16xi32>
        %add3A_366 = arith.addi %mul3A_362, %mul3A_365 : vector<16xi32>
        %add3A_367 = arith.addi %add3A_366, %get3A_359 : vector<16xi32>
        %add3A_368 = arith.addi %mul3A_57, %add3A_353 : i32
        %mul3A_369 = arith.constant 2 : i32
        %mul3A_370 = arith.muli %mul3A_369, %add3A_368 : i32
        %broadcast_in_dim3A_371 = vector.broadcast %mul3A_370 : i32 to vector<16xi32>
        %iota3A_372 = tpu.iota {dimensions = array<i32: 0>} : vector<16xi32>
        %mul3A_373 = arith.constant 2 : i32
        %mul3A_374 = vector.broadcast %mul3A_373 : i32 to vector<16xi32>
        %mul3A_375 = arith.muli %iota3A_372, %mul3A_374 : vector<16xi32>
        %add3A_376 = arith.addi %broadcast_in_dim3A_371, %mul3A_375 : vector<16xi32>
        %sub3A_377 = vector.broadcast %mul3A_2 : i32 to vector<16xi32>
        %sub3A_378 = arith.subi %add3A_367, %sub3A_377 : vector<16xi32>
        %bitcast3A_379 = vector.bitcast %sub3A_378 : vector<16xi32> to vector<16xi32>
        %lt3A_380 = arith.constant 16384 : i32
        %lt3A_381 = vector.broadcast %lt3A_380 : i32 to vector<16xi32>
        %lt3A_382 = arith.cmpi ult, %bitcast3A_379, %lt3A_381 : vector<16xi32>
        %and3A_383 = arith.constant 16383 : i32
        %and3A_384 = vector.broadcast %and3A_383 : i32 to vector<16xi32>
        %and3A_385 = arith.andi %sub3A_378, %and3A_384 : vector<16xi32>
        tpu.vector_store_idx %arg14[%and3A_385], %add3A_376 masked %lt3A_382 : memref<16384xi32, #tpu.memory_space<vmem>>[vector<16xi32>], vector<16xi32>, vector<16xi1>
        %mul3A_386 = arith.constant 256 : i32
        %mul3A_387 = arith.muli %scan3A_102, %mul3A_386 : i32
        %add3A_388 = arith.constant 128 : i32
        %add3A_389 = arith.addi %mul3A_387, %add3A_388 : i32
        %get3A_390 = arith.index_cast %add3A_389 : i32 to index
        %get3A_391 = tpu.vector_load %arg6[%get3A_390] {strides = array<i32>} : memref<8192xi32, #tpu.memory_space<vmem>>, vector<16xi32>,
        %get3A_392 = arith.index_cast %add3A_389 : i32 to index
        %get3A_393 = tpu.vector_load %arg8[%get3A_392] {strides = array<i32>} : memref<8192xi32, #tpu.memory_space<vmem>>, vector<16xi32>,
        %get3A_394 = arith.index_cast %add3A_389 : i32 to index
        %get3A_395 = tpu.vector_load %arg10[%get3A_394] {strides = array<i32>} : memref<8192xi32, #tpu.memory_space<vmem>>, vector<16xi32>,
        %mul3A_396 = arith.constant 16384 : i32
        %mul3A_397 = vector.broadcast %mul3A_396 : i32 to vector<16xi32>
        %mul3A_398 = arith.muli %get3A_391, %mul3A_397 : vector<16xi32>
        %mul3A_399 = arith.constant 64 : i32
        %mul3A_400 = vector.broadcast %mul3A_399 : i32 to vector<16xi32>
        %mul3A_401 = arith.muli %get3A_393, %mul3A_400 : vector<16xi32>
        %add3A_402 = arith.addi %mul3A_398, %mul3A_401 : vector<16xi32>
        %add3A_403 = arith.addi %add3A_402, %get3A_395 : vector<16xi32>
        %add3A_404 = arith.addi %mul3A_57, %add3A_389 : i32
        %mul3A_405 = arith.constant 2 : i32
        %mul3A_406 = arith.muli %mul3A_405, %add3A_404 : i32
        %broadcast_in_dim3A_407 = vector.broadcast %mul3A_406 : i32 to vector<16xi32>
        %iota3A_408 = tpu.iota {dimensions = array<i32: 0>} : vector<16xi32>
        %mul3A_409 = arith.constant 2 : i32
        %mul3A_410 = vector.broadcast %mul3A_409 : i32 to vector<16xi32>
        %mul3A_411 = arith.muli %iota3A_408, %mul3A_410 : vector<16xi32>
        %add3A_412 = arith.addi %broadcast_in_dim3A_407, %mul3A_411 : vector<16xi32>
        %sub3A_413 = vector.broadcast %mul3A_2 : i32 to vector<16xi32>
        %sub3A_414 = arith.subi %add3A_403, %sub3A_413 : vector<16xi32>
        %bitcast3A_415 = vector.bitcast %sub3A_414 : vector<16xi32> to vector<16xi32>
        %lt3A_416 = arith.constant 16384 : i32
        %lt3A_417 = vector.broadcast %lt3A_416 : i32 to vector<16xi32>
        %lt3A_418 = arith.cmpi ult, %bitcast3A_415, %lt3A_417 : vector<16xi32>
        %and3A_419 = arith.constant 16383 : i32
        %and3A_420 = vector.broadcast %and3A_419 : i32 to vector<16xi32>
        %and3A_421 = arith.andi %sub3A_414, %and3A_420 : vector<16xi32>
        tpu.vector_store_idx %arg14[%and3A_421], %add3A_412 masked %lt3A_418 : memref<16384xi32, #tpu.memory_space<vmem>>[vector<16xi32>], vector<16xi32>, vector<16xi1>
        %mul3A_422 = arith.constant 256 : i32
        %mul3A_423 = arith.muli %scan3A_102, %mul3A_422 : i32
        %add3A_424 = arith.constant 144 : i32
        %add3A_425 = arith.addi %mul3A_423, %add3A_424 : i32
        %get3A_426 = arith.index_cast %add3A_425 : i32 to index
        %get3A_427 = tpu.vector_load %arg6[%get3A_426] {strides = array<i32>} : memref<8192xi32, #tpu.memory_space<vmem>>, vector<16xi32>,
        %get3A_428 = arith.index_cast %add3A_425 : i32 to index
        %get3A_429 = tpu.vector_load %arg8[%get3A_428] {strides = array<i32>} : memref<8192xi32, #tpu.memory_space<vmem>>, vector<16xi32>,
        %get3A_430 = arith.index_cast %add3A_425 : i32 to index
        %get3A_431 = tpu.vector_load %arg10[%get3A_430] {strides = array<i32>} : memref<8192xi32, #tpu.memory_space<vmem>>, vector<16xi32>,
        %mul3A_432 = arith.constant 16384 : i32
        %mul3A_433 = vector.broadcast %mul3A_432 : i32 to vector<16xi32>
        %mul3A_434 = arith.muli %get3A_427, %mul3A_433 : vector<16xi32>
        %mul3A_435 = arith.constant 64 : i32
        %mul3A_436 = vector.broadcast %mul3A_435 : i32 to vector<16xi32>
        %mul3A_437 = arith.muli %get3A_429, %mul3A_436 : vector<16xi32>
        %add3A_438 = arith.addi %mul3A_434, %mul3A_437 : vector<16xi32>
        %add3A_439 = arith.addi %add3A_438, %get3A_431 : vector<16xi32>
        %add3A_440 = arith.addi %mul3A_57, %add3A_425 : i32
        %mul3A_441 = arith.constant 2 : i32
        %mul3A_442 = arith.muli %mul3A_441, %add3A_440 : i32
        %broadcast_in_dim3A_443 = vector.broadcast %mul3A_442 : i32 to vector<16xi32>
        %iota3A_444 = tpu.iota {dimensions = array<i32: 0>} : vector<16xi32>
        %mul3A_445 = arith.constant 2 : i32
        %mul3A_446 = vector.broadcast %mul3A_445 : i32 to vector<16xi32>
        %mul3A_447 = arith.muli %iota3A_444, %mul3A_446 : vector<16xi32>
        %add3A_448 = arith.addi %broadcast_in_dim3A_443, %mul3A_447 : vector<16xi32>
        %sub3A_449 = vector.broadcast %mul3A_2 : i32 to vector<16xi32>
        %sub3A_450 = arith.subi %add3A_439, %sub3A_449 : vector<16xi32>
        %bitcast3A_451 = vector.bitcast %sub3A_450 : vector<16xi32> to vector<16xi32>
        %lt3A_452 = arith.constant 16384 : i32
        %lt3A_453 = vector.broadcast %lt3A_452 : i32 to vector<16xi32>
        %lt3A_454 = arith.cmpi ult, %bitcast3A_451, %lt3A_453 : vector<16xi32>
        %and3A_455 = arith.constant 16383 : i32
        %and3A_456 = vector.broadcast %and3A_455 : i32 to vector<16xi32>
        %and3A_457 = arith.andi %sub3A_450, %and3A_456 : vector<16xi32>
        tpu.vector_store_idx %arg14[%and3A_457], %add3A_448 masked %lt3A_454 : memref<16384xi32, #tpu.memory_space<vmem>>[vector<16xi32>], vector<16xi32>, vector<16xi1>
        %mul3A_458 = arith.constant 256 : i32
        %mul3A_459 = arith.muli %scan3A_102, %mul3A_458 : i32
        %add3A_460 = arith.constant 160 : i32
        %add3A_461 = arith.addi %mul3A_459, %add3A_460 : i32
        %get3A_462 = arith.index_cast %add3A_461 : i32 to index
        %get3A_463 = tpu.vector_load %arg6[%get3A_462] {strides = array<i32>} : memref<8192xi32, #tpu.memory_space<vmem>>, vector<16xi32>,
        %get3A_464 = arith.index_cast %add3A_461 : i32 to index
        %get3A_465 = tpu.vector_load %arg8[%get3A_464] {strides = array<i32>} : memref<8192xi32, #tpu.memory_space<vmem>>, vector<16xi32>,
        %get3A_466 = arith.index_cast %add3A_461 : i32 to index
        %get3A_467 = tpu.vector_load %arg10[%get3A_466] {strides = array<i32>} : memref<8192xi32, #tpu.memory_space<vmem>>, vector<16xi32>,
        %mul3A_468 = arith.constant 16384 : i32
        %mul3A_469 = vector.broadcast %mul3A_468 : i32 to vector<16xi32>
        %mul3A_470 = arith.muli %get3A_463, %mul3A_469 : vector<16xi32>
        %mul3A_471 = arith.constant 64 : i32
        %mul3A_472 = vector.broadcast %mul3A_471 : i32 to vector<16xi32>
        %mul3A_473 = arith.muli %get3A_465, %mul3A_472 : vector<16xi32>
        %add3A_474 = arith.addi %mul3A_470, %mul3A_473 : vector<16xi32>
        %add3A_475 = arith.addi %add3A_474, %get3A_467 : vector<16xi32>
        %add3A_476 = arith.addi %mul3A_57, %add3A_461 : i32
        %mul3A_477 = arith.constant 2 : i32
        %mul3A_478 = arith.muli %mul3A_477, %add3A_476 : i32
        %broadcast_in_dim3A_479 = vector.broadcast %mul3A_478 : i32 to vector<16xi32>
        %iota3A_480 = tpu.iota {dimensions = array<i32: 0>} : vector<16xi32>
        %mul3A_481 = arith.constant 2 : i32
        %mul3A_482 = vector.broadcast %mul3A_481 : i32 to vector<16xi32>
        %mul3A_483 = arith.muli %iota3A_480, %mul3A_482 : vector<16xi32>
        %add3A_484 = arith.addi %broadcast_in_dim3A_479, %mul3A_483 : vector<16xi32>
        %sub3A_485 = vector.broadcast %mul3A_2 : i32 to vector<16xi32>
        %sub3A_486 = arith.subi %add3A_475, %sub3A_485 : vector<16xi32>
        %bitcast3A_487 = vector.bitcast %sub3A_486 : vector<16xi32> to vector<16xi32>
        %lt3A_488 = arith.constant 16384 : i32
        %lt3A_489 = vector.broadcast %lt3A_488 : i32 to vector<16xi32>
        %lt3A_490 = arith.cmpi ult, %bitcast3A_487, %lt3A_489 : vector<16xi32>
        %and3A_491 = arith.constant 16383 : i32
        %and3A_492 = vector.broadcast %and3A_491 : i32 to vector<16xi32>
        %and3A_493 = arith.andi %sub3A_486, %and3A_492 : vector<16xi32>
        tpu.vector_store_idx %arg14[%and3A_493], %add3A_484 masked %lt3A_490 : memref<16384xi32, #tpu.memory_space<vmem>>[vector<16xi32>], vector<16xi32>, vector<16xi1>
        %mul3A_494 = arith.constant 256 : i32
        %mul3A_495 = arith.muli %scan3A_102, %mul3A_494 : i32
        %add3A_496 = arith.constant 176 : i32
        %add3A_497 = arith.addi %mul3A_495, %add3A_496 : i32
        %get3A_498 = arith.index_cast %add3A_497 : i32 to index
        %get3A_499 = tpu.vector_load %arg6[%get3A_498] {strides = array<i32>} : memref<8192xi32, #tpu.memory_space<vmem>>, vector<16xi32>,
        %get3A_500 = arith.index_cast %add3A_497 : i32 to index
        %get3A_501 = tpu.vector_load %arg8[%get3A_500] {strides = array<i32>} : memref<8192xi32, #tpu.memory_space<vmem>>, vector<16xi32>,
        %get3A_502 = arith.index_cast %add3A_497 : i32 to index
        %get3A_503 = tpu.vector_load %arg10[%get3A_502] {strides = array<i32>} : memref<8192xi32, #tpu.memory_space<vmem>>, vector<16xi32>,
        %mul3A_504 = arith.constant 16384 : i32
        %mul3A_505 = vector.broadcast %mul3A_504 : i32 to vector<16xi32>
        %mul3A_506 = arith.muli %get3A_499, %mul3A_505 : vector<16xi32>
        %mul3A_507 = arith.constant 64 : i32
        %mul3A_508 = vector.broadcast %mul3A_507 : i32 to vector<16xi32>
        %mul3A_509 = arith.muli %get3A_501, %mul3A_508 : vector<16xi32>
        %add3A_510 = arith.addi %mul3A_506, %mul3A_509 : vector<16xi32>
        %add3A_511 = arith.addi %add3A_510, %get3A_503 : vector<16xi32>
        %add3A_512 = arith.addi %mul3A_57, %add3A_497 : i32
        %mul3A_513 = arith.constant 2 : i32
        %mul3A_514 = arith.muli %mul3A_513, %add3A_512 : i32
        %broadcast_in_dim3A_515 = vector.broadcast %mul3A_514 : i32 to vector<16xi32>
        %iota3A_516 = tpu.iota {dimensions = array<i32: 0>} : vector<16xi32>
        %mul3A_517 = arith.constant 2 : i32
        %mul3A_518 = vector.broadcast %mul3A_517 : i32 to vector<16xi32>
        %mul3A_519 = arith.muli %iota3A_516, %mul3A_518 : vector<16xi32>
        %add3A_520 = arith.addi %broadcast_in_dim3A_515, %mul3A_519 : vector<16xi32>
        %sub3A_521 = vector.broadcast %mul3A_2 : i32 to vector<16xi32>
        %sub3A_522 = arith.subi %add3A_511, %sub3A_521 : vector<16xi32>
        %bitcast3A_523 = vector.bitcast %sub3A_522 : vector<16xi32> to vector<16xi32>
        %lt3A_524 = arith.constant 16384 : i32
        %lt3A_525 = vector.broadcast %lt3A_524 : i32 to vector<16xi32>
        %lt3A_526 = arith.cmpi ult, %bitcast3A_523, %lt3A_525 : vector<16xi32>
        %and3A_527 = arith.constant 16383 : i32
        %and3A_528 = vector.broadcast %and3A_527 : i32 to vector<16xi32>
        %and3A_529 = arith.andi %sub3A_522, %and3A_528 : vector<16xi32>
        tpu.vector_store_idx %arg14[%and3A_529], %add3A_520 masked %lt3A_526 : memref<16384xi32, #tpu.memory_space<vmem>>[vector<16xi32>], vector<16xi32>, vector<16xi1>
        %mul3A_530 = arith.constant 256 : i32
        %mul3A_531 = arith.muli %scan3A_102, %mul3A_530 : i32
        %add3A_532 = arith.constant 192 : i32
        %add3A_533 = arith.addi %mul3A_531, %add3A_532 : i32
        %get3A_534 = arith.index_cast %add3A_533 : i32 to index
        %get3A_535 = tpu.vector_load %arg6[%get3A_534] {strides = array<i32>} : memref<8192xi32, #tpu.memory_space<vmem>>, vector<16xi32>,
        %get3A_536 = arith.index_cast %add3A_533 : i32 to index
        %get3A_537 = tpu.vector_load %arg8[%get3A_536] {strides = array<i32>} : memref<8192xi32, #tpu.memory_space<vmem>>, vector<16xi32>,
        %get3A_538 = arith.index_cast %add3A_533 : i32 to index
        %get3A_539 = tpu.vector_load %arg10[%get3A_538] {strides = array<i32>} : memref<8192xi32, #tpu.memory_space<vmem>>, vector<16xi32>,
        %mul3A_540 = arith.constant 16384 : i32
        %mul3A_541 = vector.broadcast %mul3A_540 : i32 to vector<16xi32>
        %mul3A_542 = arith.muli %get3A_535, %mul3A_541 : vector<16xi32>
        %mul3A_543 = arith.constant 64 : i32
        %mul3A_544 = vector.broadcast %mul3A_543 : i32 to vector<16xi32>
        %mul3A_545 = arith.muli %get3A_537, %mul3A_544 : vector<16xi32>
        %add3A_546 = arith.addi %mul3A_542, %mul3A_545 : vector<16xi32>
        %add3A_547 = arith.addi %add3A_546, %get3A_539 : vector<16xi32>
        %add3A_548 = arith.addi %mul3A_57, %add3A_533 : i32
        %mul3A_549 = arith.constant 2 : i32
        %mul3A_550 = arith.muli %mul3A_549, %add3A_548 : i32
        %broadcast_in_dim3A_551 = vector.broadcast %mul3A_550 : i32 to vector<16xi32>
        %iota3A_552 = tpu.iota {dimensions = array<i32: 0>} : vector<16xi32>
        %mul3A_553 = arith.constant 2 : i32
        %mul3A_554 = vector.broadcast %mul3A_553 : i32 to vector<16xi32>
        %mul3A_555 = arith.muli %iota3A_552, %mul3A_554 : vector<16xi32>
        %add3A_556 = arith.addi %broadcast_in_dim3A_551, %mul3A_555 : vector<16xi32>
        %sub3A_557 = vector.broadcast %mul3A_2 : i32 to vector<16xi32>
        %sub3A_558 = arith.subi %add3A_547, %sub3A_557 : vector<16xi32>
        %bitcast3A_559 = vector.bitcast %sub3A_558 : vector<16xi32> to vector<16xi32>
        %lt3A_560 = arith.constant 16384 : i32
        %lt3A_561 = vector.broadcast %lt3A_560 : i32 to vector<16xi32>
        %lt3A_562 = arith.cmpi ult, %bitcast3A_559, %lt3A_561 : vector<16xi32>
        %and3A_563 = arith.constant 16383 : i32
        %and3A_564 = vector.broadcast %and3A_563 : i32 to vector<16xi32>
        %and3A_565 = arith.andi %sub3A_558, %and3A_564 : vector<16xi32>
        tpu.vector_store_idx %arg14[%and3A_565], %add3A_556 masked %lt3A_562 : memref<16384xi32, #tpu.memory_space<vmem>>[vector<16xi32>], vector<16xi32>, vector<16xi1>
        %mul3A_566 = arith.constant 256 : i32
        %mul3A_567 = arith.muli %scan3A_102, %mul3A_566 : i32
        %add3A_568 = arith.constant 208 : i32
        %add3A_569 = arith.addi %mul3A_567, %add3A_568 : i32
        %get3A_570 = arith.index_cast %add3A_569 : i32 to index
        %get3A_571 = tpu.vector_load %arg6[%get3A_570] {strides = array<i32>} : memref<8192xi32, #tpu.memory_space<vmem>>, vector<16xi32>,
        %get3A_572 = arith.index_cast %add3A_569 : i32 to index
        %get3A_573 = tpu.vector_load %arg8[%get3A_572] {strides = array<i32>} : memref<8192xi32, #tpu.memory_space<vmem>>, vector<16xi32>,
        %get3A_574 = arith.index_cast %add3A_569 : i32 to index
        %get3A_575 = tpu.vector_load %arg10[%get3A_574] {strides = array<i32>} : memref<8192xi32, #tpu.memory_space<vmem>>, vector<16xi32>,
        %mul3A_576 = arith.constant 16384 : i32
        %mul3A_577 = vector.broadcast %mul3A_576 : i32 to vector<16xi32>
        %mul3A_578 = arith.muli %get3A_571, %mul3A_577 : vector<16xi32>
        %mul3A_579 = arith.constant 64 : i32
        %mul3A_580 = vector.broadcast %mul3A_579 : i32 to vector<16xi32>
        %mul3A_581 = arith.muli %get3A_573, %mul3A_580 : vector<16xi32>
        %add3A_582 = arith.addi %mul3A_578, %mul3A_581 : vector<16xi32>
        %add3A_583 = arith.addi %add3A_582, %get3A_575 : vector<16xi32>
        %add3A_584 = arith.addi %mul3A_57, %add3A_569 : i32
        %mul3A_585 = arith.constant 2 : i32
        %mul3A_586 = arith.muli %mul3A_585, %add3A_584 : i32
        %broadcast_in_dim3A_587 = vector.broadcast %mul3A_586 : i32 to vector<16xi32>
        %iota3A_588 = tpu.iota {dimensions = array<i32: 0>} : vector<16xi32>
        %mul3A_589 = arith.constant 2 : i32
        %mul3A_590 = vector.broadcast %mul3A_589 : i32 to vector<16xi32>
        %mul3A_591 = arith.muli %iota3A_588, %mul3A_590 : vector<16xi32>
        %add3A_592 = arith.addi %broadcast_in_dim3A_587, %mul3A_591 : vector<16xi32>
        %sub3A_593 = vector.broadcast %mul3A_2 : i32 to vector<16xi32>
        %sub3A_594 = arith.subi %add3A_583, %sub3A_593 : vector<16xi32>
        %bitcast3A_595 = vector.bitcast %sub3A_594 : vector<16xi32> to vector<16xi32>
        %lt3A_596 = arith.constant 16384 : i32
        %lt3A_597 = vector.broadcast %lt3A_596 : i32 to vector<16xi32>
        %lt3A_598 = arith.cmpi ult, %bitcast3A_595, %lt3A_597 : vector<16xi32>
        %and3A_599 = arith.constant 16383 : i32
        %and3A_600 = vector.broadcast %and3A_599 : i32 to vector<16xi32>
        %and3A_601 = arith.andi %sub3A_594, %and3A_600 : vector<16xi32>
        tpu.vector_store_idx %arg14[%and3A_601], %add3A_592 masked %lt3A_598 : memref<16384xi32, #tpu.memory_space<vmem>>[vector<16xi32>], vector<16xi32>, vector<16xi1>
        %mul3A_602 = arith.constant 256 : i32
        %mul3A_603 = arith.muli %scan3A_102, %mul3A_602 : i32
        %add3A_604 = arith.constant 224 : i32
        %add3A_605 = arith.addi %mul3A_603, %add3A_604 : i32
        %get3A_606 = arith.index_cast %add3A_605 : i32 to index
        %get3A_607 = tpu.vector_load %arg6[%get3A_606] {strides = array<i32>} : memref<8192xi32, #tpu.memory_space<vmem>>, vector<16xi32>,
        %get3A_608 = arith.index_cast %add3A_605 : i32 to index
        %get3A_609 = tpu.vector_load %arg8[%get3A_608] {strides = array<i32>} : memref<8192xi32, #tpu.memory_space<vmem>>, vector<16xi32>,
        %get3A_610 = arith.index_cast %add3A_605 : i32 to index
        %get3A_611 = tpu.vector_load %arg10[%get3A_610] {strides = array<i32>} : memref<8192xi32, #tpu.memory_space<vmem>>, vector<16xi32>,
        %mul3A_612 = arith.constant 16384 : i32
        %mul3A_613 = vector.broadcast %mul3A_612 : i32 to vector<16xi32>
        %mul3A_614 = arith.muli %get3A_607, %mul3A_613 : vector<16xi32>
        %mul3A_615 = arith.constant 64 : i32
        %mul3A_616 = vector.broadcast %mul3A_615 : i32 to vector<16xi32>
        %mul3A_617 = arith.muli %get3A_609, %mul3A_616 : vector<16xi32>
        %add3A_618 = arith.addi %mul3A_614, %mul3A_617 : vector<16xi32>
        %add3A_619 = arith.addi %add3A_618, %get3A_611 : vector<16xi32>
        %add3A_620 = arith.addi %mul3A_57, %add3A_605 : i32
        %mul3A_621 = arith.constant 2 : i32
        %mul3A_622 = arith.muli %mul3A_621, %add3A_620 : i32
        %broadcast_in_dim3A_623 = vector.broadcast %mul3A_622 : i32 to vector<16xi32>
        %iota3A_624 = tpu.iota {dimensions = array<i32: 0>} : vector<16xi32>
        %mul3A_625 = arith.constant 2 : i32
        %mul3A_626 = vector.broadcast %mul3A_625 : i32 to vector<16xi32>
        %mul3A_627 = arith.muli %iota3A_624, %mul3A_626 : vector<16xi32>
        %add3A_628 = arith.addi %broadcast_in_dim3A_623, %mul3A_627 : vector<16xi32>
        %sub3A_629 = vector.broadcast %mul3A_2 : i32 to vector<16xi32>
        %sub3A_630 = arith.subi %add3A_619, %sub3A_629 : vector<16xi32>
        %bitcast3A_631 = vector.bitcast %sub3A_630 : vector<16xi32> to vector<16xi32>
        %lt3A_632 = arith.constant 16384 : i32
        %lt3A_633 = vector.broadcast %lt3A_632 : i32 to vector<16xi32>
        %lt3A_634 = arith.cmpi ult, %bitcast3A_631, %lt3A_633 : vector<16xi32>
        %and3A_635 = arith.constant 16383 : i32
        %and3A_636 = vector.broadcast %and3A_635 : i32 to vector<16xi32>
        %and3A_637 = arith.andi %sub3A_630, %and3A_636 : vector<16xi32>
        tpu.vector_store_idx %arg14[%and3A_637], %add3A_628 masked %lt3A_634 : memref<16384xi32, #tpu.memory_space<vmem>>[vector<16xi32>], vector<16xi32>, vector<16xi1>
        %mul3A_638 = arith.constant 256 : i32
        %mul3A_639 = arith.muli %scan3A_102, %mul3A_638 : i32
        %add3A_640 = arith.constant 240 : i32
        %add3A_641 = arith.addi %mul3A_639, %add3A_640 : i32
        %get3A_642 = arith.index_cast %add3A_641 : i32 to index
        %get3A_643 = tpu.vector_load %arg6[%get3A_642] {strides = array<i32>} : memref<8192xi32, #tpu.memory_space<vmem>>, vector<16xi32>,
        %get3A_644 = arith.index_cast %add3A_641 : i32 to index
        %get3A_645 = tpu.vector_load %arg8[%get3A_644] {strides = array<i32>} : memref<8192xi32, #tpu.memory_space<vmem>>, vector<16xi32>,
        %get3A_646 = arith.index_cast %add3A_641 : i32 to index
        %get3A_647 = tpu.vector_load %arg10[%get3A_646] {strides = array<i32>} : memref<8192xi32, #tpu.memory_space<vmem>>, vector<16xi32>,
        %mul3A_648 = arith.constant 16384 : i32
        %mul3A_649 = vector.broadcast %mul3A_648 : i32 to vector<16xi32>
        %mul3A_650 = arith.muli %get3A_643, %mul3A_649 : vector<16xi32>
        %mul3A_651 = arith.constant 64 : i32
        %mul3A_652 = vector.broadcast %mul3A_651 : i32 to vector<16xi32>
        %mul3A_653 = arith.muli %get3A_645, %mul3A_652 : vector<16xi32>
        %add3A_654 = arith.addi %mul3A_650, %mul3A_653 : vector<16xi32>
        %add3A_655 = arith.addi %add3A_654, %get3A_647 : vector<16xi32>
        %add3A_656 = arith.addi %mul3A_57, %add3A_641 : i32
        %mul3A_657 = arith.constant 2 : i32
        %mul3A_658 = arith.muli %mul3A_657, %add3A_656 : i32
        %broadcast_in_dim3A_659 = vector.broadcast %mul3A_658 : i32 to vector<16xi32>
        %iota3A_660 = tpu.iota {dimensions = array<i32: 0>} : vector<16xi32>
        %mul3A_661 = arith.constant 2 : i32
        %mul3A_662 = vector.broadcast %mul3A_661 : i32 to vector<16xi32>
        %mul3A_663 = arith.muli %iota3A_660, %mul3A_662 : vector<16xi32>
        %add3A_664 = arith.addi %broadcast_in_dim3A_659, %mul3A_663 : vector<16xi32>
        %sub3A_665 = vector.broadcast %mul3A_2 : i32 to vector<16xi32>
        %sub3A_666 = arith.subi %add3A_655, %sub3A_665 : vector<16xi32>
        %bitcast3A_667 = vector.bitcast %sub3A_666 : vector<16xi32> to vector<16xi32>
        %lt3A_668 = arith.constant 16384 : i32
        %lt3A_669 = vector.broadcast %lt3A_668 : i32 to vector<16xi32>
        %lt3A_670 = arith.cmpi ult, %bitcast3A_667, %lt3A_669 : vector<16xi32>
        %and3A_671 = arith.constant 16383 : i32
        %and3A_672 = vector.broadcast %and3A_671 : i32 to vector<16xi32>
        %and3A_673 = arith.andi %sub3A_666, %and3A_672 : vector<16xi32>
        tpu.vector_store_idx %arg14[%and3A_673], %add3A_664 masked %lt3A_670 : memref<16384xi32, #tpu.memory_space<vmem>>[vector<16xi32>], vector<16xi32>, vector<16xi1>
        %scan3A_674 = arith.constant 0 : i32
        scf.yield %scan3A_674 : i32
      }
      %scan3A_64 = arith.constant 32 : i32
      %add3A_65 = arith.constant 2 : i32
      %add3A_66 = arith.addi %add3A_44, %add3A_65 : i32
      %lt3A = arith.constant 32 : i32
      %lt3A_67 = arith.cmpi slt, %add3A_66, %lt3A : i32
      %convert_element_type3A = arith.extui %lt3A_67 : i1 to i32
      %cond3A = arith.constant 0 : i32
      %cond3A_68 = arith.cmpi ne, %convert_element_type3A, %cond3A : i32
      scf.if %cond3A_68 {
        %add3A_102 = arith.constant 2 : i32
        %add3A_103 = arith.addi %add3A_44, %add3A_102 : i32
        %mul3A_104 = arith.constant 8192 : i32
        %mul3A_105 = arith.muli %add3A_103, %mul3A_104 : i32
        %dma_start3A_106 = tpu.memref_slice %arg2[%mul3A_105] : memref<262144xi32, #tpu.memory_space<hbm>> -> memref<8192xi32, #tpu.memory_space<hbm>>
        %dma_start3A_107 = tpu.memref_slice %arg2[%mul3A_105] : memref<262144xi32, #tpu.memory_space<hbm>> -> memref<8192xi32, #tpu.memory_space<hbm>>
        tpu.enqueue_dma source(%dma_start3A_107 : memref<8192xi32, #tpu.memory_space<hbm>>) target(%arg6 : memref<8192xi32, #tpu.memory_space<vmem>>) target_semaphore(%arg12 : memref<!tpu.dma_semaphore, #tpu.memory_space<semaphore_mem>>)
        %dma_start3A_108 = tpu.memref_slice %arg3[%mul3A_105] : memref<262144xi32, #tpu.memory_space<hbm>> -> memref<8192xi32, #tpu.memory_space<hbm>>
        %dma_start3A_109 = tpu.memref_slice %arg3[%mul3A_105] : memref<262144xi32, #tpu.memory_space<hbm>> -> memref<8192xi32, #tpu.memory_space<hbm>>
        tpu.enqueue_dma source(%dma_start3A_109 : memref<8192xi32, #tpu.memory_space<hbm>>) target(%arg8 : memref<8192xi32, #tpu.memory_space<vmem>>) target_semaphore(%arg12 : memref<!tpu.dma_semaphore, #tpu.memory_space<semaphore_mem>>)
        %dma_start3A_110 = tpu.memref_slice %arg4[%mul3A_105] : memref<262144xi32, #tpu.memory_space<hbm>> -> memref<8192xi32, #tpu.memory_space<hbm>>
        %dma_start3A_111 = tpu.memref_slice %arg4[%mul3A_105] : memref<262144xi32, #tpu.memory_space<hbm>> -> memref<8192xi32, #tpu.memory_space<hbm>>
        tpu.enqueue_dma source(%dma_start3A_111 : memref<8192xi32, #tpu.memory_space<hbm>>) target(%arg10 : memref<8192xi32, #tpu.memory_space<vmem>>) target_semaphore(%arg12 : memref<!tpu.dma_semaphore, #tpu.memory_space<semaphore_mem>>)
      } else {
      }
      %mul3A_69 = arith.constant 2 : i32
      %mul3A_70 = arith.muli %scan3A_39, %mul3A_69 : i32
      %add3A_71 = arith.constant 1 : i32
      %add3A_72 = arith.addi %mul3A_70, %add3A_71 : i32
      %dma_wait3A_73 = arith.constant 0 : i32
      %dma_wait3A_74 = tpu.memref_slice %arg2[%dma_wait3A_73] : memref<262144xi32, #tpu.memory_space<hbm>> -> memref<8192xi32, #tpu.memory_space<hbm>>
      %dma_wait3A_75 = arith.constant 0 : i32
      %dma_wait3A_76 = tpu.memref_slice %arg2[%dma_wait3A_75] : memref<262144xi32, #tpu.memory_space<hbm>> -> memref<8192xi32, #tpu.memory_space<hbm>>
      tpu.wait_dma2 semaphore(%arg13 : memref<!tpu.dma_semaphore, #tpu.memory_space<semaphore_mem>>) src(%dma_wait3A_76 : memref<8192xi32, #tpu.memory_space<hbm>>) dst(%arg7 : memref<8192xi32, #tpu.memory_space<vmem>>)
      %dma_wait3A_77 = arith.constant 0 : i32
      %dma_wait3A_78 = tpu.memref_slice %arg3[%dma_wait3A_77] : memref<262144xi32, #tpu.memory_space<hbm>> -> memref<8192xi32, #tpu.memory_space<hbm>>
      %dma_wait3A_79 = arith.constant 0 : i32
      %dma_wait3A_80 = tpu.memref_slice %arg3[%dma_wait3A_79] : memref<262144xi32, #tpu.memory_space<hbm>> -> memref<8192xi32, #tpu.memory_space<hbm>>
      tpu.wait_dma2 semaphore(%arg13 : memref<!tpu.dma_semaphore, #tpu.memory_space<semaphore_mem>>) src(%dma_wait3A_80 : memref<8192xi32, #tpu.memory_space<hbm>>) dst(%arg9 : memref<8192xi32, #tpu.memory_space<vmem>>)
      %dma_wait3A_81 = arith.constant 0 : i32
      %dma_wait3A_82 = tpu.memref_slice %arg4[%dma_wait3A_81] : memref<262144xi32, #tpu.memory_space<hbm>> -> memref<8192xi32, #tpu.memory_space<hbm>>
      %dma_wait3A_83 = arith.constant 0 : i32
      %dma_wait3A_84 = tpu.memref_slice %arg4[%dma_wait3A_83] : memref<262144xi32, #tpu.memory_space<hbm>> -> memref<8192xi32, #tpu.memory_space<hbm>>
      tpu.wait_dma2 semaphore(%arg13 : memref<!tpu.dma_semaphore, #tpu.memory_space<semaphore_mem>>) src(%dma_wait3A_84 : memref<8192xi32, #tpu.memory_space<hbm>>) dst(%arg11 : memref<8192xi32, #tpu.memory_space<vmem>>)
      %mul3A_85 = arith.constant 8192 : i32
      %mul3A_86 = arith.muli %add3A_72, %mul3A_85 : i32
      %scan3A_87 = arith.constant 0 : i32
      %scan3A_88 = arith.constant 0 : i32
      %scan3A_89 = arith.constant 32 : i32
      %scan3A_90 = arith.addi %scan3A_88, %scan3A_89 : i32
      %scan3A_91 = arith.constant 1 : i32
      %scan3A_92 = scf.for %scan3A_102 = %scan3A_88 to %scan3A_90 step %scan3A_91 iter_args(%scan3A_103 = %scan3A_87) -> (i32)  : i32 {
        %mul3A_104 = arith.constant 256 : i32
        %mul3A_105 = arith.muli %scan3A_102, %mul3A_104 : i32
        %add3A_106 = arith.constant 0 : i32
        %add3A_107 = arith.addi %mul3A_105, %add3A_106 : i32
        %get3A = arith.index_cast %add3A_107 : i32 to index
        %get3A_108 = tpu.vector_load %arg7[%get3A] {strides = array<i32>} : memref<8192xi32, #tpu.memory_space<vmem>>, vector<16xi32>,
        %get3A_109 = arith.index_cast %add3A_107 : i32 to index
        %get3A_110 = tpu.vector_load %arg9[%get3A_109] {strides = array<i32>} : memref<8192xi32, #tpu.memory_space<vmem>>, vector<16xi32>,
        %get3A_111 = arith.index_cast %add3A_107 : i32 to index
        %get3A_112 = tpu.vector_load %arg11[%get3A_111] {strides = array<i32>} : memref<8192xi32, #tpu.memory_space<vmem>>, vector<16xi32>,
        %mul3A_113 = arith.constant 16384 : i32
        %mul3A_114 = vector.broadcast %mul3A_113 : i32 to vector<16xi32>
        %mul3A_115 = arith.muli %get3A_108, %mul3A_114 : vector<16xi32>
        %mul3A_116 = arith.constant 64 : i32
        %mul3A_117 = vector.broadcast %mul3A_116 : i32 to vector<16xi32>
        %mul3A_118 = arith.muli %get3A_110, %mul3A_117 : vector<16xi32>
        %add3A_119 = arith.addi %mul3A_115, %mul3A_118 : vector<16xi32>
        %add3A_120 = arith.addi %add3A_119, %get3A_112 : vector<16xi32>
        %add3A_121 = arith.addi %mul3A_86, %add3A_107 : i32
        %mul3A_122 = arith.constant 2 : i32
        %mul3A_123 = arith.muli %mul3A_122, %add3A_121 : i32
        %broadcast_in_dim3A = vector.broadcast %mul3A_123 : i32 to vector<16xi32>
        %iota3A = tpu.iota {dimensions = array<i32: 0>} : vector<16xi32>
        %mul3A_124 = arith.constant 2 : i32
        %mul3A_125 = vector.broadcast %mul3A_124 : i32 to vector<16xi32>
        %mul3A_126 = arith.muli %iota3A, %mul3A_125 : vector<16xi32>
        %add3A_127 = arith.addi %broadcast_in_dim3A, %mul3A_126 : vector<16xi32>
        %sub3A = vector.broadcast %mul3A_2 : i32 to vector<16xi32>
        %sub3A_128 = arith.subi %add3A_120, %sub3A : vector<16xi32>
        %bitcast3A = vector.bitcast %sub3A_128 : vector<16xi32> to vector<16xi32>
        %lt3A_129 = arith.constant 16384 : i32
        %lt3A_130 = vector.broadcast %lt3A_129 : i32 to vector<16xi32>
        %lt3A_131 = arith.cmpi ult, %bitcast3A, %lt3A_130 : vector<16xi32>
        %and3A = arith.constant 16383 : i32
        %and3A_132 = vector.broadcast %and3A : i32 to vector<16xi32>
        %and3A_133 = arith.andi %sub3A_128, %and3A_132 : vector<16xi32>
        tpu.vector_store_idx %arg14[%and3A_133], %add3A_127 masked %lt3A_131 : memref<16384xi32, #tpu.memory_space<vmem>>[vector<16xi32>], vector<16xi32>, vector<16xi1>
        %mul3A_134 = arith.constant 256 : i32
        %mul3A_135 = arith.muli %scan3A_102, %mul3A_134 : i32
        %add3A_136 = arith.constant 16 : i32
        %add3A_137 = arith.addi %mul3A_135, %add3A_136 : i32
        %get3A_138 = arith.index_cast %add3A_137 : i32 to index
        %get3A_139 = tpu.vector_load %arg7[%get3A_138] {strides = array<i32>} : memref<8192xi32, #tpu.memory_space<vmem>>, vector<16xi32>,
        %get3A_140 = arith.index_cast %add3A_137 : i32 to index
        %get3A_141 = tpu.vector_load %arg9[%get3A_140] {strides = array<i32>} : memref<8192xi32, #tpu.memory_space<vmem>>, vector<16xi32>,
        %get3A_142 = arith.index_cast %add3A_137 : i32 to index
        %get3A_143 = tpu.vector_load %arg11[%get3A_142] {strides = array<i32>} : memref<8192xi32, #tpu.memory_space<vmem>>, vector<16xi32>,
        %mul3A_144 = arith.constant 16384 : i32
        %mul3A_145 = vector.broadcast %mul3A_144 : i32 to vector<16xi32>
        %mul3A_146 = arith.muli %get3A_139, %mul3A_145 : vector<16xi32>
        %mul3A_147 = arith.constant 64 : i32
        %mul3A_148 = vector.broadcast %mul3A_147 : i32 to vector<16xi32>
        %mul3A_149 = arith.muli %get3A_141, %mul3A_148 : vector<16xi32>
        %add3A_150 = arith.addi %mul3A_146, %mul3A_149 : vector<16xi32>
        %add3A_151 = arith.addi %add3A_150, %get3A_143 : vector<16xi32>
        %add3A_152 = arith.addi %mul3A_86, %add3A_137 : i32
        %mul3A_153 = arith.constant 2 : i32
        %mul3A_154 = arith.muli %mul3A_153, %add3A_152 : i32
        %broadcast_in_dim3A_155 = vector.broadcast %mul3A_154 : i32 to vector<16xi32>
        %iota3A_156 = tpu.iota {dimensions = array<i32: 0>} : vector<16xi32>
        %mul3A_157 = arith.constant 2 : i32
        %mul3A_158 = vector.broadcast %mul3A_157 : i32 to vector<16xi32>
        %mul3A_159 = arith.muli %iota3A_156, %mul3A_158 : vector<16xi32>
        %add3A_160 = arith.addi %broadcast_in_dim3A_155, %mul3A_159 : vector<16xi32>
        %sub3A_161 = vector.broadcast %mul3A_2 : i32 to vector<16xi32>
        %sub3A_162 = arith.subi %add3A_151, %sub3A_161 : vector<16xi32>
        %bitcast3A_163 = vector.bitcast %sub3A_162 : vector<16xi32> to vector<16xi32>
        %lt3A_164 = arith.constant 16384 : i32
        %lt3A_165 = vector.broadcast %lt3A_164 : i32 to vector<16xi32>
        %lt3A_166 = arith.cmpi ult, %bitcast3A_163, %lt3A_165 : vector<16xi32>
        %and3A_167 = arith.constant 16383 : i32
        %and3A_168 = vector.broadcast %and3A_167 : i32 to vector<16xi32>
        %and3A_169 = arith.andi %sub3A_162, %and3A_168 : vector<16xi32>
        tpu.vector_store_idx %arg14[%and3A_169], %add3A_160 masked %lt3A_166 : memref<16384xi32, #tpu.memory_space<vmem>>[vector<16xi32>], vector<16xi32>, vector<16xi1>
        %mul3A_170 = arith.constant 256 : i32
        %mul3A_171 = arith.muli %scan3A_102, %mul3A_170 : i32
        %add3A_172 = arith.constant 32 : i32
        %add3A_173 = arith.addi %mul3A_171, %add3A_172 : i32
        %get3A_174 = arith.index_cast %add3A_173 : i32 to index
        %get3A_175 = tpu.vector_load %arg7[%get3A_174] {strides = array<i32>} : memref<8192xi32, #tpu.memory_space<vmem>>, vector<16xi32>,
        %get3A_176 = arith.index_cast %add3A_173 : i32 to index
        %get3A_177 = tpu.vector_load %arg9[%get3A_176] {strides = array<i32>} : memref<8192xi32, #tpu.memory_space<vmem>>, vector<16xi32>,
        %get3A_178 = arith.index_cast %add3A_173 : i32 to index
        %get3A_179 = tpu.vector_load %arg11[%get3A_178] {strides = array<i32>} : memref<8192xi32, #tpu.memory_space<vmem>>, vector<16xi32>,
        %mul3A_180 = arith.constant 16384 : i32
        %mul3A_181 = vector.broadcast %mul3A_180 : i32 to vector<16xi32>
        %mul3A_182 = arith.muli %get3A_175, %mul3A_181 : vector<16xi32>
        %mul3A_183 = arith.constant 64 : i32
        %mul3A_184 = vector.broadcast %mul3A_183 : i32 to vector<16xi32>
        %mul3A_185 = arith.muli %get3A_177, %mul3A_184 : vector<16xi32>
        %add3A_186 = arith.addi %mul3A_182, %mul3A_185 : vector<16xi32>
        %add3A_187 = arith.addi %add3A_186, %get3A_179 : vector<16xi32>
        %add3A_188 = arith.addi %mul3A_86, %add3A_173 : i32
        %mul3A_189 = arith.constant 2 : i32
        %mul3A_190 = arith.muli %mul3A_189, %add3A_188 : i32
        %broadcast_in_dim3A_191 = vector.broadcast %mul3A_190 : i32 to vector<16xi32>
        %iota3A_192 = tpu.iota {dimensions = array<i32: 0>} : vector<16xi32>
        %mul3A_193 = arith.constant 2 : i32
        %mul3A_194 = vector.broadcast %mul3A_193 : i32 to vector<16xi32>
        %mul3A_195 = arith.muli %iota3A_192, %mul3A_194 : vector<16xi32>
        %add3A_196 = arith.addi %broadcast_in_dim3A_191, %mul3A_195 : vector<16xi32>
        %sub3A_197 = vector.broadcast %mul3A_2 : i32 to vector<16xi32>
        %sub3A_198 = arith.subi %add3A_187, %sub3A_197 : vector<16xi32>
        %bitcast3A_199 = vector.bitcast %sub3A_198 : vector<16xi32> to vector<16xi32>
        %lt3A_200 = arith.constant 16384 : i32
        %lt3A_201 = vector.broadcast %lt3A_200 : i32 to vector<16xi32>
        %lt3A_202 = arith.cmpi ult, %bitcast3A_199, %lt3A_201 : vector<16xi32>
        %and3A_203 = arith.constant 16383 : i32
        %and3A_204 = vector.broadcast %and3A_203 : i32 to vector<16xi32>
        %and3A_205 = arith.andi %sub3A_198, %and3A_204 : vector<16xi32>
        tpu.vector_store_idx %arg14[%and3A_205], %add3A_196 masked %lt3A_202 : memref<16384xi32, #tpu.memory_space<vmem>>[vector<16xi32>], vector<16xi32>, vector<16xi1>
        %mul3A_206 = arith.constant 256 : i32
        %mul3A_207 = arith.muli %scan3A_102, %mul3A_206 : i32
        %add3A_208 = arith.constant 48 : i32
        %add3A_209 = arith.addi %mul3A_207, %add3A_208 : i32
        %get3A_210 = arith.index_cast %add3A_209 : i32 to index
        %get3A_211 = tpu.vector_load %arg7[%get3A_210] {strides = array<i32>} : memref<8192xi32, #tpu.memory_space<vmem>>, vector<16xi32>,
        %get3A_212 = arith.index_cast %add3A_209 : i32 to index
        %get3A_213 = tpu.vector_load %arg9[%get3A_212] {strides = array<i32>} : memref<8192xi32, #tpu.memory_space<vmem>>, vector<16xi32>,
        %get3A_214 = arith.index_cast %add3A_209 : i32 to index
        %get3A_215 = tpu.vector_load %arg11[%get3A_214] {strides = array<i32>} : memref<8192xi32, #tpu.memory_space<vmem>>, vector<16xi32>,
        %mul3A_216 = arith.constant 16384 : i32
        %mul3A_217 = vector.broadcast %mul3A_216 : i32 to vector<16xi32>
        %mul3A_218 = arith.muli %get3A_211, %mul3A_217 : vector<16xi32>
        %mul3A_219 = arith.constant 64 : i32
        %mul3A_220 = vector.broadcast %mul3A_219 : i32 to vector<16xi32>
        %mul3A_221 = arith.muli %get3A_213, %mul3A_220 : vector<16xi32>
        %add3A_222 = arith.addi %mul3A_218, %mul3A_221 : vector<16xi32>
        %add3A_223 = arith.addi %add3A_222, %get3A_215 : vector<16xi32>
        %add3A_224 = arith.addi %mul3A_86, %add3A_209 : i32
        %mul3A_225 = arith.constant 2 : i32
        %mul3A_226 = arith.muli %mul3A_225, %add3A_224 : i32
        %broadcast_in_dim3A_227 = vector.broadcast %mul3A_226 : i32 to vector<16xi32>
        %iota3A_228 = tpu.iota {dimensions = array<i32: 0>} : vector<16xi32>
        %mul3A_229 = arith.constant 2 : i32
        %mul3A_230 = vector.broadcast %mul3A_229 : i32 to vector<16xi32>
        %mul3A_231 = arith.muli %iota3A_228, %mul3A_230 : vector<16xi32>
        %add3A_232 = arith.addi %broadcast_in_dim3A_227, %mul3A_231 : vector<16xi32>
        %sub3A_233 = vector.broadcast %mul3A_2 : i32 to vector<16xi32>
        %sub3A_234 = arith.subi %add3A_223, %sub3A_233 : vector<16xi32>
        %bitcast3A_235 = vector.bitcast %sub3A_234 : vector<16xi32> to vector<16xi32>
        %lt3A_236 = arith.constant 16384 : i32
        %lt3A_237 = vector.broadcast %lt3A_236 : i32 to vector<16xi32>
        %lt3A_238 = arith.cmpi ult, %bitcast3A_235, %lt3A_237 : vector<16xi32>
        %and3A_239 = arith.constant 16383 : i32
        %and3A_240 = vector.broadcast %and3A_239 : i32 to vector<16xi32>
        %and3A_241 = arith.andi %sub3A_234, %and3A_240 : vector<16xi32>
        tpu.vector_store_idx %arg14[%and3A_241], %add3A_232 masked %lt3A_238 : memref<16384xi32, #tpu.memory_space<vmem>>[vector<16xi32>], vector<16xi32>, vector<16xi1>
        %mul3A_242 = arith.constant 256 : i32
        %mul3A_243 = arith.muli %scan3A_102, %mul3A_242 : i32
        %add3A_244 = arith.constant 64 : i32
        %add3A_245 = arith.addi %mul3A_243, %add3A_244 : i32
        %get3A_246 = arith.index_cast %add3A_245 : i32 to index
        %get3A_247 = tpu.vector_load %arg7[%get3A_246] {strides = array<i32>} : memref<8192xi32, #tpu.memory_space<vmem>>, vector<16xi32>,
        %get3A_248 = arith.index_cast %add3A_245 : i32 to index
        %get3A_249 = tpu.vector_load %arg9[%get3A_248] {strides = array<i32>} : memref<8192xi32, #tpu.memory_space<vmem>>, vector<16xi32>,
        %get3A_250 = arith.index_cast %add3A_245 : i32 to index
        %get3A_251 = tpu.vector_load %arg11[%get3A_250] {strides = array<i32>} : memref<8192xi32, #tpu.memory_space<vmem>>, vector<16xi32>,
        %mul3A_252 = arith.constant 16384 : i32
        %mul3A_253 = vector.broadcast %mul3A_252 : i32 to vector<16xi32>
        %mul3A_254 = arith.muli %get3A_247, %mul3A_253 : vector<16xi32>
        %mul3A_255 = arith.constant 64 : i32
        %mul3A_256 = vector.broadcast %mul3A_255 : i32 to vector<16xi32>
        %mul3A_257 = arith.muli %get3A_249, %mul3A_256 : vector<16xi32>
        %add3A_258 = arith.addi %mul3A_254, %mul3A_257 : vector<16xi32>
        %add3A_259 = arith.addi %add3A_258, %get3A_251 : vector<16xi32>
        %add3A_260 = arith.addi %mul3A_86, %add3A_245 : i32
        %mul3A_261 = arith.constant 2 : i32
        %mul3A_262 = arith.muli %mul3A_261, %add3A_260 : i32
        %broadcast_in_dim3A_263 = vector.broadcast %mul3A_262 : i32 to vector<16xi32>
        %iota3A_264 = tpu.iota {dimensions = array<i32: 0>} : vector<16xi32>
        %mul3A_265 = arith.constant 2 : i32
        %mul3A_266 = vector.broadcast %mul3A_265 : i32 to vector<16xi32>
        %mul3A_267 = arith.muli %iota3A_264, %mul3A_266 : vector<16xi32>
        %add3A_268 = arith.addi %broadcast_in_dim3A_263, %mul3A_267 : vector<16xi32>
        %sub3A_269 = vector.broadcast %mul3A_2 : i32 to vector<16xi32>
        %sub3A_270 = arith.subi %add3A_259, %sub3A_269 : vector<16xi32>
        %bitcast3A_271 = vector.bitcast %sub3A_270 : vector<16xi32> to vector<16xi32>
        %lt3A_272 = arith.constant 16384 : i32
        %lt3A_273 = vector.broadcast %lt3A_272 : i32 to vector<16xi32>
        %lt3A_274 = arith.cmpi ult, %bitcast3A_271, %lt3A_273 : vector<16xi32>
        %and3A_275 = arith.constant 16383 : i32
        %and3A_276 = vector.broadcast %and3A_275 : i32 to vector<16xi32>
        %and3A_277 = arith.andi %sub3A_270, %and3A_276 : vector<16xi32>
        tpu.vector_store_idx %arg14[%and3A_277], %add3A_268 masked %lt3A_274 : memref<16384xi32, #tpu.memory_space<vmem>>[vector<16xi32>], vector<16xi32>, vector<16xi1>
        %mul3A_278 = arith.constant 256 : i32
        %mul3A_279 = arith.muli %scan3A_102, %mul3A_278 : i32
        %add3A_280 = arith.constant 80 : i32
        %add3A_281 = arith.addi %mul3A_279, %add3A_280 : i32
        %get3A_282 = arith.index_cast %add3A_281 : i32 to index
        %get3A_283 = tpu.vector_load %arg7[%get3A_282] {strides = array<i32>} : memref<8192xi32, #tpu.memory_space<vmem>>, vector<16xi32>,
        %get3A_284 = arith.index_cast %add3A_281 : i32 to index
        %get3A_285 = tpu.vector_load %arg9[%get3A_284] {strides = array<i32>} : memref<8192xi32, #tpu.memory_space<vmem>>, vector<16xi32>,
        %get3A_286 = arith.index_cast %add3A_281 : i32 to index
        %get3A_287 = tpu.vector_load %arg11[%get3A_286] {strides = array<i32>} : memref<8192xi32, #tpu.memory_space<vmem>>, vector<16xi32>,
        %mul3A_288 = arith.constant 16384 : i32
        %mul3A_289 = vector.broadcast %mul3A_288 : i32 to vector<16xi32>
        %mul3A_290 = arith.muli %get3A_283, %mul3A_289 : vector<16xi32>
        %mul3A_291 = arith.constant 64 : i32
        %mul3A_292 = vector.broadcast %mul3A_291 : i32 to vector<16xi32>
        %mul3A_293 = arith.muli %get3A_285, %mul3A_292 : vector<16xi32>
        %add3A_294 = arith.addi %mul3A_290, %mul3A_293 : vector<16xi32>
        %add3A_295 = arith.addi %add3A_294, %get3A_287 : vector<16xi32>
        %add3A_296 = arith.addi %mul3A_86, %add3A_281 : i32
        %mul3A_297 = arith.constant 2 : i32
        %mul3A_298 = arith.muli %mul3A_297, %add3A_296 : i32
        %broadcast_in_dim3A_299 = vector.broadcast %mul3A_298 : i32 to vector<16xi32>
        %iota3A_300 = tpu.iota {dimensions = array<i32: 0>} : vector<16xi32>
        %mul3A_301 = arith.constant 2 : i32
        %mul3A_302 = vector.broadcast %mul3A_301 : i32 to vector<16xi32>
        %mul3A_303 = arith.muli %iota3A_300, %mul3A_302 : vector<16xi32>
        %add3A_304 = arith.addi %broadcast_in_dim3A_299, %mul3A_303 : vector<16xi32>
        %sub3A_305 = vector.broadcast %mul3A_2 : i32 to vector<16xi32>
        %sub3A_306 = arith.subi %add3A_295, %sub3A_305 : vector<16xi32>
        %bitcast3A_307 = vector.bitcast %sub3A_306 : vector<16xi32> to vector<16xi32>
        %lt3A_308 = arith.constant 16384 : i32
        %lt3A_309 = vector.broadcast %lt3A_308 : i32 to vector<16xi32>
        %lt3A_310 = arith.cmpi ult, %bitcast3A_307, %lt3A_309 : vector<16xi32>
        %and3A_311 = arith.constant 16383 : i32
        %and3A_312 = vector.broadcast %and3A_311 : i32 to vector<16xi32>
        %and3A_313 = arith.andi %sub3A_306, %and3A_312 : vector<16xi32>
        tpu.vector_store_idx %arg14[%and3A_313], %add3A_304 masked %lt3A_310 : memref<16384xi32, #tpu.memory_space<vmem>>[vector<16xi32>], vector<16xi32>, vector<16xi1>
        %mul3A_314 = arith.constant 256 : i32
        %mul3A_315 = arith.muli %scan3A_102, %mul3A_314 : i32
        %add3A_316 = arith.constant 96 : i32
        %add3A_317 = arith.addi %mul3A_315, %add3A_316 : i32
        %get3A_318 = arith.index_cast %add3A_317 : i32 to index
        %get3A_319 = tpu.vector_load %arg7[%get3A_318] {strides = array<i32>} : memref<8192xi32, #tpu.memory_space<vmem>>, vector<16xi32>,
        %get3A_320 = arith.index_cast %add3A_317 : i32 to index
        %get3A_321 = tpu.vector_load %arg9[%get3A_320] {strides = array<i32>} : memref<8192xi32, #tpu.memory_space<vmem>>, vector<16xi32>,
        %get3A_322 = arith.index_cast %add3A_317 : i32 to index
        %get3A_323 = tpu.vector_load %arg11[%get3A_322] {strides = array<i32>} : memref<8192xi32, #tpu.memory_space<vmem>>, vector<16xi32>,
        %mul3A_324 = arith.constant 16384 : i32
        %mul3A_325 = vector.broadcast %mul3A_324 : i32 to vector<16xi32>
        %mul3A_326 = arith.muli %get3A_319, %mul3A_325 : vector<16xi32>
        %mul3A_327 = arith.constant 64 : i32
        %mul3A_328 = vector.broadcast %mul3A_327 : i32 to vector<16xi32>
        %mul3A_329 = arith.muli %get3A_321, %mul3A_328 : vector<16xi32>
        %add3A_330 = arith.addi %mul3A_326, %mul3A_329 : vector<16xi32>
        %add3A_331 = arith.addi %add3A_330, %get3A_323 : vector<16xi32>
        %add3A_332 = arith.addi %mul3A_86, %add3A_317 : i32
        %mul3A_333 = arith.constant 2 : i32
        %mul3A_334 = arith.muli %mul3A_333, %add3A_332 : i32
        %broadcast_in_dim3A_335 = vector.broadcast %mul3A_334 : i32 to vector<16xi32>
        %iota3A_336 = tpu.iota {dimensions = array<i32: 0>} : vector<16xi32>
        %mul3A_337 = arith.constant 2 : i32
        %mul3A_338 = vector.broadcast %mul3A_337 : i32 to vector<16xi32>
        %mul3A_339 = arith.muli %iota3A_336, %mul3A_338 : vector<16xi32>
        %add3A_340 = arith.addi %broadcast_in_dim3A_335, %mul3A_339 : vector<16xi32>
        %sub3A_341 = vector.broadcast %mul3A_2 : i32 to vector<16xi32>
        %sub3A_342 = arith.subi %add3A_331, %sub3A_341 : vector<16xi32>
        %bitcast3A_343 = vector.bitcast %sub3A_342 : vector<16xi32> to vector<16xi32>
        %lt3A_344 = arith.constant 16384 : i32
        %lt3A_345 = vector.broadcast %lt3A_344 : i32 to vector<16xi32>
        %lt3A_346 = arith.cmpi ult, %bitcast3A_343, %lt3A_345 : vector<16xi32>
        %and3A_347 = arith.constant 16383 : i32
        %and3A_348 = vector.broadcast %and3A_347 : i32 to vector<16xi32>
        %and3A_349 = arith.andi %sub3A_342, %and3A_348 : vector<16xi32>
        tpu.vector_store_idx %arg14[%and3A_349], %add3A_340 masked %lt3A_346 : memref<16384xi32, #tpu.memory_space<vmem>>[vector<16xi32>], vector<16xi32>, vector<16xi1>
        %mul3A_350 = arith.constant 256 : i32
        %mul3A_351 = arith.muli %scan3A_102, %mul3A_350 : i32
        %add3A_352 = arith.constant 112 : i32
        %add3A_353 = arith.addi %mul3A_351, %add3A_352 : i32
        %get3A_354 = arith.index_cast %add3A_353 : i32 to index
        %get3A_355 = tpu.vector_load %arg7[%get3A_354] {strides = array<i32>} : memref<8192xi32, #tpu.memory_space<vmem>>, vector<16xi32>,
        %get3A_356 = arith.index_cast %add3A_353 : i32 to index
        %get3A_357 = tpu.vector_load %arg9[%get3A_356] {strides = array<i32>} : memref<8192xi32, #tpu.memory_space<vmem>>, vector<16xi32>,
        %get3A_358 = arith.index_cast %add3A_353 : i32 to index
        %get3A_359 = tpu.vector_load %arg11[%get3A_358] {strides = array<i32>} : memref<8192xi32, #tpu.memory_space<vmem>>, vector<16xi32>,
        %mul3A_360 = arith.constant 16384 : i32
        %mul3A_361 = vector.broadcast %mul3A_360 : i32 to vector<16xi32>
        %mul3A_362 = arith.muli %get3A_355, %mul3A_361 : vector<16xi32>
        %mul3A_363 = arith.constant 64 : i32
        %mul3A_364 = vector.broadcast %mul3A_363 : i32 to vector<16xi32>
        %mul3A_365 = arith.muli %get3A_357, %mul3A_364 : vector<16xi32>
        %add3A_366 = arith.addi %mul3A_362, %mul3A_365 : vector<16xi32>
        %add3A_367 = arith.addi %add3A_366, %get3A_359 : vector<16xi32>
        %add3A_368 = arith.addi %mul3A_86, %add3A_353 : i32
        %mul3A_369 = arith.constant 2 : i32
        %mul3A_370 = arith.muli %mul3A_369, %add3A_368 : i32
        %broadcast_in_dim3A_371 = vector.broadcast %mul3A_370 : i32 to vector<16xi32>
        %iota3A_372 = tpu.iota {dimensions = array<i32: 0>} : vector<16xi32>
        %mul3A_373 = arith.constant 2 : i32
        %mul3A_374 = vector.broadcast %mul3A_373 : i32 to vector<16xi32>
        %mul3A_375 = arith.muli %iota3A_372, %mul3A_374 : vector<16xi32>
        %add3A_376 = arith.addi %broadcast_in_dim3A_371, %mul3A_375 : vector<16xi32>
        %sub3A_377 = vector.broadcast %mul3A_2 : i32 to vector<16xi32>
        %sub3A_378 = arith.subi %add3A_367, %sub3A_377 : vector<16xi32>
        %bitcast3A_379 = vector.bitcast %sub3A_378 : vector<16xi32> to vector<16xi32>
        %lt3A_380 = arith.constant 16384 : i32
        %lt3A_381 = vector.broadcast %lt3A_380 : i32 to vector<16xi32>
        %lt3A_382 = arith.cmpi ult, %bitcast3A_379, %lt3A_381 : vector<16xi32>
        %and3A_383 = arith.constant 16383 : i32
        %and3A_384 = vector.broadcast %and3A_383 : i32 to vector<16xi32>
        %and3A_385 = arith.andi %sub3A_378, %and3A_384 : vector<16xi32>
        tpu.vector_store_idx %arg14[%and3A_385], %add3A_376 masked %lt3A_382 : memref<16384xi32, #tpu.memory_space<vmem>>[vector<16xi32>], vector<16xi32>, vector<16xi1>
        %mul3A_386 = arith.constant 256 : i32
        %mul3A_387 = arith.muli %scan3A_102, %mul3A_386 : i32
        %add3A_388 = arith.constant 128 : i32
        %add3A_389 = arith.addi %mul3A_387, %add3A_388 : i32
        %get3A_390 = arith.index_cast %add3A_389 : i32 to index
        %get3A_391 = tpu.vector_load %arg7[%get3A_390] {strides = array<i32>} : memref<8192xi32, #tpu.memory_space<vmem>>, vector<16xi32>,
        %get3A_392 = arith.index_cast %add3A_389 : i32 to index
        %get3A_393 = tpu.vector_load %arg9[%get3A_392] {strides = array<i32>} : memref<8192xi32, #tpu.memory_space<vmem>>, vector<16xi32>,
        %get3A_394 = arith.index_cast %add3A_389 : i32 to index
        %get3A_395 = tpu.vector_load %arg11[%get3A_394] {strides = array<i32>} : memref<8192xi32, #tpu.memory_space<vmem>>, vector<16xi32>,
        %mul3A_396 = arith.constant 16384 : i32
        %mul3A_397 = vector.broadcast %mul3A_396 : i32 to vector<16xi32>
        %mul3A_398 = arith.muli %get3A_391, %mul3A_397 : vector<16xi32>
        %mul3A_399 = arith.constant 64 : i32
        %mul3A_400 = vector.broadcast %mul3A_399 : i32 to vector<16xi32>
        %mul3A_401 = arith.muli %get3A_393, %mul3A_400 : vector<16xi32>
        %add3A_402 = arith.addi %mul3A_398, %mul3A_401 : vector<16xi32>
        %add3A_403 = arith.addi %add3A_402, %get3A_395 : vector<16xi32>
        %add3A_404 = arith.addi %mul3A_86, %add3A_389 : i32
        %mul3A_405 = arith.constant 2 : i32
        %mul3A_406 = arith.muli %mul3A_405, %add3A_404 : i32
        %broadcast_in_dim3A_407 = vector.broadcast %mul3A_406 : i32 to vector<16xi32>
        %iota3A_408 = tpu.iota {dimensions = array<i32: 0>} : vector<16xi32>
        %mul3A_409 = arith.constant 2 : i32
        %mul3A_410 = vector.broadcast %mul3A_409 : i32 to vector<16xi32>
        %mul3A_411 = arith.muli %iota3A_408, %mul3A_410 : vector<16xi32>
        %add3A_412 = arith.addi %broadcast_in_dim3A_407, %mul3A_411 : vector<16xi32>
        %sub3A_413 = vector.broadcast %mul3A_2 : i32 to vector<16xi32>
        %sub3A_414 = arith.subi %add3A_403, %sub3A_413 : vector<16xi32>
        %bitcast3A_415 = vector.bitcast %sub3A_414 : vector<16xi32> to vector<16xi32>
        %lt3A_416 = arith.constant 16384 : i32
        %lt3A_417 = vector.broadcast %lt3A_416 : i32 to vector<16xi32>
        %lt3A_418 = arith.cmpi ult, %bitcast3A_415, %lt3A_417 : vector<16xi32>
        %and3A_419 = arith.constant 16383 : i32
        %and3A_420 = vector.broadcast %and3A_419 : i32 to vector<16xi32>
        %and3A_421 = arith.andi %sub3A_414, %and3A_420 : vector<16xi32>
        tpu.vector_store_idx %arg14[%and3A_421], %add3A_412 masked %lt3A_418 : memref<16384xi32, #tpu.memory_space<vmem>>[vector<16xi32>], vector<16xi32>, vector<16xi1>
        %mul3A_422 = arith.constant 256 : i32
        %mul3A_423 = arith.muli %scan3A_102, %mul3A_422 : i32
        %add3A_424 = arith.constant 144 : i32
        %add3A_425 = arith.addi %mul3A_423, %add3A_424 : i32
        %get3A_426 = arith.index_cast %add3A_425 : i32 to index
        %get3A_427 = tpu.vector_load %arg7[%get3A_426] {strides = array<i32>} : memref<8192xi32, #tpu.memory_space<vmem>>, vector<16xi32>,
        %get3A_428 = arith.index_cast %add3A_425 : i32 to index
        %get3A_429 = tpu.vector_load %arg9[%get3A_428] {strides = array<i32>} : memref<8192xi32, #tpu.memory_space<vmem>>, vector<16xi32>,
        %get3A_430 = arith.index_cast %add3A_425 : i32 to index
        %get3A_431 = tpu.vector_load %arg11[%get3A_430] {strides = array<i32>} : memref<8192xi32, #tpu.memory_space<vmem>>, vector<16xi32>,
        %mul3A_432 = arith.constant 16384 : i32
        %mul3A_433 = vector.broadcast %mul3A_432 : i32 to vector<16xi32>
        %mul3A_434 = arith.muli %get3A_427, %mul3A_433 : vector<16xi32>
        %mul3A_435 = arith.constant 64 : i32
        %mul3A_436 = vector.broadcast %mul3A_435 : i32 to vector<16xi32>
        %mul3A_437 = arith.muli %get3A_429, %mul3A_436 : vector<16xi32>
        %add3A_438 = arith.addi %mul3A_434, %mul3A_437 : vector<16xi32>
        %add3A_439 = arith.addi %add3A_438, %get3A_431 : vector<16xi32>
        %add3A_440 = arith.addi %mul3A_86, %add3A_425 : i32
        %mul3A_441 = arith.constant 2 : i32
        %mul3A_442 = arith.muli %mul3A_441, %add3A_440 : i32
        %broadcast_in_dim3A_443 = vector.broadcast %mul3A_442 : i32 to vector<16xi32>
        %iota3A_444 = tpu.iota {dimensions = array<i32: 0>} : vector<16xi32>
        %mul3A_445 = arith.constant 2 : i32
        %mul3A_446 = vector.broadcast %mul3A_445 : i32 to vector<16xi32>
        %mul3A_447 = arith.muli %iota3A_444, %mul3A_446 : vector<16xi32>
        %add3A_448 = arith.addi %broadcast_in_dim3A_443, %mul3A_447 : vector<16xi32>
        %sub3A_449 = vector.broadcast %mul3A_2 : i32 to vector<16xi32>
        %sub3A_450 = arith.subi %add3A_439, %sub3A_449 : vector<16xi32>
        %bitcast3A_451 = vector.bitcast %sub3A_450 : vector<16xi32> to vector<16xi32>
        %lt3A_452 = arith.constant 16384 : i32
        %lt3A_453 = vector.broadcast %lt3A_452 : i32 to vector<16xi32>
        %lt3A_454 = arith.cmpi ult, %bitcast3A_451, %lt3A_453 : vector<16xi32>
        %and3A_455 = arith.constant 16383 : i32
        %and3A_456 = vector.broadcast %and3A_455 : i32 to vector<16xi32>
        %and3A_457 = arith.andi %sub3A_450, %and3A_456 : vector<16xi32>
        tpu.vector_store_idx %arg14[%and3A_457], %add3A_448 masked %lt3A_454 : memref<16384xi32, #tpu.memory_space<vmem>>[vector<16xi32>], vector<16xi32>, vector<16xi1>
        %mul3A_458 = arith.constant 256 : i32
        %mul3A_459 = arith.muli %scan3A_102, %mul3A_458 : i32
        %add3A_460 = arith.constant 160 : i32
        %add3A_461 = arith.addi %mul3A_459, %add3A_460 : i32
        %get3A_462 = arith.index_cast %add3A_461 : i32 to index
        %get3A_463 = tpu.vector_load %arg7[%get3A_462] {strides = array<i32>} : memref<8192xi32, #tpu.memory_space<vmem>>, vector<16xi32>,
        %get3A_464 = arith.index_cast %add3A_461 : i32 to index
        %get3A_465 = tpu.vector_load %arg9[%get3A_464] {strides = array<i32>} : memref<8192xi32, #tpu.memory_space<vmem>>, vector<16xi32>,
        %get3A_466 = arith.index_cast %add3A_461 : i32 to index
        %get3A_467 = tpu.vector_load %arg11[%get3A_466] {strides = array<i32>} : memref<8192xi32, #tpu.memory_space<vmem>>, vector<16xi32>,
        %mul3A_468 = arith.constant 16384 : i32
        %mul3A_469 = vector.broadcast %mul3A_468 : i32 to vector<16xi32>
        %mul3A_470 = arith.muli %get3A_463, %mul3A_469 : vector<16xi32>
        %mul3A_471 = arith.constant 64 : i32
        %mul3A_472 = vector.broadcast %mul3A_471 : i32 to vector<16xi32>
        %mul3A_473 = arith.muli %get3A_465, %mul3A_472 : vector<16xi32>
        %add3A_474 = arith.addi %mul3A_470, %mul3A_473 : vector<16xi32>
        %add3A_475 = arith.addi %add3A_474, %get3A_467 : vector<16xi32>
        %add3A_476 = arith.addi %mul3A_86, %add3A_461 : i32
        %mul3A_477 = arith.constant 2 : i32
        %mul3A_478 = arith.muli %mul3A_477, %add3A_476 : i32
        %broadcast_in_dim3A_479 = vector.broadcast %mul3A_478 : i32 to vector<16xi32>
        %iota3A_480 = tpu.iota {dimensions = array<i32: 0>} : vector<16xi32>
        %mul3A_481 = arith.constant 2 : i32
        %mul3A_482 = vector.broadcast %mul3A_481 : i32 to vector<16xi32>
        %mul3A_483 = arith.muli %iota3A_480, %mul3A_482 : vector<16xi32>
        %add3A_484 = arith.addi %broadcast_in_dim3A_479, %mul3A_483 : vector<16xi32>
        %sub3A_485 = vector.broadcast %mul3A_2 : i32 to vector<16xi32>
        %sub3A_486 = arith.subi %add3A_475, %sub3A_485 : vector<16xi32>
        %bitcast3A_487 = vector.bitcast %sub3A_486 : vector<16xi32> to vector<16xi32>
        %lt3A_488 = arith.constant 16384 : i32
        %lt3A_489 = vector.broadcast %lt3A_488 : i32 to vector<16xi32>
        %lt3A_490 = arith.cmpi ult, %bitcast3A_487, %lt3A_489 : vector<16xi32>
        %and3A_491 = arith.constant 16383 : i32
        %and3A_492 = vector.broadcast %and3A_491 : i32 to vector<16xi32>
        %and3A_493 = arith.andi %sub3A_486, %and3A_492 : vector<16xi32>
        tpu.vector_store_idx %arg14[%and3A_493], %add3A_484 masked %lt3A_490 : memref<16384xi32, #tpu.memory_space<vmem>>[vector<16xi32>], vector<16xi32>, vector<16xi1>
        %mul3A_494 = arith.constant 256 : i32
        %mul3A_495 = arith.muli %scan3A_102, %mul3A_494 : i32
        %add3A_496 = arith.constant 176 : i32
        %add3A_497 = arith.addi %mul3A_495, %add3A_496 : i32
        %get3A_498 = arith.index_cast %add3A_497 : i32 to index
        %get3A_499 = tpu.vector_load %arg7[%get3A_498] {strides = array<i32>} : memref<8192xi32, #tpu.memory_space<vmem>>, vector<16xi32>,
        %get3A_500 = arith.index_cast %add3A_497 : i32 to index
        %get3A_501 = tpu.vector_load %arg9[%get3A_500] {strides = array<i32>} : memref<8192xi32, #tpu.memory_space<vmem>>, vector<16xi32>,
        %get3A_502 = arith.index_cast %add3A_497 : i32 to index
        %get3A_503 = tpu.vector_load %arg11[%get3A_502] {strides = array<i32>} : memref<8192xi32, #tpu.memory_space<vmem>>, vector<16xi32>,
        %mul3A_504 = arith.constant 16384 : i32
        %mul3A_505 = vector.broadcast %mul3A_504 : i32 to vector<16xi32>
        %mul3A_506 = arith.muli %get3A_499, %mul3A_505 : vector<16xi32>
        %mul3A_507 = arith.constant 64 : i32
        %mul3A_508 = vector.broadcast %mul3A_507 : i32 to vector<16xi32>
        %mul3A_509 = arith.muli %get3A_501, %mul3A_508 : vector<16xi32>
        %add3A_510 = arith.addi %mul3A_506, %mul3A_509 : vector<16xi32>
        %add3A_511 = arith.addi %add3A_510, %get3A_503 : vector<16xi32>
        %add3A_512 = arith.addi %mul3A_86, %add3A_497 : i32
        %mul3A_513 = arith.constant 2 : i32
        %mul3A_514 = arith.muli %mul3A_513, %add3A_512 : i32
        %broadcast_in_dim3A_515 = vector.broadcast %mul3A_514 : i32 to vector<16xi32>
        %iota3A_516 = tpu.iota {dimensions = array<i32: 0>} : vector<16xi32>
        %mul3A_517 = arith.constant 2 : i32
        %mul3A_518 = vector.broadcast %mul3A_517 : i32 to vector<16xi32>
        %mul3A_519 = arith.muli %iota3A_516, %mul3A_518 : vector<16xi32>
        %add3A_520 = arith.addi %broadcast_in_dim3A_515, %mul3A_519 : vector<16xi32>
        %sub3A_521 = vector.broadcast %mul3A_2 : i32 to vector<16xi32>
        %sub3A_522 = arith.subi %add3A_511, %sub3A_521 : vector<16xi32>
        %bitcast3A_523 = vector.bitcast %sub3A_522 : vector<16xi32> to vector<16xi32>
        %lt3A_524 = arith.constant 16384 : i32
        %lt3A_525 = vector.broadcast %lt3A_524 : i32 to vector<16xi32>
        %lt3A_526 = arith.cmpi ult, %bitcast3A_523, %lt3A_525 : vector<16xi32>
        %and3A_527 = arith.constant 16383 : i32
        %and3A_528 = vector.broadcast %and3A_527 : i32 to vector<16xi32>
        %and3A_529 = arith.andi %sub3A_522, %and3A_528 : vector<16xi32>
        tpu.vector_store_idx %arg14[%and3A_529], %add3A_520 masked %lt3A_526 : memref<16384xi32, #tpu.memory_space<vmem>>[vector<16xi32>], vector<16xi32>, vector<16xi1>
        %mul3A_530 = arith.constant 256 : i32
        %mul3A_531 = arith.muli %scan3A_102, %mul3A_530 : i32
        %add3A_532 = arith.constant 192 : i32
        %add3A_533 = arith.addi %mul3A_531, %add3A_532 : i32
        %get3A_534 = arith.index_cast %add3A_533 : i32 to index
        %get3A_535 = tpu.vector_load %arg7[%get3A_534] {strides = array<i32>} : memref<8192xi32, #tpu.memory_space<vmem>>, vector<16xi32>,
        %get3A_536 = arith.index_cast %add3A_533 : i32 to index
        %get3A_537 = tpu.vector_load %arg9[%get3A_536] {strides = array<i32>} : memref<8192xi32, #tpu.memory_space<vmem>>, vector<16xi32>,
        %get3A_538 = arith.index_cast %add3A_533 : i32 to index
        %get3A_539 = tpu.vector_load %arg11[%get3A_538] {strides = array<i32>} : memref<8192xi32, #tpu.memory_space<vmem>>, vector<16xi32>,
        %mul3A_540 = arith.constant 16384 : i32
        %mul3A_541 = vector.broadcast %mul3A_540 : i32 to vector<16xi32>
        %mul3A_542 = arith.muli %get3A_535, %mul3A_541 : vector<16xi32>
        %mul3A_543 = arith.constant 64 : i32
        %mul3A_544 = vector.broadcast %mul3A_543 : i32 to vector<16xi32>
        %mul3A_545 = arith.muli %get3A_537, %mul3A_544 : vector<16xi32>
        %add3A_546 = arith.addi %mul3A_542, %mul3A_545 : vector<16xi32>
        %add3A_547 = arith.addi %add3A_546, %get3A_539 : vector<16xi32>
        %add3A_548 = arith.addi %mul3A_86, %add3A_533 : i32
        %mul3A_549 = arith.constant 2 : i32
        %mul3A_550 = arith.muli %mul3A_549, %add3A_548 : i32
        %broadcast_in_dim3A_551 = vector.broadcast %mul3A_550 : i32 to vector<16xi32>
        %iota3A_552 = tpu.iota {dimensions = array<i32: 0>} : vector<16xi32>
        %mul3A_553 = arith.constant 2 : i32
        %mul3A_554 = vector.broadcast %mul3A_553 : i32 to vector<16xi32>
        %mul3A_555 = arith.muli %iota3A_552, %mul3A_554 : vector<16xi32>
        %add3A_556 = arith.addi %broadcast_in_dim3A_551, %mul3A_555 : vector<16xi32>
        %sub3A_557 = vector.broadcast %mul3A_2 : i32 to vector<16xi32>
        %sub3A_558 = arith.subi %add3A_547, %sub3A_557 : vector<16xi32>
        %bitcast3A_559 = vector.bitcast %sub3A_558 : vector<16xi32> to vector<16xi32>
        %lt3A_560 = arith.constant 16384 : i32
        %lt3A_561 = vector.broadcast %lt3A_560 : i32 to vector<16xi32>
        %lt3A_562 = arith.cmpi ult, %bitcast3A_559, %lt3A_561 : vector<16xi32>
        %and3A_563 = arith.constant 16383 : i32
        %and3A_564 = vector.broadcast %and3A_563 : i32 to vector<16xi32>
        %and3A_565 = arith.andi %sub3A_558, %and3A_564 : vector<16xi32>
        tpu.vector_store_idx %arg14[%and3A_565], %add3A_556 masked %lt3A_562 : memref<16384xi32, #tpu.memory_space<vmem>>[vector<16xi32>], vector<16xi32>, vector<16xi1>
        %mul3A_566 = arith.constant 256 : i32
        %mul3A_567 = arith.muli %scan3A_102, %mul3A_566 : i32
        %add3A_568 = arith.constant 208 : i32
        %add3A_569 = arith.addi %mul3A_567, %add3A_568 : i32
        %get3A_570 = arith.index_cast %add3A_569 : i32 to index
        %get3A_571 = tpu.vector_load %arg7[%get3A_570] {strides = array<i32>} : memref<8192xi32, #tpu.memory_space<vmem>>, vector<16xi32>,
        %get3A_572 = arith.index_cast %add3A_569 : i32 to index
        %get3A_573 = tpu.vector_load %arg9[%get3A_572] {strides = array<i32>} : memref<8192xi32, #tpu.memory_space<vmem>>, vector<16xi32>,
        %get3A_574 = arith.index_cast %add3A_569 : i32 to index
        %get3A_575 = tpu.vector_load %arg11[%get3A_574] {strides = array<i32>} : memref<8192xi32, #tpu.memory_space<vmem>>, vector<16xi32>,
        %mul3A_576 = arith.constant 16384 : i32
        %mul3A_577 = vector.broadcast %mul3A_576 : i32 to vector<16xi32>
        %mul3A_578 = arith.muli %get3A_571, %mul3A_577 : vector<16xi32>
        %mul3A_579 = arith.constant 64 : i32
        %mul3A_580 = vector.broadcast %mul3A_579 : i32 to vector<16xi32>
        %mul3A_581 = arith.muli %get3A_573, %mul3A_580 : vector<16xi32>
        %add3A_582 = arith.addi %mul3A_578, %mul3A_581 : vector<16xi32>
        %add3A_583 = arith.addi %add3A_582, %get3A_575 : vector<16xi32>
        %add3A_584 = arith.addi %mul3A_86, %add3A_569 : i32
        %mul3A_585 = arith.constant 2 : i32
        %mul3A_586 = arith.muli %mul3A_585, %add3A_584 : i32
        %broadcast_in_dim3A_587 = vector.broadcast %mul3A_586 : i32 to vector<16xi32>
        %iota3A_588 = tpu.iota {dimensions = array<i32: 0>} : vector<16xi32>
        %mul3A_589 = arith.constant 2 : i32
        %mul3A_590 = vector.broadcast %mul3A_589 : i32 to vector<16xi32>
        %mul3A_591 = arith.muli %iota3A_588, %mul3A_590 : vector<16xi32>
        %add3A_592 = arith.addi %broadcast_in_dim3A_587, %mul3A_591 : vector<16xi32>
        %sub3A_593 = vector.broadcast %mul3A_2 : i32 to vector<16xi32>
        %sub3A_594 = arith.subi %add3A_583, %sub3A_593 : vector<16xi32>
        %bitcast3A_595 = vector.bitcast %sub3A_594 : vector<16xi32> to vector<16xi32>
        %lt3A_596 = arith.constant 16384 : i32
        %lt3A_597 = vector.broadcast %lt3A_596 : i32 to vector<16xi32>
        %lt3A_598 = arith.cmpi ult, %bitcast3A_595, %lt3A_597 : vector<16xi32>
        %and3A_599 = arith.constant 16383 : i32
        %and3A_600 = vector.broadcast %and3A_599 : i32 to vector<16xi32>
        %and3A_601 = arith.andi %sub3A_594, %and3A_600 : vector<16xi32>
        tpu.vector_store_idx %arg14[%and3A_601], %add3A_592 masked %lt3A_598 : memref<16384xi32, #tpu.memory_space<vmem>>[vector<16xi32>], vector<16xi32>, vector<16xi1>
        %mul3A_602 = arith.constant 256 : i32
        %mul3A_603 = arith.muli %scan3A_102, %mul3A_602 : i32
        %add3A_604 = arith.constant 224 : i32
        %add3A_605 = arith.addi %mul3A_603, %add3A_604 : i32
        %get3A_606 = arith.index_cast %add3A_605 : i32 to index
        %get3A_607 = tpu.vector_load %arg7[%get3A_606] {strides = array<i32>} : memref<8192xi32, #tpu.memory_space<vmem>>, vector<16xi32>,
        %get3A_608 = arith.index_cast %add3A_605 : i32 to index
        %get3A_609 = tpu.vector_load %arg9[%get3A_608] {strides = array<i32>} : memref<8192xi32, #tpu.memory_space<vmem>>, vector<16xi32>,
        %get3A_610 = arith.index_cast %add3A_605 : i32 to index
        %get3A_611 = tpu.vector_load %arg11[%get3A_610] {strides = array<i32>} : memref<8192xi32, #tpu.memory_space<vmem>>, vector<16xi32>,
        %mul3A_612 = arith.constant 16384 : i32
        %mul3A_613 = vector.broadcast %mul3A_612 : i32 to vector<16xi32>
        %mul3A_614 = arith.muli %get3A_607, %mul3A_613 : vector<16xi32>
        %mul3A_615 = arith.constant 64 : i32
        %mul3A_616 = vector.broadcast %mul3A_615 : i32 to vector<16xi32>
        %mul3A_617 = arith.muli %get3A_609, %mul3A_616 : vector<16xi32>
        %add3A_618 = arith.addi %mul3A_614, %mul3A_617 : vector<16xi32>
        %add3A_619 = arith.addi %add3A_618, %get3A_611 : vector<16xi32>
        %add3A_620 = arith.addi %mul3A_86, %add3A_605 : i32
        %mul3A_621 = arith.constant 2 : i32
        %mul3A_622 = arith.muli %mul3A_621, %add3A_620 : i32
        %broadcast_in_dim3A_623 = vector.broadcast %mul3A_622 : i32 to vector<16xi32>
        %iota3A_624 = tpu.iota {dimensions = array<i32: 0>} : vector<16xi32>
        %mul3A_625 = arith.constant 2 : i32
        %mul3A_626 = vector.broadcast %mul3A_625 : i32 to vector<16xi32>
        %mul3A_627 = arith.muli %iota3A_624, %mul3A_626 : vector<16xi32>
        %add3A_628 = arith.addi %broadcast_in_dim3A_623, %mul3A_627 : vector<16xi32>
        %sub3A_629 = vector.broadcast %mul3A_2 : i32 to vector<16xi32>
        %sub3A_630 = arith.subi %add3A_619, %sub3A_629 : vector<16xi32>
        %bitcast3A_631 = vector.bitcast %sub3A_630 : vector<16xi32> to vector<16xi32>
        %lt3A_632 = arith.constant 16384 : i32
        %lt3A_633 = vector.broadcast %lt3A_632 : i32 to vector<16xi32>
        %lt3A_634 = arith.cmpi ult, %bitcast3A_631, %lt3A_633 : vector<16xi32>
        %and3A_635 = arith.constant 16383 : i32
        %and3A_636 = vector.broadcast %and3A_635 : i32 to vector<16xi32>
        %and3A_637 = arith.andi %sub3A_630, %and3A_636 : vector<16xi32>
        tpu.vector_store_idx %arg14[%and3A_637], %add3A_628 masked %lt3A_634 : memref<16384xi32, #tpu.memory_space<vmem>>[vector<16xi32>], vector<16xi32>, vector<16xi1>
        %mul3A_638 = arith.constant 256 : i32
        %mul3A_639 = arith.muli %scan3A_102, %mul3A_638 : i32
        %add3A_640 = arith.constant 240 : i32
        %add3A_641 = arith.addi %mul3A_639, %add3A_640 : i32
        %get3A_642 = arith.index_cast %add3A_641 : i32 to index
        %get3A_643 = tpu.vector_load %arg7[%get3A_642] {strides = array<i32>} : memref<8192xi32, #tpu.memory_space<vmem>>, vector<16xi32>,
        %get3A_644 = arith.index_cast %add3A_641 : i32 to index
        %get3A_645 = tpu.vector_load %arg9[%get3A_644] {strides = array<i32>} : memref<8192xi32, #tpu.memory_space<vmem>>, vector<16xi32>,
        %get3A_646 = arith.index_cast %add3A_641 : i32 to index
        %get3A_647 = tpu.vector_load %arg11[%get3A_646] {strides = array<i32>} : memref<8192xi32, #tpu.memory_space<vmem>>, vector<16xi32>,
        %mul3A_648 = arith.constant 16384 : i32
        %mul3A_649 = vector.broadcast %mul3A_648 : i32 to vector<16xi32>
        %mul3A_650 = arith.muli %get3A_643, %mul3A_649 : vector<16xi32>
        %mul3A_651 = arith.constant 64 : i32
        %mul3A_652 = vector.broadcast %mul3A_651 : i32 to vector<16xi32>
        %mul3A_653 = arith.muli %get3A_645, %mul3A_652 : vector<16xi32>
        %add3A_654 = arith.addi %mul3A_650, %mul3A_653 : vector<16xi32>
        %add3A_655 = arith.addi %add3A_654, %get3A_647 : vector<16xi32>
        %add3A_656 = arith.addi %mul3A_86, %add3A_641 : i32
        %mul3A_657 = arith.constant 2 : i32
        %mul3A_658 = arith.muli %mul3A_657, %add3A_656 : i32
        %broadcast_in_dim3A_659 = vector.broadcast %mul3A_658 : i32 to vector<16xi32>
        %iota3A_660 = tpu.iota {dimensions = array<i32: 0>} : vector<16xi32>
        %mul3A_661 = arith.constant 2 : i32
        %mul3A_662 = vector.broadcast %mul3A_661 : i32 to vector<16xi32>
        %mul3A_663 = arith.muli %iota3A_660, %mul3A_662 : vector<16xi32>
        %add3A_664 = arith.addi %broadcast_in_dim3A_659, %mul3A_663 : vector<16xi32>
        %sub3A_665 = vector.broadcast %mul3A_2 : i32 to vector<16xi32>
        %sub3A_666 = arith.subi %add3A_655, %sub3A_665 : vector<16xi32>
        %bitcast3A_667 = vector.bitcast %sub3A_666 : vector<16xi32> to vector<16xi32>
        %lt3A_668 = arith.constant 16384 : i32
        %lt3A_669 = vector.broadcast %lt3A_668 : i32 to vector<16xi32>
        %lt3A_670 = arith.cmpi ult, %bitcast3A_667, %lt3A_669 : vector<16xi32>
        %and3A_671 = arith.constant 16383 : i32
        %and3A_672 = vector.broadcast %and3A_671 : i32 to vector<16xi32>
        %and3A_673 = arith.andi %sub3A_666, %and3A_672 : vector<16xi32>
        tpu.vector_store_idx %arg14[%and3A_673], %add3A_664 masked %lt3A_670 : memref<16384xi32, #tpu.memory_space<vmem>>[vector<16xi32>], vector<16xi32>, vector<16xi1>
        %scan3A_674 = arith.constant 0 : i32
        scf.yield %scan3A_674 : i32
      }
      %scan3A_93 = arith.constant 32 : i32
      %add3A_94 = arith.constant 2 : i32
      %add3A_95 = arith.addi %add3A_72, %add3A_94 : i32
      %lt3A_96 = arith.constant 32 : i32
      %lt3A_97 = arith.cmpi slt, %add3A_95, %lt3A_96 : i32
      %convert_element_type3A_98 = arith.extui %lt3A_97 : i1 to i32
      %cond3A_99 = arith.constant 0 : i32
      %cond3A_100 = arith.cmpi ne, %convert_element_type3A_98, %cond3A_99 : i32
      scf.if %cond3A_100 {
        %add3A_102 = arith.constant 2 : i32
        %add3A_103 = arith.addi %add3A_72, %add3A_102 : i32
        %mul3A_104 = arith.constant 8192 : i32
        %mul3A_105 = arith.muli %add3A_103, %mul3A_104 : i32
        %dma_start3A_106 = tpu.memref_slice %arg2[%mul3A_105] : memref<262144xi32, #tpu.memory_space<hbm>> -> memref<8192xi32, #tpu.memory_space<hbm>>
        %dma_start3A_107 = tpu.memref_slice %arg2[%mul3A_105] : memref<262144xi32, #tpu.memory_space<hbm>> -> memref<8192xi32, #tpu.memory_space<hbm>>
        tpu.enqueue_dma source(%dma_start3A_107 : memref<8192xi32, #tpu.memory_space<hbm>>) target(%arg7 : memref<8192xi32, #tpu.memory_space<vmem>>) target_semaphore(%arg13 : memref<!tpu.dma_semaphore, #tpu.memory_space<semaphore_mem>>)
        %dma_start3A_108 = tpu.memref_slice %arg3[%mul3A_105] : memref<262144xi32, #tpu.memory_space<hbm>> -> memref<8192xi32, #tpu.memory_space<hbm>>
        %dma_start3A_109 = tpu.memref_slice %arg3[%mul3A_105] : memref<262144xi32, #tpu.memory_space<hbm>> -> memref<8192xi32, #tpu.memory_space<hbm>>
        tpu.enqueue_dma source(%dma_start3A_109 : memref<8192xi32, #tpu.memory_space<hbm>>) target(%arg9 : memref<8192xi32, #tpu.memory_space<vmem>>) target_semaphore(%arg13 : memref<!tpu.dma_semaphore, #tpu.memory_space<semaphore_mem>>)
        %dma_start3A_110 = tpu.memref_slice %arg4[%mul3A_105] : memref<262144xi32, #tpu.memory_space<hbm>> -> memref<8192xi32, #tpu.memory_space<hbm>>
        %dma_start3A_111 = tpu.memref_slice %arg4[%mul3A_105] : memref<262144xi32, #tpu.memory_space<hbm>> -> memref<8192xi32, #tpu.memory_space<hbm>>
        tpu.enqueue_dma source(%dma_start3A_111 : memref<8192xi32, #tpu.memory_space<hbm>>) target(%arg11 : memref<8192xi32, #tpu.memory_space<vmem>>) target_semaphore(%arg13 : memref<!tpu.dma_semaphore, #tpu.memory_space<semaphore_mem>>)
      } else {
      }
      %scan3A_101 = arith.constant 0 : i32
      scf.yield %scan3A_101 : i32
    }
    %scan3A_38 = arith.constant 16 : i32
    "tpu.region"() ({
      %run_scoped3A = tpu.sem_alloc : memref<!tpu.dma_semaphore, #tpu.memory_space<semaphore_mem>>
      %dma_start3A_39 = tpu.memref_slice %arg5[%mul3A_2] : memref<524288xi32, #tpu.memory_space<hbm>> -> memref<16384xi32, #tpu.memory_space<hbm>>
      %dma_start3A_40 = tpu.memref_slice %arg5[%mul3A_2] : memref<524288xi32, #tpu.memory_space<hbm>> -> memref<16384xi32, #tpu.memory_space<hbm>>
      tpu.enqueue_dma source(%arg14 : memref<16384xi32, #tpu.memory_space<vmem>>) target(%dma_start3A_40 : memref<16384xi32, #tpu.memory_space<hbm>>) target_semaphore(%run_scoped3A : memref<!tpu.dma_semaphore, #tpu.memory_space<semaphore_mem>>)
      %dma_wait3A = tpu.memref_slice %arg5[%mul3A_2] : memref<524288xi32, #tpu.memory_space<hbm>> -> memref<16384xi32, #tpu.memory_space<hbm>>
      %dma_wait3A_41 = tpu.memref_slice %arg5[%mul3A_2] : memref<524288xi32, #tpu.memory_space<hbm>> -> memref<16384xi32, #tpu.memory_space<hbm>>
      tpu.wait_dma2 semaphore(%run_scoped3A : memref<!tpu.dma_semaphore, #tpu.memory_space<semaphore_mem>>) src(%arg14 : memref<16384xi32, #tpu.memory_space<vmem>>) dst(%dma_wait3A_41 : memref<16384xi32, #tpu.memory_space<hbm>>)
      tpu.yield
    }) : () -> ()
    return
  }
}

#map = affine_map<(d0, d1) -> (0)>
#map1 = affine_map<(d0, d1) -> (0, 0)>
module attributes {stable_mosaic.version = 14 : i64} {
  func.func @_gather_body(%arg0: i32, %arg1: i32, %arg2: memref<524288xi32, #tpu.memory_space<hbm>>, %arg3: memref<526336x64xf32, #tpu.memory_space<hbm>>, %arg4: memref<524288x64xf32, #tpu.memory_space<hbm>>, %arg5: memref<16384xi32, #tpu.memory_space<vmem>>, %arg6: memref<128x64xf32, #tpu.memory_space<vmem>>, %arg7: memref<128x64xf32, #tpu.memory_space<vmem>>, %arg8: memref<128x64xf32, #tpu.memory_space<vmem>>, %arg9: memref<128x64xf32, #tpu.memory_space<vmem>>, %arg10: memref<!tpu.dma_semaphore, #tpu.memory_space<semaphore_mem>>, %arg11: memref<!tpu.dma_semaphore, #tpu.memory_space<semaphore_mem>>, %arg12: memref<!tpu.dma_semaphore, #tpu.memory_space<semaphore_mem>>, %arg13: memref<!tpu.dma_semaphore, #tpu.memory_space<semaphore_mem>>, %arg14: memref<!tpu.dma_semaphore, #tpu.memory_space<semaphore_mem>>, %arg15: memref<!tpu.dma_semaphore, #tpu.memory_space<semaphore_mem>>, %arg16: memref<!tpu.dma_semaphore, #tpu.memory_space<semaphore_mem>>, %arg17: memref<!tpu.dma_semaphore, #tpu.memory_space<semaphore_mem>>) attributes {dimension_semantics = [#tpu.dimension_semantics<core_parallel>, #tpu.dimension_semantics<subcore_parallel>], iteration_bounds = array<i64: 2, 16>, scalar_prefetch = 0 : i64, scratch_operands = 13 : i64, tpu.core_type = #tpu.core_type<sc_vector_subcore>, window_params = [{transform_indices = #map}, {transform_indices = #map1}, {transform_indices = #map1}]} {
    %mul3A = arith.constant 2 : i32
    %mul3A_0 = arith.muli %arg1, %mul3A : i32
    %add3A = arith.addi %mul3A_0, %arg0 : i32
    %mul3A_1 = arith.constant 16384 : i32
    %mul3A_2 = arith.muli %add3A, %mul3A_1 : i32
    "tpu.region"() ({
      %run_scoped3A = tpu.sem_alloc : memref<!tpu.dma_semaphore, #tpu.memory_space<semaphore_mem>>
      %dma_start3A_95 = tpu.memref_slice %arg2[%mul3A_2] : memref<524288xi32, #tpu.memory_space<hbm>> -> memref<16384xi32, #tpu.memory_space<hbm>>
      %dma_start3A_96 = tpu.memref_slice %arg2[%mul3A_2] : memref<524288xi32, #tpu.memory_space<hbm>> -> memref<16384xi32, #tpu.memory_space<hbm>>
      tpu.enqueue_dma source(%dma_start3A_96 : memref<16384xi32, #tpu.memory_space<hbm>>) target(%arg5 : memref<16384xi32, #tpu.memory_space<vmem>>) target_semaphore(%run_scoped3A : memref<!tpu.dma_semaphore, #tpu.memory_space<semaphore_mem>>)
      %dma_wait3A_97 = tpu.memref_slice %arg2[%mul3A_2] : memref<524288xi32, #tpu.memory_space<hbm>> -> memref<16384xi32, #tpu.memory_space<hbm>>
      %dma_wait3A_98 = tpu.memref_slice %arg2[%mul3A_2] : memref<524288xi32, #tpu.memory_space<hbm>> -> memref<16384xi32, #tpu.memory_space<hbm>>
      tpu.wait_dma2 semaphore(%run_scoped3A : memref<!tpu.dma_semaphore, #tpu.memory_space<semaphore_mem>>) src(%dma_wait3A_98 : memref<16384xi32, #tpu.memory_space<hbm>>) dst(%arg5 : memref<16384xi32, #tpu.memory_space<vmem>>)
      tpu.yield
    }) : () -> ()
    %dma_start3A = arith.constant 0 : i32
    %dma_start3A_3 = tpu.memref_slice %arg5[%dma_start3A] : memref<16384xi32, #tpu.memory_space<vmem>> -> memref<128xi32, #tpu.memory_space<vmem>>
    %dma_start3A_4 = arith.constant 0 : i32
    %dma_start3A_5 = arith.constant 0 : i32
    %dma_start3A_6 = tpu.memref_slice %arg3[%dma_start3A_4, %dma_start3A_5] : memref<526336x64xf32, #tpu.memory_space<hbm>> -> memref<526336x64xf32, #tpu.memory_space<hbm>>
    tpu.enqueue_indirect_dma source(%dma_start3A_6 : memref<526336x64xf32, #tpu.memory_space<hbm>>) target(%arg6 : memref<128x64xf32, #tpu.memory_space<vmem>>) offsets(%dma_start3A_3 : memref<128xi32, #tpu.memory_space<vmem>>) semaphore(%arg10 : memref<!tpu.dma_semaphore, #tpu.memory_space<semaphore_mem>>)
    %dma_start3A_7 = arith.constant 128 : i32
    %dma_start3A_8 = tpu.memref_slice %arg5[%dma_start3A_7] : memref<16384xi32, #tpu.memory_space<vmem>> -> memref<128xi32, #tpu.memory_space<vmem>>
    %dma_start3A_9 = arith.constant 0 : i32
    %dma_start3A_10 = arith.constant 0 : i32
    %dma_start3A_11 = tpu.memref_slice %arg3[%dma_start3A_9, %dma_start3A_10] : memref<526336x64xf32, #tpu.memory_space<hbm>> -> memref<526336x64xf32, #tpu.memory_space<hbm>>
    tpu.enqueue_indirect_dma source(%dma_start3A_11 : memref<526336x64xf32, #tpu.memory_space<hbm>>) target(%arg7 : memref<128x64xf32, #tpu.memory_space<vmem>>) offsets(%dma_start3A_8 : memref<128xi32, #tpu.memory_space<vmem>>) semaphore(%arg11 : memref<!tpu.dma_semaphore, #tpu.memory_space<semaphore_mem>>)
    %dma_start3A_12 = arith.constant 256 : i32
    %dma_start3A_13 = tpu.memref_slice %arg5[%dma_start3A_12] : memref<16384xi32, #tpu.memory_space<vmem>> -> memref<128xi32, #tpu.memory_space<vmem>>
    %dma_start3A_14 = arith.constant 0 : i32
    %dma_start3A_15 = arith.constant 0 : i32
    %dma_start3A_16 = tpu.memref_slice %arg3[%dma_start3A_14, %dma_start3A_15] : memref<526336x64xf32, #tpu.memory_space<hbm>> -> memref<526336x64xf32, #tpu.memory_space<hbm>>
    tpu.enqueue_indirect_dma source(%dma_start3A_16 : memref<526336x64xf32, #tpu.memory_space<hbm>>) target(%arg8 : memref<128x64xf32, #tpu.memory_space<vmem>>) offsets(%dma_start3A_13 : memref<128xi32, #tpu.memory_space<vmem>>) semaphore(%arg12 : memref<!tpu.dma_semaphore, #tpu.memory_space<semaphore_mem>>)
    %dma_wait3A = arith.constant 0 : i32
    %dma_wait3A_17 = tpu.memref_slice %arg5[%dma_wait3A] : memref<16384xi32, #tpu.memory_space<vmem>> -> memref<128xi32, #tpu.memory_space<vmem>>
    %dma_wait3A_18 = arith.constant 0 : i32
    %dma_wait3A_19 = arith.constant 0 : i32
    %dma_wait3A_20 = tpu.memref_slice %arg3[%dma_wait3A_18, %dma_wait3A_19] : memref<526336x64xf32, #tpu.memory_space<hbm>> -> memref<526336x64xf32, #tpu.memory_space<hbm>>
    tpu.wait_indirect_dma semaphore(%arg10 : memref<!tpu.dma_semaphore, #tpu.memory_space<semaphore_mem>>) src(%dma_wait3A_20 : memref<526336x64xf32, #tpu.memory_space<hbm>>) dst(%arg6 : memref<128x64xf32, #tpu.memory_space<vmem>>)
    %add3A_21 = arith.constant 0 : i32
    %add3A_22 = arith.addi %mul3A_2, %add3A_21 : i32
    %dma_start3A_23 = arith.constant 0 : i32
    %dma_start3A_24 = tpu.memref_slice %arg4[%add3A_22, %dma_start3A_23] : memref<524288x64xf32, #tpu.memory_space<hbm>> -> memref<128x64xf32, #tpu.memory_space<hbm>>
    %dma_start3A_25 = arith.constant 0 : i32
    %dma_start3A_26 = tpu.memref_slice %arg4[%add3A_22, %dma_start3A_25] : memref<524288x64xf32, #tpu.memory_space<hbm>> -> memref<128x64xf32, #tpu.memory_space<hbm>>
    tpu.enqueue_dma source(%arg6 : memref<128x64xf32, #tpu.memory_space<vmem>>) target(%dma_start3A_26 : memref<128x64xf32, #tpu.memory_space<hbm>>) target_semaphore(%arg14 : memref<!tpu.dma_semaphore, #tpu.memory_space<semaphore_mem>>)
    %dma_start3A_27 = arith.constant 384 : i32
    %dma_start3A_28 = tpu.memref_slice %arg5[%dma_start3A_27] : memref<16384xi32, #tpu.memory_space<vmem>> -> memref<128xi32, #tpu.memory_space<vmem>>
    %dma_start3A_29 = arith.constant 0 : i32
    %dma_start3A_30 = arith.constant 0 : i32
    %dma_start3A_31 = tpu.memref_slice %arg3[%dma_start3A_29, %dma_start3A_30] : memref<526336x64xf32, #tpu.memory_space<hbm>> -> memref<526336x64xf32, #tpu.memory_space<hbm>>
    tpu.enqueue_indirect_dma source(%dma_start3A_31 : memref<526336x64xf32, #tpu.memory_space<hbm>>) target(%arg9 : memref<128x64xf32, #tpu.memory_space<vmem>>) offsets(%dma_start3A_28 : memref<128xi32, #tpu.memory_space<vmem>>) semaphore(%arg13 : memref<!tpu.dma_semaphore, #tpu.memory_space<semaphore_mem>>)
    %dma_wait3A_32 = arith.constant 0 : i32
    %dma_wait3A_33 = tpu.memref_slice %arg5[%dma_wait3A_32] : memref<16384xi32, #tpu.memory_space<vmem>> -> memref<128xi32, #tpu.memory_space<vmem>>
    %dma_wait3A_34 = arith.constant 0 : i32
    %dma_wait3A_35 = arith.constant 0 : i32
    %dma_wait3A_36 = tpu.memref_slice %arg3[%dma_wait3A_34, %dma_wait3A_35] : memref<526336x64xf32, #tpu.memory_space<hbm>> -> memref<526336x64xf32, #tpu.memory_space<hbm>>
    tpu.wait_indirect_dma semaphore(%arg11 : memref<!tpu.dma_semaphore, #tpu.memory_space<semaphore_mem>>) src(%dma_wait3A_36 : memref<526336x64xf32, #tpu.memory_space<hbm>>) dst(%arg7 : memref<128x64xf32, #tpu.memory_space<vmem>>)
    %add3A_37 = arith.constant 128 : i32
    %add3A_38 = arith.addi %mul3A_2, %add3A_37 : i32
    %dma_start3A_39 = arith.constant 0 : i32
    %dma_start3A_40 = tpu.memref_slice %arg4[%add3A_38, %dma_start3A_39] : memref<524288x64xf32, #tpu.memory_space<hbm>> -> memref<128x64xf32, #tpu.memory_space<hbm>>
    %dma_start3A_41 = arith.constant 0 : i32
    %dma_start3A_42 = tpu.memref_slice %arg4[%add3A_38, %dma_start3A_41] : memref<524288x64xf32, #tpu.memory_space<hbm>> -> memref<128x64xf32, #tpu.memory_space<hbm>>
    tpu.enqueue_dma source(%arg7 : memref<128x64xf32, #tpu.memory_space<vmem>>) target(%dma_start3A_42 : memref<128x64xf32, #tpu.memory_space<hbm>>) target_semaphore(%arg15 : memref<!tpu.dma_semaphore, #tpu.memory_space<semaphore_mem>>)
    %scan3A = arith.constant 0 : i32
    %scan3A_43 = arith.constant 1 : i32
    %scan3A_44 = arith.constant 31 : i32
    %scan3A_45 = arith.addi %scan3A_43, %scan3A_44 : i32
    %scan3A_46 = arith.constant 1 : i32
    %scan3A_47 = scf.for %scan3A_95 = %scan3A_43 to %scan3A_45 step %scan3A_46 iter_args(%scan3A_96 = %scan3A) -> (i32)  : i32 {
      %mul3A_97 = arith.constant 4 : i32
      %mul3A_98 = arith.muli %scan3A_95, %mul3A_97 : i32
      %add3A_99 = arith.constant 0 : i32
      %add3A_100 = arith.addi %mul3A_98, %add3A_99 : i32
      %dma_wait3A_101 = arith.constant 0 : i32
      %dma_wait3A_102 = arith.constant 0 : i32
      %dma_wait3A_103 = tpu.memref_slice %arg4[%dma_wait3A_101, %dma_wait3A_102] : memref<524288x64xf32, #tpu.memory_space<hbm>> -> memref<128x64xf32, #tpu.memory_space<hbm>>
      %dma_wait3A_104 = arith.constant 0 : i32
      %dma_wait3A_105 = arith.constant 0 : i32
      %dma_wait3A_106 = tpu.memref_slice %arg4[%dma_wait3A_104, %dma_wait3A_105] : memref<524288x64xf32, #tpu.memory_space<hbm>> -> memref<128x64xf32, #tpu.memory_space<hbm>>
      tpu.wait_dma2 semaphore(%arg14 : memref<!tpu.dma_semaphore, #tpu.memory_space<semaphore_mem>>) src(%arg6 : memref<128x64xf32, #tpu.memory_space<vmem>>) dst(%dma_wait3A_106 : memref<128x64xf32, #tpu.memory_space<hbm>>)
      %mul3A_107 = arith.constant 128 : i32
      %mul3A_108 = arith.muli %add3A_100, %mul3A_107 : i32
      %dma_start3A_109 = tpu.memref_slice %arg5[%mul3A_108] : memref<16384xi32, #tpu.memory_space<vmem>> -> memref<128xi32, #tpu.memory_space<vmem>>
      %dma_start3A_110 = arith.constant 0 : i32
      %dma_start3A_111 = arith.constant 0 : i32
      %dma_start3A_112 = tpu.memref_slice %arg3[%dma_start3A_110, %dma_start3A_111] : memref<526336x64xf32, #tpu.memory_space<hbm>> -> memref<526336x64xf32, #tpu.memory_space<hbm>>
      tpu.enqueue_indirect_dma source(%dma_start3A_112 : memref<526336x64xf32, #tpu.memory_space<hbm>>) target(%arg6 : memref<128x64xf32, #tpu.memory_space<vmem>>) offsets(%dma_start3A_109 : memref<128xi32, #tpu.memory_space<vmem>>) semaphore(%arg10 : memref<!tpu.dma_semaphore, #tpu.memory_space<semaphore_mem>>)
      %sub3A = arith.constant 2 : i32
      %sub3A_113 = arith.subi %add3A_100, %sub3A : i32
      %dma_wait3A_114 = arith.constant 0 : i32
      %dma_wait3A_115 = tpu.memref_slice %arg5[%dma_wait3A_114] : memref<16384xi32, #tpu.memory_space<vmem>> -> memref<128xi32, #tpu.memory_space<vmem>>
      %dma_wait3A_116 = arith.constant 0 : i32
      %dma_wait3A_117 = arith.constant 0 : i32
      %dma_wait3A_118 = tpu.memref_slice %arg3[%dma_wait3A_116, %dma_wait3A_117] : memref<526336x64xf32, #tpu.memory_space<hbm>> -> memref<526336x64xf32, #tpu.memory_space<hbm>>
      tpu.wait_indirect_dma semaphore(%arg12 : memref<!tpu.dma_semaphore, #tpu.memory_space<semaphore_mem>>) src(%dma_wait3A_118 : memref<526336x64xf32, #tpu.memory_space<hbm>>) dst(%arg8 : memref<128x64xf32, #tpu.memory_space<vmem>>)
      %mul3A_119 = arith.constant 128 : i32
      %mul3A_120 = arith.muli %sub3A_113, %mul3A_119 : i32
      %add3A_121 = arith.addi %mul3A_2, %mul3A_120 : i32
      %dma_start3A_122 = arith.constant 0 : i32
      %dma_start3A_123 = tpu.memref_slice %arg4[%add3A_121, %dma_start3A_122] : memref<524288x64xf32, #tpu.memory_space<hbm>> -> memref<128x64xf32, #tpu.memory_space<hbm>>
      %dma_start3A_124 = arith.constant 0 : i32
      %dma_start3A_125 = tpu.memref_slice %arg4[%add3A_121, %dma_start3A_124] : memref<524288x64xf32, #tpu.memory_space<hbm>> -> memref<128x64xf32, #tpu.memory_space<hbm>>
      tpu.enqueue_dma source(%arg8 : memref<128x64xf32, #tpu.memory_space<vmem>>) target(%dma_start3A_125 : memref<128x64xf32, #tpu.memory_space<hbm>>) target_semaphore(%arg16 : memref<!tpu.dma_semaphore, #tpu.memory_space<semaphore_mem>>)
      %mul3A_126 = arith.constant 4 : i32
      %mul3A_127 = arith.muli %scan3A_95, %mul3A_126 : i32
      %add3A_128 = arith.constant 1 : i32
      %add3A_129 = arith.addi %mul3A_127, %add3A_128 : i32
      %dma_wait3A_130 = arith.constant 0 : i32
      %dma_wait3A_131 = arith.constant 0 : i32
      %dma_wait3A_132 = tpu.memref_slice %arg4[%dma_wait3A_130, %dma_wait3A_131] : memref<524288x64xf32, #tpu.memory_space<hbm>> -> memref<128x64xf32, #tpu.memory_space<hbm>>
      %dma_wait3A_133 = arith.constant 0 : i32
      %dma_wait3A_134 = arith.constant 0 : i32
      %dma_wait3A_135 = tpu.memref_slice %arg4[%dma_wait3A_133, %dma_wait3A_134] : memref<524288x64xf32, #tpu.memory_space<hbm>> -> memref<128x64xf32, #tpu.memory_space<hbm>>
      tpu.wait_dma2 semaphore(%arg15 : memref<!tpu.dma_semaphore, #tpu.memory_space<semaphore_mem>>) src(%arg7 : memref<128x64xf32, #tpu.memory_space<vmem>>) dst(%dma_wait3A_135 : memref<128x64xf32, #tpu.memory_space<hbm>>)
      %mul3A_136 = arith.constant 128 : i32
      %mul3A_137 = arith.muli %add3A_129, %mul3A_136 : i32
      %dma_start3A_138 = tpu.memref_slice %arg5[%mul3A_137] : memref<16384xi32, #tpu.memory_space<vmem>> -> memref<128xi32, #tpu.memory_space<vmem>>
      %dma_start3A_139 = arith.constant 0 : i32
      %dma_start3A_140 = arith.constant 0 : i32
      %dma_start3A_141 = tpu.memref_slice %arg3[%dma_start3A_139, %dma_start3A_140] : memref<526336x64xf32, #tpu.memory_space<hbm>> -> memref<526336x64xf32, #tpu.memory_space<hbm>>
      tpu.enqueue_indirect_dma source(%dma_start3A_141 : memref<526336x64xf32, #tpu.memory_space<hbm>>) target(%arg7 : memref<128x64xf32, #tpu.memory_space<vmem>>) offsets(%dma_start3A_138 : memref<128xi32, #tpu.memory_space<vmem>>) semaphore(%arg11 : memref<!tpu.dma_semaphore, #tpu.memory_space<semaphore_mem>>)
      %sub3A_142 = arith.constant 2 : i32
      %sub3A_143 = arith.subi %add3A_129, %sub3A_142 : i32
      %dma_wait3A_144 = arith.constant 0 : i32
      %dma_wait3A_145 = tpu.memref_slice %arg5[%dma_wait3A_144] : memref<16384xi32, #tpu.memory_space<vmem>> -> memref<128xi32, #tpu.memory_space<vmem>>
      %dma_wait3A_146 = arith.constant 0 : i32
      %dma_wait3A_147 = arith.constant 0 : i32
      %dma_wait3A_148 = tpu.memref_slice %arg3[%dma_wait3A_146, %dma_wait3A_147] : memref<526336x64xf32, #tpu.memory_space<hbm>> -> memref<526336x64xf32, #tpu.memory_space<hbm>>
      tpu.wait_indirect_dma semaphore(%arg13 : memref<!tpu.dma_semaphore, #tpu.memory_space<semaphore_mem>>) src(%dma_wait3A_148 : memref<526336x64xf32, #tpu.memory_space<hbm>>) dst(%arg9 : memref<128x64xf32, #tpu.memory_space<vmem>>)
      %mul3A_149 = arith.constant 128 : i32
      %mul3A_150 = arith.muli %sub3A_143, %mul3A_149 : i32
      %add3A_151 = arith.addi %mul3A_2, %mul3A_150 : i32
      %dma_start3A_152 = arith.constant 0 : i32
      %dma_start3A_153 = tpu.memref_slice %arg4[%add3A_151, %dma_start3A_152] : memref<524288x64xf32, #tpu.memory_space<hbm>> -> memref<128x64xf32, #tpu.memory_space<hbm>>
      %dma_start3A_154 = arith.constant 0 : i32
      %dma_start3A_155 = tpu.memref_slice %arg4[%add3A_151, %dma_start3A_154] : memref<524288x64xf32, #tpu.memory_space<hbm>> -> memref<128x64xf32, #tpu.memory_space<hbm>>
      tpu.enqueue_dma source(%arg9 : memref<128x64xf32, #tpu.memory_space<vmem>>) target(%dma_start3A_155 : memref<128x64xf32, #tpu.memory_space<hbm>>) target_semaphore(%arg17 : memref<!tpu.dma_semaphore, #tpu.memory_space<semaphore_mem>>)
      %mul3A_156 = arith.constant 4 : i32
      %mul3A_157 = arith.muli %scan3A_95, %mul3A_156 : i32
      %add3A_158 = arith.constant 2 : i32
      %add3A_159 = arith.addi %mul3A_157, %add3A_158 : i32
      %dma_wait3A_160 = arith.constant 0 : i32
      %dma_wait3A_161 = arith.constant 0 : i32
      %dma_wait3A_162 = tpu.memref_slice %arg4[%dma_wait3A_160, %dma_wait3A_161] : memref<524288x64xf32, #tpu.memory_space<hbm>> -> memref<128x64xf32, #tpu.memory_space<hbm>>
      %dma_wait3A_163 = arith.constant 0 : i32
      %dma_wait3A_164 = arith.constant 0 : i32
      %dma_wait3A_165 = tpu.memref_slice %arg4[%dma_wait3A_163, %dma_wait3A_164] : memref<524288x64xf32, #tpu.memory_space<hbm>> -> memref<128x64xf32, #tpu.memory_space<hbm>>
      tpu.wait_dma2 semaphore(%arg16 : memref<!tpu.dma_semaphore, #tpu.memory_space<semaphore_mem>>) src(%arg8 : memref<128x64xf32, #tpu.memory_space<vmem>>) dst(%dma_wait3A_165 : memref<128x64xf32, #tpu.memory_space<hbm>>)
      %mul3A_166 = arith.constant 128 : i32
      %mul3A_167 = arith.muli %add3A_159, %mul3A_166 : i32
      %dma_start3A_168 = tpu.memref_slice %arg5[%mul3A_167] : memref<16384xi32, #tpu.memory_space<vmem>> -> memref<128xi32, #tpu.memory_space<vmem>>
      %dma_start3A_169 = arith.constant 0 : i32
      %dma_start3A_170 = arith.constant 0 : i32
      %dma_start3A_171 = tpu.memref_slice %arg3[%dma_start3A_169, %dma_start3A_170] : memref<526336x64xf32, #tpu.memory_space<hbm>> -> memref<526336x64xf32, #tpu.memory_space<hbm>>
      tpu.enqueue_indirect_dma source(%dma_start3A_171 : memref<526336x64xf32, #tpu.memory_space<hbm>>) target(%arg8 : memref<128x64xf32, #tpu.memory_space<vmem>>) offsets(%dma_start3A_168 : memref<128xi32, #tpu.memory_space<vmem>>) semaphore(%arg12 : memref<!tpu.dma_semaphore, #tpu.memory_space<semaphore_mem>>)
      %sub3A_172 = arith.constant 2 : i32
      %sub3A_173 = arith.subi %add3A_159, %sub3A_172 : i32
      %dma_wait3A_174 = arith.constant 0 : i32
      %dma_wait3A_175 = tpu.memref_slice %arg5[%dma_wait3A_174] : memref<16384xi32, #tpu.memory_space<vmem>> -> memref<128xi32, #tpu.memory_space<vmem>>
      %dma_wait3A_176 = arith.constant 0 : i32
      %dma_wait3A_177 = arith.constant 0 : i32
      %dma_wait3A_178 = tpu.memref_slice %arg3[%dma_wait3A_176, %dma_wait3A_177] : memref<526336x64xf32, #tpu.memory_space<hbm>> -> memref<526336x64xf32, #tpu.memory_space<hbm>>
      tpu.wait_indirect_dma semaphore(%arg10 : memref<!tpu.dma_semaphore, #tpu.memory_space<semaphore_mem>>) src(%dma_wait3A_178 : memref<526336x64xf32, #tpu.memory_space<hbm>>) dst(%arg6 : memref<128x64xf32, #tpu.memory_space<vmem>>)
      %mul3A_179 = arith.constant 128 : i32
      %mul3A_180 = arith.muli %sub3A_173, %mul3A_179 : i32
      %add3A_181 = arith.addi %mul3A_2, %mul3A_180 : i32
      %dma_start3A_182 = arith.constant 0 : i32
      %dma_start3A_183 = tpu.memref_slice %arg4[%add3A_181, %dma_start3A_182] : memref<524288x64xf32, #tpu.memory_space<hbm>> -> memref<128x64xf32, #tpu.memory_space<hbm>>
      %dma_start3A_184 = arith.constant 0 : i32
      %dma_start3A_185 = tpu.memref_slice %arg4[%add3A_181, %dma_start3A_184] : memref<524288x64xf32, #tpu.memory_space<hbm>> -> memref<128x64xf32, #tpu.memory_space<hbm>>
      tpu.enqueue_dma source(%arg6 : memref<128x64xf32, #tpu.memory_space<vmem>>) target(%dma_start3A_185 : memref<128x64xf32, #tpu.memory_space<hbm>>) target_semaphore(%arg14 : memref<!tpu.dma_semaphore, #tpu.memory_space<semaphore_mem>>)
      %mul3A_186 = arith.constant 4 : i32
      %mul3A_187 = arith.muli %scan3A_95, %mul3A_186 : i32
      %add3A_188 = arith.constant 3 : i32
      %add3A_189 = arith.addi %mul3A_187, %add3A_188 : i32
      %dma_wait3A_190 = arith.constant 0 : i32
      %dma_wait3A_191 = arith.constant 0 : i32
      %dma_wait3A_192 = tpu.memref_slice %arg4[%dma_wait3A_190, %dma_wait3A_191] : memref<524288x64xf32, #tpu.memory_space<hbm>> -> memref<128x64xf32, #tpu.memory_space<hbm>>
      %dma_wait3A_193 = arith.constant 0 : i32
      %dma_wait3A_194 = arith.constant 0 : i32
      %dma_wait3A_195 = tpu.memref_slice %arg4[%dma_wait3A_193, %dma_wait3A_194] : memref<524288x64xf32, #tpu.memory_space<hbm>> -> memref<128x64xf32, #tpu.memory_space<hbm>>
      tpu.wait_dma2 semaphore(%arg17 : memref<!tpu.dma_semaphore, #tpu.memory_space<semaphore_mem>>) src(%arg9 : memref<128x64xf32, #tpu.memory_space<vmem>>) dst(%dma_wait3A_195 : memref<128x64xf32, #tpu.memory_space<hbm>>)
      %mul3A_196 = arith.constant 128 : i32
      %mul3A_197 = arith.muli %add3A_189, %mul3A_196 : i32
      %dma_start3A_198 = tpu.memref_slice %arg5[%mul3A_197] : memref<16384xi32, #tpu.memory_space<vmem>> -> memref<128xi32, #tpu.memory_space<vmem>>
      %dma_start3A_199 = arith.constant 0 : i32
      %dma_start3A_200 = arith.constant 0 : i32
      %dma_start3A_201 = tpu.memref_slice %arg3[%dma_start3A_199, %dma_start3A_200] : memref<526336x64xf32, #tpu.memory_space<hbm>> -> memref<526336x64xf32, #tpu.memory_space<hbm>>
      tpu.enqueue_indirect_dma source(%dma_start3A_201 : memref<526336x64xf32, #tpu.memory_space<hbm>>) target(%arg9 : memref<128x64xf32, #tpu.memory_space<vmem>>) offsets(%dma_start3A_198 : memref<128xi32, #tpu.memory_space<vmem>>) semaphore(%arg13 : memref<!tpu.dma_semaphore, #tpu.memory_space<semaphore_mem>>)
      %sub3A_202 = arith.constant 2 : i32
      %sub3A_203 = arith.subi %add3A_189, %sub3A_202 : i32
      %dma_wait3A_204 = arith.constant 0 : i32
      %dma_wait3A_205 = tpu.memref_slice %arg5[%dma_wait3A_204] : memref<16384xi32, #tpu.memory_space<vmem>> -> memref<128xi32, #tpu.memory_space<vmem>>
      %dma_wait3A_206 = arith.constant 0 : i32
      %dma_wait3A_207 = arith.constant 0 : i32
      %dma_wait3A_208 = tpu.memref_slice %arg3[%dma_wait3A_206, %dma_wait3A_207] : memref<526336x64xf32, #tpu.memory_space<hbm>> -> memref<526336x64xf32, #tpu.memory_space<hbm>>
      tpu.wait_indirect_dma semaphore(%arg11 : memref<!tpu.dma_semaphore, #tpu.memory_space<semaphore_mem>>) src(%dma_wait3A_208 : memref<526336x64xf32, #tpu.memory_space<hbm>>) dst(%arg7 : memref<128x64xf32, #tpu.memory_space<vmem>>)
      %mul3A_209 = arith.constant 128 : i32
      %mul3A_210 = arith.muli %sub3A_203, %mul3A_209 : i32
      %add3A_211 = arith.addi %mul3A_2, %mul3A_210 : i32
      %dma_start3A_212 = arith.constant 0 : i32
      %dma_start3A_213 = tpu.memref_slice %arg4[%add3A_211, %dma_start3A_212] : memref<524288x64xf32, #tpu.memory_space<hbm>> -> memref<128x64xf32, #tpu.memory_space<hbm>>
      %dma_start3A_214 = arith.constant 0 : i32
      %dma_start3A_215 = tpu.memref_slice %arg4[%add3A_211, %dma_start3A_214] : memref<524288x64xf32, #tpu.memory_space<hbm>> -> memref<128x64xf32, #tpu.memory_space<hbm>>
      tpu.enqueue_dma source(%arg7 : memref<128x64xf32, #tpu.memory_space<vmem>>) target(%dma_start3A_215 : memref<128x64xf32, #tpu.memory_space<hbm>>) target_semaphore(%arg15 : memref<!tpu.dma_semaphore, #tpu.memory_space<semaphore_mem>>)
      %scan3A_216 = arith.constant 0 : i32
      scf.yield %scan3A_216 : i32
    }
    %scan3A_48 = arith.constant 31 : i32
    %dma_wait3A_49 = arith.constant 0 : i32
    %dma_wait3A_50 = tpu.memref_slice %arg5[%dma_wait3A_49] : memref<16384xi32, #tpu.memory_space<vmem>> -> memref<128xi32, #tpu.memory_space<vmem>>
    %dma_wait3A_51 = arith.constant 0 : i32
    %dma_wait3A_52 = arith.constant 0 : i32
    %dma_wait3A_53 = tpu.memref_slice %arg3[%dma_wait3A_51, %dma_wait3A_52] : memref<526336x64xf32, #tpu.memory_space<hbm>> -> memref<526336x64xf32, #tpu.memory_space<hbm>>
    tpu.wait_indirect_dma semaphore(%arg12 : memref<!tpu.dma_semaphore, #tpu.memory_space<semaphore_mem>>) src(%dma_wait3A_53 : memref<526336x64xf32, #tpu.memory_space<hbm>>) dst(%arg8 : memref<128x64xf32, #tpu.memory_space<vmem>>)
    %add3A_54 = arith.constant 16128 : i32
    %add3A_55 = arith.addi %mul3A_2, %add3A_54 : i32
    %dma_start3A_56 = arith.constant 0 : i32
    %dma_start3A_57 = tpu.memref_slice %arg4[%add3A_55, %dma_start3A_56] : memref<524288x64xf32, #tpu.memory_space<hbm>> -> memref<128x64xf32, #tpu.memory_space<hbm>>
    %dma_start3A_58 = arith.constant 0 : i32
    %dma_start3A_59 = tpu.memref_slice %arg4[%add3A_55, %dma_start3A_58] : memref<524288x64xf32, #tpu.memory_space<hbm>> -> memref<128x64xf32, #tpu.memory_space<hbm>>
    tpu.enqueue_dma source(%arg8 : memref<128x64xf32, #tpu.memory_space<vmem>>) target(%dma_start3A_59 : memref<128x64xf32, #tpu.memory_space<hbm>>) target_semaphore(%arg16 : memref<!tpu.dma_semaphore, #tpu.memory_space<semaphore_mem>>)
    %dma_wait3A_60 = arith.constant 0 : i32
    %dma_wait3A_61 = tpu.memref_slice %arg5[%dma_wait3A_60] : memref<16384xi32, #tpu.memory_space<vmem>> -> memref<128xi32, #tpu.memory_space<vmem>>
    %dma_wait3A_62 = arith.constant 0 : i32
    %dma_wait3A_63 = arith.constant 0 : i32
    %dma_wait3A_64 = tpu.memref_slice %arg3[%dma_wait3A_62, %dma_wait3A_63] : memref<526336x64xf32, #tpu.memory_space<hbm>> -> memref<526336x64xf32, #tpu.memory_space<hbm>>
    tpu.wait_indirect_dma semaphore(%arg13 : memref<!tpu.dma_semaphore, #tpu.memory_space<semaphore_mem>>) src(%dma_wait3A_64 : memref<526336x64xf32, #tpu.memory_space<hbm>>) dst(%arg9 : memref<128x64xf32, #tpu.memory_space<vmem>>)
    %add3A_65 = arith.constant 16256 : i32
    %add3A_66 = arith.addi %mul3A_2, %add3A_65 : i32
    %dma_start3A_67 = arith.constant 0 : i32
    %dma_start3A_68 = tpu.memref_slice %arg4[%add3A_66, %dma_start3A_67] : memref<524288x64xf32, #tpu.memory_space<hbm>> -> memref<128x64xf32, #tpu.memory_space<hbm>>
    %dma_start3A_69 = arith.constant 0 : i32
    %dma_start3A_70 = tpu.memref_slice %arg4[%add3A_66, %dma_start3A_69] : memref<524288x64xf32, #tpu.memory_space<hbm>> -> memref<128x64xf32, #tpu.memory_space<hbm>>
    tpu.enqueue_dma source(%arg9 : memref<128x64xf32, #tpu.memory_space<vmem>>) target(%dma_start3A_70 : memref<128x64xf32, #tpu.memory_space<hbm>>) target_semaphore(%arg17 : memref<!tpu.dma_semaphore, #tpu.memory_space<semaphore_mem>>)
    %dma_wait3A_71 = arith.constant 0 : i32
    %dma_wait3A_72 = arith.constant 0 : i32
    %dma_wait3A_73 = tpu.memref_slice %arg4[%dma_wait3A_71, %dma_wait3A_72] : memref<524288x64xf32, #tpu.memory_space<hbm>> -> memref<128x64xf32, #tpu.memory_space<hbm>>
    %dma_wait3A_74 = arith.constant 0 : i32
    %dma_wait3A_75 = arith.constant 0 : i32
    %dma_wait3A_76 = tpu.memref_slice %arg4[%dma_wait3A_74, %dma_wait3A_75] : memref<524288x64xf32, #tpu.memory_space<hbm>> -> memref<128x64xf32, #tpu.memory_space<hbm>>
    tpu.wait_dma2 semaphore(%arg14 : memref<!tpu.dma_semaphore, #tpu.memory_space<semaphore_mem>>) src(%arg6 : memref<128x64xf32, #tpu.memory_space<vmem>>) dst(%dma_wait3A_76 : memref<128x64xf32, #tpu.memory_space<hbm>>)
    %dma_wait3A_77 = arith.constant 0 : i32
    %dma_wait3A_78 = arith.constant 0 : i32
    %dma_wait3A_79 = tpu.memref_slice %arg4[%dma_wait3A_77, %dma_wait3A_78] : memref<524288x64xf32, #tpu.memory_space<hbm>> -> memref<128x64xf32, #tpu.memory_space<hbm>>
    %dma_wait3A_80 = arith.constant 0 : i32
    %dma_wait3A_81 = arith.constant 0 : i32
    %dma_wait3A_82 = tpu.memref_slice %arg4[%dma_wait3A_80, %dma_wait3A_81] : memref<524288x64xf32, #tpu.memory_space<hbm>> -> memref<128x64xf32, #tpu.memory_space<hbm>>
    tpu.wait_dma2 semaphore(%arg15 : memref<!tpu.dma_semaphore, #tpu.memory_space<semaphore_mem>>) src(%arg7 : memref<128x64xf32, #tpu.memory_space<vmem>>) dst(%dma_wait3A_82 : memref<128x64xf32, #tpu.memory_space<hbm>>)
    %dma_wait3A_83 = arith.constant 0 : i32
    %dma_wait3A_84 = arith.constant 0 : i32
    %dma_wait3A_85 = tpu.memref_slice %arg4[%dma_wait3A_83, %dma_wait3A_84] : memref<524288x64xf32, #tpu.memory_space<hbm>> -> memref<128x64xf32, #tpu.memory_space<hbm>>
    %dma_wait3A_86 = arith.constant 0 : i32
    %dma_wait3A_87 = arith.constant 0 : i32
    %dma_wait3A_88 = tpu.memref_slice %arg4[%dma_wait3A_86, %dma_wait3A_87] : memref<524288x64xf32, #tpu.memory_space<hbm>> -> memref<128x64xf32, #tpu.memory_space<hbm>>
    tpu.wait_dma2 semaphore(%arg16 : memref<!tpu.dma_semaphore, #tpu.memory_space<semaphore_mem>>) src(%arg8 : memref<128x64xf32, #tpu.memory_space<vmem>>) dst(%dma_wait3A_88 : memref<128x64xf32, #tpu.memory_space<hbm>>)
    %dma_wait3A_89 = arith.constant 0 : i32
    %dma_wait3A_90 = arith.constant 0 : i32
    %dma_wait3A_91 = tpu.memref_slice %arg4[%dma_wait3A_89, %dma_wait3A_90] : memref<524288x64xf32, #tpu.memory_space<hbm>> -> memref<128x64xf32, #tpu.memory_space<hbm>>
    %dma_wait3A_92 = arith.constant 0 : i32
    %dma_wait3A_93 = arith.constant 0 : i32
    %dma_wait3A_94 = tpu.memref_slice %arg4[%dma_wait3A_92, %dma_wait3A_93] : memref<524288x64xf32, #tpu.memory_space<hbm>> -> memref<128x64xf32, #tpu.memory_space<hbm>>
    tpu.wait_dma2 semaphore(%arg17 : memref<!tpu.dma_semaphore, #tpu.memory_space<semaphore_mem>>) src(%arg9 : memref<128x64xf32, #tpu.memory_space<vmem>>) dst(%dma_wait3A_94 : memref<128x64xf32, #tpu.memory_space<hbm>>)
    return
  }
}

module attributes {stable_mosaic.version = 14 : i64} {
  func.func @_mm_body(%arg0: i32, %arg1: memref<4096x128xf32, #tpu.memory_space<vmem>>, %arg2: memref<128x64xf32, #tpu.memory_space<vmem>>, %arg3: memref<4096x128xf32, #tpu.memory_space<vmem>>) attributes {dimension_semantics = [#tpu.dimension_semantics<arbitrary>], iteration_bounds = array<i64: 65>, scalar_prefetch = 0 : i64, scratch_operands = 0 : i64, tpu.core_type = #tpu.core_type<tc>, window_params = [{transform_indices = @transform_0, window_bounds = array<i64: 4096, 128>}, {pipeline_mode = #tpu.pipeline_mode<synchronous>, transform_indices = @transform_1, window_bounds = array<i64: 128, 64>}, {transform_indices = @transform_2, window_bounds = array<i64: 4096, 128>}]} {
    %lt3A = arith.constant 64 : i32
    %lt3A_0 = arith.cmpi slt, %arg0, %lt3A : i32
    %convert_element_type3A = arith.extui %lt3A_0 : i1 to i32
    %cond3A = arith.constant 0 : i32
    %cond3A_1 = arith.cmpi ne, %convert_element_type3A, %cond3A : i32
    scf.if %cond3A_1 {
      %get3A = arith.constant 0 : index
      %get3A_6 = arith.constant 0 : index
      %get3A_7 = vector.load %arg1[%get3A, %get3A_6] : memref<4096x128xf32, #tpu.memory_space<vmem>>, vector<4096x128xf32>
      %get3A_8 = arith.constant 0 : index
      %get3A_9 = arith.constant 0 : index
      %get3A_10 = vector.load %arg2[%get3A_8, %get3A_9] : memref<128x64xf32, #tpu.memory_space<vmem>>, vector<128x64xf32>
      %dot_general3A = arith.constant dense<0.000000e+00> : vector<4096x64xf32>
      %dot_general3A_11 = tpu.matmul %get3A_7, %get3A_10, %dot_general3A {dimension_numbers = #tpu.dot_dimension_numbers<[1], [0], [0], [1], [0, 0, 1, 1], [], []>, transpose_lhs_hint = false} : vector<4096x128xf32>, vector<128x64xf32>, vector<4096x64xf32> -> vector<4096x64xf32>
      %tanh3A = math.tanh %dot_general3A_11 : vector<4096x64xf32>
      %broadcast_in_dim3A = arith.constant 0.000000e+00 : f32
      %broadcast_in_dim3A_12 = vector.broadcast %broadcast_in_dim3A : f32 to vector<4096x64xf32>
      %concatenate3A = tpu.concatenate %tanh3A, %broadcast_in_dim3A_12 in 1 : vector<4096x64xf32>, vector<4096x64xf32> -> vector<4096x128xf32>
      %swap3A = arith.constant 0 : index
      %swap3A_13 = arith.constant 0 : index
      %swap3A_14 = vector.load %arg3[%swap3A, %swap3A_13] : memref<4096x128xf32, #tpu.memory_space<vmem>>, vector<4096x128xf32>
      tpu.vector_store %arg3[%swap3A, %swap3A_13], %concatenate3A {strides = array<i32>} : memref<4096x128xf32, #tpu.memory_space<vmem>>, vector<4096x128xf32>,
    } else {
    }
    %eq3A = arith.constant 64 : i32
    %eq3A_2 = arith.cmpi eq, %arg0, %eq3A : i32
    %convert_element_type3A_3 = arith.extui %eq3A_2 : i1 to i32
    %cond3A_4 = arith.constant 0 : i32
    %cond3A_5 = arith.cmpi ne, %convert_element_type3A_3, %cond3A_4 : i32
    scf.if %cond3A_5 {
      %broadcast_in_dim3A = arith.constant 0.000000e+00 : f32
      %broadcast_in_dim3A_6 = vector.broadcast %broadcast_in_dim3A : f32 to vector<4096x128xf32>
      %swap3A = arith.constant 0 : index
      %swap3A_7 = arith.constant 0 : index
      %swap3A_8 = vector.load %arg3[%swap3A, %swap3A_7] : memref<4096x128xf32, #tpu.memory_space<vmem>>, vector<4096x128xf32>
      tpu.vector_store %arg3[%swap3A, %swap3A_7], %broadcast_in_dim3A_6 {strides = array<i32>} : memref<4096x128xf32, #tpu.memory_space<vmem>>, vector<4096x128xf32>,
    } else {
    }
    return
  }
  func.func @transform_0(%arg0: i32) -> (i32, i32) {
    %min3A = arith.constant 63 : i32
    %min3A_0 = arith.minsi %arg0, %min3A : i32
    %c0_i32 = arith.constant 0 : i32
    %c0_i32_1 = arith.constant 0 : i32
    return %min3A_0, %c0_i32 : i32, i32
  }
  func.func @transform_1(%arg0: i32) -> (i32, i32) {
    %c0_i32 = arith.constant 0 : i32
    %c0_i32_0 = arith.constant 0 : i32
    %c0_i32_1 = arith.constant 0 : i32
    return %c0_i32, %c0_i32_0 : i32, i32
  }
  func.func @transform_2(%arg0: i32) -> (i32, i32) {
    %c0_i32 = arith.constant 0 : i32
    %c0_i32_0 = arith.constant 0 : i32
    return %arg0, %c0_i32 : i32, i32
  }
}

module attributes {stable_mosaic.version = 14 : i64} {
  func.func @_tr_body(%arg0: i32, %arg1: i32, %arg2: memref<1x128x32x128xf32, #tpu.memory_space<vmem>>, %arg3: memref<1x4096x128xf32, #tpu.memory_space<vmem>>) attributes {dimension_semantics = [#tpu.dimension_semantics<arbitrary>, #tpu.dimension_semantics<arbitrary>], iteration_bounds = array<i64: 32, 2>, scalar_prefetch = 0 : i64, scratch_operands = 0 : i64, tpu.core_type = #tpu.core_type<tc>, window_params = [{transform_indices = @transform_0, window_bounds = array<i64: 1, 128, 32, 128>}, {transform_indices = @transform_1, window_bounds = array<i64: 1, 4096, 128>}]} {
    %iota3A = tpu.iota {dimensions = array<i32: 0>} : vector<128x128xi32>
    %iota3A_0 = tpu.iota {dimensions = array<i32: 1>} : vector<128x128xi32>
    %add3A = arith.constant 0 : i32
    %add3A_1 = vector.broadcast %add3A : i32 to vector<128x128xi32>
    %add3A_2 = arith.addi %iota3A, %add3A_1 : vector<128x128xi32>
    %eq3A = arith.cmpi eq, %add3A_2, %iota3A_0 : vector<128x128xi32>
    %convert_element_type3A = arith.extui %eq3A : vector<128x128xi1> to vector<128x128xi32>
    %convert_element_type3A_3 = arith.sitofp %convert_element_type3A : vector<128x128xi32> to vector<128x128xf32>
    %get3A = arith.constant 0 : index
    %get3A_4 = arith.constant 0 : index
    %get3A_5 = arith.constant 0 : index
    %get3A_6 = arith.constant 0 : index
    %get3A_7 = vector.load %arg2[%get3A, %get3A_4, %get3A_5, %get3A_6] : memref<1x128x32x128xf32, #tpu.memory_space<vmem>>, vector<1x128x32x128xf32>
    %get3A_8 = vector.shape_cast %get3A_7 : vector<1x128x32x128xf32> to vector<128x32x128xf32>
    %dot_general3A = arith.constant dense<0.000000e+00> : vector<32x128x128xf32>
    %dot_general3A_9 = tpu.matmul %get3A_8, %convert_element_type3A_3, %dot_general3A {dimension_numbers = #tpu.dot_dimension_numbers<[0], [0], [1, 2], [1], [0, 1, 0, 2, 1, 1], [], []>, transpose_lhs_hint = false} : vector<128x32x128xf32>, vector<128x128xf32>, vector<32x128x128xf32> -> vector<32x128x128xf32>
    %reshape3A = vector.shape_cast %dot_general3A_9 : vector<32x128x128xf32> to vector<4096x128xf32>
    %swap3A = arith.constant 0 : index
    %swap3A_10 = arith.constant 0 : index
    %swap3A_11 = arith.constant 0 : index
    %swap3A_12 = vector.load %arg3[%swap3A, %swap3A_10, %swap3A_11] : memref<1x4096x128xf32, #tpu.memory_space<vmem>>, vector<1x4096x128xf32>
    %swap3A_13 = vector.shape_cast %swap3A_12 : vector<1x4096x128xf32> to vector<4096x128xf32>
    %swap3A_14 = vector.shape_cast %reshape3A : vector<4096x128xf32> to vector<1x4096x128xf32>
    tpu.vector_store %arg3[%swap3A, %swap3A_10, %swap3A_11], %swap3A_14 {strides = array<i32>} : memref<1x4096x128xf32, #tpu.memory_space<vmem>>, vector<1x4096x128xf32>,
    return
  }
  func.func @transform_0(%arg0: i32, %arg1: i32) -> (i32, i32, i32, i32) {
    %mul3A = arith.constant 2 : i32
    %mul3A_0 = arith.muli %arg0, %mul3A : i32
    %add3A = arith.addi %mul3A_0, %arg1 : i32
    %c0_i32 = arith.constant 0 : i32
    %c0_i32_1 = arith.constant 0 : i32
    %c0_i32_2 = arith.constant 0 : i32
    %c0_i32_3 = arith.constant 0 : i32
    return %add3A, %c0_i32, %c0_i32_1, %c0_i32_2 : i32, i32, i32, i32
  }
  func.func @transform_1(%arg0: i32, %arg1: i32) -> (i32, i32, i32) {
    %c0_i32 = arith.constant 0 : i32
    %c0_i32_0 = arith.constant 0 : i32
    return %arg0, %c0_i32, %arg1 : i32, i32, i32
  }
}

</mosaic_0001>

<sc_bundles>
// kernel: kernel.6.cloned.1.call-start
scs
__scs_entry_jumppad:
0x0: {  	(pc) =	sbr.rel $0x88, $3  }
0x1: {  	(tag) =	ssettag $0x0;
	lr =	simm.s32 $0x1  }
0x2: {  	[smem:$0x3F9C] =	sst lr;
	_ =	strace $0xD0000000  }
0x3: {  	_ = 	snop  }
0x4: {  	_ = 	snop  }
0x5: {  	_ = 	snop  }
0x6: {  	_ = 	snop  }
0x7: {  	_ = 	snop  }
__scs_overlays_trampoline_lowered:
0x8: {  	[smem:$0x3FAB] =	sst s0  }
0x9: {  	[smem:$0x3FAC] =	sst s1  }
0xa: {  	[smem:$0x3FAD] =	sst s2  }
0xb: {  	[smem:$0x3FAE] =	sst s3  }
0xc: {  	[smem:$0x3FAF] =	sst s4  }
0xd: {  	[smem:$0x3FB0] =	sst s5  }
0xe: {  	[smem:$0x3FB1] =	sst s6  }
0xf: {  	[smem:$0x3FB2] =	sst s7  }
0x10: {  	[smem:$0x3FB3] =	sst s8  }
0x11: {  	[smem:$0x3FB4] =	sst s9;
	s0 =	simm.s32 @!p0 $0x0  }
0x12: {  	s1 =	sld [smem:$0x3F9A];
	s0 =	simm.s32 @p0 $0x1  }
0x13: {  	[smem:$0x3FB5] =	sst s0;
	s0 =	simm.s32 @!p1 $0x0  }
0x14: {  	s2 =	sld [smem:$0x3F99];
	s0 =	simm.s32 @p1 $0x1  }
0x15: {  	[smem:$0x3FB6] =	sst s0;
	s0 =	simm.s32 @!p2 $0x0  }
0x16: {  	s3 =	sld [smem:$0x3FDB];
	s0 =	simm.s32 @p2 $0x1  }
0x17: {  	s4 =	simm.s32 $0x1BF5;
	[smem:$0x3FB8] =	sst s0  }
0x18: {  	s0 =	sld [smem:$0x3F9B];
	_ =	swait.ge [sflag:s4], $0x0  }
0x19: {  	s7 =	sld [smem:$0x3F9C]  }
0x1a: {  	s8 =	sadd.s32 $0xFFFFE003, lr  }
0x1b: {  	s9 =	sadd.s32 $0xFFFFFEF7, lr;
	s5 =	simm.s32 $0xFFFFFFFF;
	p2 =	slt.u32 s8, $0xFFFFF086  }
0x1c: {  	p1 =	slt.u32 s9, $0xF7A;
	s5 =	simm.s32 @!p2 $0x0  }
0x1d: {  	s5 =	simm.s32 @p1 $0x1;
	p0 =	seq.s32 s7, s2  }
0x1e: {  	s7 =	smul.u32 @!p0 $0xF7A, s2;
	p2 =	seq.s32 @!p0 s5, $0x0  }
0x1f: {  	s9 =	smul.u32 $0xF7A, s1;
	s8 =	simm.s32 @!p0 $0x1BF5;
	p2 =	por !p2, p0  }
0x20: {  	[sflag:s8] =	ssyncset.s32 @!p0 $0xFFFFF086;
	s6 =	sadd.s32 @!p0 s3, s7;
	s7 =	simm.s32 @!p0 $0x108  }
0x21: {  	s3 =	sadd.s32 s3, s9;
	s6 =	sadd.s32 @!p0 $0x88, s6;
	s7 =	simm.s32 @p2 $0x1082  }
0x22: {  	[simem:s7], [sflag:s8] =	dma.local @!p0 [hbm:s6], $0xF7A  }
0x23: {  	s9 =	sor.u32 $0xD0000000, s2;
	s6 =	simm.s32 $0x108;
	_ =	swait.ge @!p0 [sflag:s8], $0x0  }
0x24: {  	s3 =	sadd.s32 $0x88, s3;
	s6 =	simm.s32 @!p1 $0x1082;
	[sflag:s4] =	ssyncset.s32 $0xFFFFF086  }
0x25: {  	[simem:s6], [sflag:s4] =	dma.local [hbm:s3], $0xF7A  }
0x26: {  	[smem:$0x3F9C] =	sst s1;
	(tag) =	ssettag s2;
	_ =	strace s9  }
0x27: {  	s1 =	sld [smem:$0x3FAC]  }
0x28: {  	s2 =	sld [smem:$0x3FAD]  }
0x29: {  	s4 =	sld [smem:$0x3FAF]  }
0x2a: {  	p0 =	seq.s32 s5, $0x0;
	s5 =	sld [smem:$0x3FB0]  }
0x2b: {  	s6 =	sld [smem:$0x3FB1]  }
0x2c: {  	s7 =	sld [smem:$0x3FB2]  }
0x2d: {  	s3 =	simm.s32 $0x108;
	s8 =	sld [smem:$0x3FB3]  }
0x2e: {  	s3 =	simm.s32 @!p0 $0x1082;
	s9 =	sld [smem:$0x3FB4]  }
0x2f: {  	lr =	sadd.s32 s0, s3;
	s0 =	sld [smem:$0x3FAB]  }
0x30: {  	s3 =	sld [smem:$0x3FAE]  }
0x31: {  	[smem:$0x3FB7] =	sst s10  }
0x32: {  	s10 =	sld [smem:$0x3FB5];
	_ =	sdelay $0x3  }
0x33: {  	p0 =	seq.s32 s10, $0x1;
	s10 =	sld [smem:$0x3FB7];
	_ =	sdelay $0x3  }
0x34: {  	[smem:$0x3FB7] =	sst s10  }
0x35: {  	s10 =	sld [smem:$0x3FB6];
	_ =	sdelay $0x3  }
0x36: {  	p1 =	seq.s32 s10, $0x1;
	s10 =	sld [smem:$0x3FB7];
	_ =	sdelay $0x3  }
0x37: {  	[smem:$0x3FB7] =	sst s10  }
0x38: {  	s10 =	sld [smem:$0x3FB8]  }
0x39: {  	_ = 	snop;
	(pc) =	sbr.ind lr, $3  }
0x3a: {  	_ = 	snop  }
0x3b: {  	_ = 	snop  }
0x3c: {  	p2 =	seq.s32 s10, $0x1;
	s10 =	sld [smem:$0x3FB7]  }
0x3d: {  	_ =	shalt  }
0x3e: {  	_ =	shalt  }
0x3f: {  	_ =	shalt  }
0x40: {  	_ =	shalt  }
0x41: {  	_ =	shalt  }
0x42: {  	_ =	shalt  }
0x43: {  	_ =	shalt  }
0x44: {  	_ =	shalt  }
0x45: {  	_ =	shalt  }
0x46: {  	_ =	shalt  }
0x47: {  	_ =	shalt  }
0x48: {  	_ =	shalt  }
0x49: {  	_ =	shalt  }
0x4a: {  	_ =	shalt  }
0x4b: {  	_ =	shalt  }
0x4c: {  	_ =	shalt  }
0x4d: {  	_ =	shalt  }
0x4e: {  	_ =	shalt  }
0x4f: {  	_ =	shalt  }
0x50: {  	_ =	shalt  }
0x51: {  	_ =	shalt  }
0x52: {  	_ =	shalt  }
0x53: {  	_ =	shalt  }
0x54: {  	_ =	shalt  }
0x55: {  	_ =	shalt  }
0x56: {  	_ =	shalt  }
0x57: {  	_ =	shalt  }
0x58: {  	_ =	shalt  }
0x59: {  	_ =	shalt  }
0x5a: {  	_ =	shalt  }
0x5b: {  	_ =	shalt  }
0x5c: {  	_ =	shalt  }
0x5d: {  	_ =	shalt  }
0x5e: {  	_ =	shalt  }
0x5f: {  	_ =	shalt  }
0x60: {  	_ =	shalt  }
0x61: {  	_ =	shalt  }
0x62: {  	_ =	shalt  }
0x63: {  	_ =	shalt  }
0x64: {  	_ =	shalt  }
0x65: {  	_ =	shalt  }
0x66: {  	_ =	shalt  }
0x67: {  	_ =	shalt  }
0x68: {  	_ =	shalt  }
0x69: {  	_ =	shalt  }
0x6a: {  	_ =	shalt  }
0x6b: {  	_ =	shalt  }
0x6c: {  	_ =	shalt  }
0x6d: {  	_ =	shalt  }
0x6e: {  	_ =	shalt  }
0x6f: {  	_ =	shalt  }
0x70: {  	_ =	shalt  }
0x71: {  	_ =	shalt  }
0x72: {  	_ =	shalt  }
0x73: {  	_ =	shalt  }
0x74: {  	_ =	shalt  }
0x75: {  	_ =	shalt  }
0x76: {  	_ =	shalt  }
0x77: {  	_ =	shalt  }
0x78: {  	_ =	shalt  }
0x79: {  	_ =	shalt  }
0x7a: {  	_ =	shalt  }
0x7b: {  	_ =	shalt  }
0x7c: {  	_ =	shalt  }
0x7d: {  	_ =	shalt  }
0x7e: {  	_ =	shalt  }
0x7f: {  	_ =	shalt  }
0x80: {  	_ =	shalt  }
0x81: {  	_ =	shalt  }
0x82: {  	_ =	shalt  }
0x83: {  	_ =	shalt  }
0x84: {  	_ =	shalt  }
0x85: {  	_ =	shalt  }
0x86: {  	_ =	shalt  }
0x87: {  	_ =	shalt  }
.Lfunc_end0:
.L_simem_size_0:
called_computation_lowered:
.L_overlay_start_0:
0x88: {  	s2 =	sld [smem:$0x3FD9]  }
0x89: {  	s3 =	sld [smem:$0x3FFE];
	_ =	sdelay $0x1  }
0x8a: {  	s1 =	srdreg.scid  }
0x8b: {  	s0 =	sand.u32 $0x1, s1  }
0x8c: {  	s18 =	sshll.u32 s0, $0xA;
	s2 =	sadd.s32 s3, s2  }
0x8d: {  	s2 =	sadd.s32 s2, s18  }
0x8e: {  	[smem:$0x3FC3] =	sst s2  }
0x8f: {  	_ = 	snop  }
0x90: {  	s2 =	sld [smem:$0x3FC7]  }
0x91: {  	s19 =	sld [smem:$0x3FC6]  }
0x92: {  	s4 =	sld [smem:$0x3FC5]  }
0x93: {  	s5 =	sld [smem:$0x3FD0];
	(tm) =	ssettm $0x1  }
0x94: {  	s6 =	sld [smem:$0x3FFB];
	_ =	sdelay $0x3  }
0x95: {  	_ =	strace s6  }
0x96: {  	s6 =	sld [smem:$0x3FFC];
	_ =	sdelay $0x3  }
0x97: {  	_ =	strace s6  }
0x98: {  	s6 =	sld [smem:$0x3FFD];
	_ =	sdelay $0x3  }
0x99: {  	_ =	strace s6  }
0x9a: {  	_ =	strace $0x8FFFFFFF  }
0x9b: {  	s20 =	sld [smem:$0x3FDB];
	_ =	sdelay $0x1  }
0x9c: {  	s7 =	simm.s32 $_scs_section_size  }
0x9d: {  	s8 =	simm.s32 $_size__tile_overlayer_lowered;
	s9 =	simm.s32 $_tile_overlayer_lowered  }
0x9e: {  	s23 =	simm.s32 $0x1BFF;
	s22 =	sshll.u32 s9, $0x1;
	s6 =	sadd.s32 s7, s20  }
0x9f: {  	s10 =	simm.s32 $0x0;
	s21 =	sshll.u32 s8, $0x1;
	s8 =	sadd.s32 s22, s6  }
0xa0: {  	[timem:s10], [sflag:s23] =	dma.local [hbm:s8], s21  }
0xa1: {  	_ =	swait.ge [sflag:s23], s21  }
0xa2: {  	s7 =	ssub.s32 $0x0, s21;
	[sflag:s23] =	ssyncset.done $0x0  }
0xa3: {  	[sflag:s23] =	ssyncadd.s32 s7;
	_ =	sdelay $0x1  }
0xa4: {  	s24 =	simm.s32 $0x1B8B  }
0xa5: {  	_ =	swait.ge [sflag:s24], $0x1  }
0xa6: {  	[sflag:s24] =	ssyncset.done $0x0  }
0xa7: {  	s25 =	simm.s32 $0x1B8E;
	[sflag:s24] =	ssyncadd.s32 $0xFFFFFFFF  }
0xa8: {  	s26 =	simm.s32 $execute0_lowered;
	[smem:$0x3FD2] =	sst s25  }
0xa9: {  	s7 =	sshll.u32 s26, $0x1;
	_ =	strace $0x80000046;
	[dreg:$0x1] =	wrdreg $0xFFFFFFFF  }
0xaa: {  	s28 =	simm.s32 $_size_execute0_lowered;
	s6 =	sadd.s32 s6, s7;
	[dreg:$0x0] =	wrdreg $0x0  }
0xab: {  	s7 =	sshll.u32 s28, $0x1;
	[dreg:$0x2] =	wrdreg s6  }
0xac: {  	[dreg:$0x3] =	wrdreg s7  }
0xad: {  	[dreg:$0x4] =	wrdreg $0xC0  }
0xae: {  	_ =	task [dreg:s10], $0x5FFFF  }
0xaf: {  	[dreg:$0x1] =	wrdreg $0xFFFFFFFF  }
0xb0: {  	[dreg:$0x0] =	wrdreg $0x60  }
0xb1: {  	[dreg:$0x2] =	wrdreg s2  }
0xb2: {  	[dreg:$0x3] =	wrdreg s19  }
0xb3: {  	[dreg:$0x4] =	wrdreg s4  }
0xb4: {  	[dreg:$0x5] =	wrdreg s5  }
0xb5: {  	[dreg:$0x6] =	wrdreg $0x9  }
0xb6: {  	_ =	task.clear_ibuf [dreg:s10], $0x7FFFF;
	_ =	strace $0x90000046  }
0xb7: {  	s29 =	simm.s32 $0x9;
	_ =	strace $0x80000048  }
0xb8: {  	_ =	swait.ge [sflag:s29], $0x1  }
0xb9: {  	[sflag:s29] =	ssyncadd.s32 $0xFFFFFFFF  }
0xba: {  	_ =	strace $0x90000048  }
0xbb: {  	_ =	sfence  }
0xbc: {  	s30 =	sld [smem:$0x0];
	_ =	sdelay $0x2  }
0xbd: {  	s31 =	sshll.u32 s1, $0xD;
	s1 =	sshrl.u32 s1, $0x2  }
0xbe: {  	s3 =	sand.u32 $0x4000, s31;
	s1 =	sadd.s32 s1, s30  }
0xbf: {  	s0 =	sor.u32 s3, s0;
	s1 =	sshll.u32 s1, $0x11  }
0xc0: {  	s0 =	sor.u32 s1, s0  }
0xc1: {  	s0 =	sadd.s32 $0x8F2B, s0  }
0xc2: {  	[sflag:s0] =	ssyncadd.remote.s32 $0x1  }
0xc3: {  	_ =	sfence.sel $0xFFFF  }
0xc4: {  	[dreg:$0x0] =	wrdreg $0xFFFFFFFF;
	(pc) =	sbr.abs _section_cstart, $3  }
0xc5: {  	[dreg:$0x1] =	wrdreg $0xFFFFFFFF  }
0xc6: {  	_ =	task.clear_ibuf [dreg:s10], $0x2FFFF;
	_ =	strace $0x9FFFFFFF  }
0xc7: {  	(tm) =	ssettm $0x7FFFFFFF  }
tec
execute0_lowered:
.L_overlay_start_1:
0x0: {  	(tag) =	ssettag $0x1  }
0x1: {  	s1 =	rddreg [dreg:$0x0]  }
0x2: {  	s2 =	rddreg [dreg:$0x1]  }
0x3: {  	s3 =	rddreg [dreg:$0x2]  }
0x4: {  	s9 =	rddreg [dreg:$0x3]  }
0x5: {  	s0 =	rddreg [dreg:$0x4];
	s4 =	simm.s32 $0x0;
	s5 =	srdreg.scid  }
0x6: {  	s12 =	simm.s32 $0x8000;
	s13 =	simm.s32 $0x2000;
	s14 =	simm.s32 $0x6000  }
0x7: {  	s15 =	simm.s32 $0xA000;
	s16 =	simm.s32 $0x1;
	s17 =	simm.s32 $0xC000  }
0x8: {  	s19 =	simm.s32 $0x3;
	s20 =	simm.s32 $0x0;
	s6 =	sand.u32 $0x1, s5  }
0x9: {  	[smem:$0x7FF] =	sst s4;
	s5 =	stileid.u32;
	s7 =	ssub.s32 $0x2, s6  }
.Ltmp0:
0xa: {  	s10 =	sshll.u32 s5, $0xF;
	s6 =	sshll.u32 s6, $0xE;
	(pc) =	sbr.rel .LBB2_1-.Ltmp0, $4  }
0xb: {  	_ =	strace $0x80000047;
	s8 =	sshrl.u32 s7, $0x1;
	s18 =	sor.u32 s6, s10  }
0xc: {  	s6 =	sadd.s32 $0x400, s1;
	s11 =	ssub.s32 s7, s8;
	s7 =	sadd.s32 $0x400, s2  }
0xd: {  	v1 =	vlaneseq.u32;
	s8 =	sadd.s32 $0x400, s3;
	s10 =	sshrl.u32 s18, $0x3;
	v0 =	vmov s18;
	s18 =	simm.s32 $0x2  }
0xe: {  	v1 =	vmul.u32 $0x2, v1;
	s9 =	sadd.s32 s9, s10;
	s10 =	smax.u32 s11, $0x1;
	s11 =	simm.s32 $0x4000  }
.LBB2_10:
0xf: {  	s20 =	sadd.s32 $0x1, s20  }
0x10: {  	p0 =	sne.s32 s20, s10  }
.Ltmp1:
0x11: {  	_ = 	snop;
	(pc) =	sbr.rel @!p0 .LBB2_11-.Ltmp1, $4  }
0x12: {  	[hbm4b:s9+s4] =	stream.linear.scatter [tilespmem:s17], [sflag:$0x3], $0x4000, $0x38;
	[tilespmem:$0x10000] =	vst v63  }
0x13: {  	_ =	swait.ge [sflag:s19], $0x4000  }
0x14: {  	[sflag:s19] =	ssyncset.done $0x0  }
0x15: {  	[sflag:s19] =	ssyncadd.s32 $0xFFFFC000  }
.LBB2_1:
0x16: {  	s21 =	sand.u32 $0x7E0, s4  }
0x17: {  	s21 =	sor.u32 $0x80000, s21  }
0x18: {  	v2 =	vor.u32 s21, v1  }
0x19: {  	s22 =	simm.s32 $0xC000;
	s21 =	simm.s32 $0x20;
	[tilespmem:s17+$0x0] =	vst v2  }
.LBB2_2:
0x1a: {  	p0 =	sne.s32 s21, $0x7FE0  }
.Ltmp2:
0x1b: {  	_ = 	snop;
	(pc) =	sbr.rel @p0 .LBB2_2-.Ltmp2, $4  }
0x1c: {  	s23 =	sand.u32 $0x7E0, s21  }
0x1d: {  	s23 =	sor.u32 $0x80000, s23  }
0x1e: {  	s22 =	sadd.s32 $0x10, s22;
	v2 =	vor.u32 s23, v1  }
0x1f: {  	s21 =	sadd.s32 $0x20, s21;
	[tilespmem:s22+$0x0] =	vst v2  }
0x20: {  	s21 =	simm.s32 $0x0  }
0x21: {  	[tilespmem:s21], [sflag:$0x1] =	stream.linear.gather [hbm4b:s1+s21], $0x2000, $0x38;
	[tilespmem:$0x10000] =	vst v63  }
0x22: {  	_ = 	snop  }
0x23: {  	[tilespmem:s11], [sflag:$0x1] =	stream.linear.gather [hbm4b:s2+s21], $0x2000, $0x38;
	[tilespmem:$0x10000] =	vst v63  }
0x24: {  	_ = 	snop  }
0x25: {  	[tilespmem:s12], [sflag:$0x1] =	stream.linear.gather [hbm4b:s3+s21], $0x2000, $0x38;
	[tilespmem:$0x10000] =	vst v63  }
0x26: {  	_ = 	snop  }
0x27: {  	[tilespmem:s13], [sflag:$0x2] =	stream.linear.gather [hbm4b:s6+s21], $0x2000, $0x38;
	[tilespmem:$0x10000] =	vst v63  }
0x28: {  	_ = 	snop  }
0x29: {  	[tilespmem:s14], [sflag:$0x2] =	stream.linear.gather [hbm4b:s7+s21], $0x2000, $0x38;
	[tilespmem:$0x10000] =	vst v63  }
0x2a: {  	s22 =	simm.s32 $0x0  }
0x2b: {  	[tilespmem:s15], [sflag:$0x2] =	stream.linear.gather [hbm4b:s8+s21], $0x2000, $0x38;
	[tilespmem:$0x10000] =	vst v63  }
.LBB2_4:
0x2c: {  	_ =	swait.ge [sflag:s16], $0x2000  }
0x2d: {  	[sflag:s16] =	ssyncset.done $0x0  }
0x2e: {  	[sflag:s16] =	ssyncadd.s32 $0xFFFFE000  }
0x2f: {  	_ =	swait.ge [sflag:s16], $0x2000  }
0x30: {  	[sflag:s16] =	ssyncset.done $0x0  }
0x31: {  	[sflag:s16] =	ssyncadd.s32 $0xFFFFE000  }
0x32: {  	_ =	swait.ge [sflag:s16], $0x2000  }
0x33: {  	s23 =	simm.s32 $0x8080;
	s24 =	simm.s32 $0x4080;
	[sflag:s16] =	ssyncset.done $0x0  }
0x34: {  	s25 =	simm.s32 $0x80;
	s26 =	simm.s32 $0x0;
	[sflag:s16] =	ssyncadd.s32 $0xFFFFE000  }
.LBB2_5:
0x35: {  	v2 =	vld [tilespmem:s25+$0xFFFFFF80]  }
0x36: {  	v3 =	vld [tilespmem:s24+$0xFFFFFF80];
	_ =	sdelay $0x1  }
0x37: {  	v4 =	vld [tilespmem:s23+$0xFFFFFF80];
	_ =	sdelay $0x2  }
0x38: {  	v2 =	vshll.u32 v2, $0xE;
	v3 =	vshll.u32 v3, $0x6  }
0x39: {  	v2 =	vadd.s32 v2, v3  }
0x3a: {  	v2 =	vadd.s32 v4, v2  }
0x3b: {  	v3 =	vsub.s32 v2, v0  }
0x3c: {  	v2 =	vand.u32 $0x3FF8, v2;
	vm0 =	vlt.u32 v3, $0x4000;
	v3 =	vand.u32 $0x7, v4  }
0x3d: {  	v2 =	vor.u32 v3, v2;
	_ =	sdelay $0x2  }
0x3e: {  	s28 =	sadd.s32 s26, s21  }
0x3f: {  	v3 =	vor.u32 s28, v1  }
0x40: {  	[tilespmem:v2+s17+$0x0] =	vst.idx.msk vm0, v3  }
0x41: {  	v2 =	vld [tilespmem:s25+$0xFFFFFF90]  }
0x42: {  	v3 =	vld [tilespmem:s24+$0xFFFFFF90];
	_ =	sdelay $0x1  }
0x43: {  	v49 =	vld [tilespmem:s23+$0xFFFFFF90];
	_ =	sdelay $0x2  }
0x44: {  	v2 =	vshll.u32 v2, $0xE;
	v3 =	vshll.u32 v3, $0x6  }
0x45: {  	v2 =	vadd.s32 v2, v3  }
0x46: {  	v2 =	vadd.s32 v49, v2  }
0x47: {  	v3 =	vsub.s32 v2, v0  }
0x48: {  	v2 =	vand.u32 $0x3FF8, v2;
	vm13 =	vlt.u32 v3, $0x4000;
	v3 =	vand.u32 $0x7, v49  }
0x49: {  	v2 =	vor.u32 v3, v2;
	_ =	sdelay $0x2  }
0x4a: {  	s29 =	sadd.s32 $0x20, s28  }
0x4b: {  	v3 =	vor.u32 s29, v1  }
0x4c: {  	[tilespmem:v2+s17+$0x0] =	vst.idx.msk vm13, v3  }
0x4d: {  	v2 =	vld [tilespmem:s25+$0xFFFFFFA0]  }
0x4e: {  	v3 =	vld [tilespmem:s24+$0xFFFFFFA0];
	_ =	sdelay $0x1  }
0x4f: {  	v50 =	vld [tilespmem:s23+$0xFFFFFFA0];
	_ =	sdelay $0x2  }
0x50: {  	v2 =	vshll.u32 v2, $0xE;
	v3 =	vshll.u32 v3, $0x6  }
0x51: {  	v2 =	vadd.s32 v2, v3  }
0x52: {  	v2 =	vadd.s32 v50, v2  }
0x53: {  	v3 =	vsub.s32 v2, v0  }
0x54: {  	v2 =	vand.u32 $0x3FF8, v2;
	vm14 =	vlt.u32 v3, $0x4000;
	v3 =	vand.u32 $0x7, v50  }
0x55: {  	v2 =	vor.u32 v3, v2;
	_ =	sdelay $0x2  }
0x56: {  	s31 =	sadd.s32 $0x40, s28  }
0x57: {  	v3 =	vor.u32 s31, v1  }
0x58: {  	[tilespmem:v2+s17+$0x0] =	vst.idx.msk vm14, v3  }
0x59: {  	v2 =	vld [tilespmem:s25+$0xFFFFFFB0]  }
0x5a: {  	v3 =	vld [tilespmem:s24+$0xFFFFFFB0];
	_ =	sdelay $0x1  }
0x5b: {  	v51 =	vld [tilespmem:s23+$0xFFFFFFB0];
	_ =	sdelay $0x2  }
0x5c: {  	v2 =	vshll.u32 v2, $0xE;
	v3 =	vshll.u32 v3, $0x6  }
0x5d: {  	v2 =	vadd.s32 v2, v3  }
0x5e: {  	v2 =	vadd.s32 v51, v2  }
0x5f: {  	v3 =	vsub.s32 v2, v0  }
0x60: {  	v2 =	vand.u32 $0x3FF8, v2;
	vm15 =	vlt.u32 v3, $0x4000;
	v3 =	vand.u32 $0x7, v51  }
0x61: {  	v2 =	vor.u32 v3, v2;
	_ =	sdelay $0x2  }
0x62: {  	s30 =	sadd.s32 $0x60, s28  }
0x63: {  	v3 =	vor.u32 s30, v1  }
0x64: {  	[tilespmem:v2+s17+$0x0] =	vst.idx.msk vm15, v3  }
0x65: {  	v2 =	vld [tilespmem:s25+$0xFFFFFFC0]  }
0x66: {  	v3 =	vld [tilespmem:s24+$0xFFFFFFC0];
	_ =	sdelay $0x1  }
0x67: {  	v52 =	vld [tilespmem:s23+$0xFFFFFFC0];
	_ =	sdelay $0x2  }
0x68: {  	v2 =	vshll.u32 v2, $0xE;
	v3 =	vshll.u32 v3, $0x6  }
0x69: {  	v2 =	vadd.s32 v2, v3  }
0x6a: {  	v2 =	vadd.s32 v52, v2  }
0x6b: {  	v3 =	vsub.s32 v2, v0  }
0x6c: {  	v2 =	vand.u32 $0x3FF8, v2;
	vm4 =	vlt.u32 v3, $0x4000;
	v3 =	vand.u32 $0x7, v52  }
0x6d: {  	v2 =	vor.u32 v3, v2;
	_ =	sdelay $0x2  }
0x6e: {  	s31 =	sadd.s32 $0x80, s28  }
0x6f: {  	v3 =	vor.u32 s31, v1  }
0x70: {  	[tilespmem:v2+s17+$0x0] =	vst.idx.msk vm4, v3  }
0x71: {  	v2 =	vld [tilespmem:s25+$0xFFFFFFD0]  }
0x72: {  	v3 =	vld [tilespmem:s24+$0xFFFFFFD0];
	_ =	sdelay $0x1  }
0x73: {  	v53 =	vld [tilespmem:s23+$0xFFFFFFD0];
	_ =	sdelay $0x2  }
0x74: {  	v2 =	vshll.u32 v2, $0xE;
	v3 =	vshll.u32 v3, $0x6  }
0x75: {  	v2 =	vadd.s32 v2, v3  }
0x76: {  	v2 =	vadd.s32 v53, v2  }
0x77: {  	v3 =	vsub.s32 v2, v0  }
0x78: {  	v2 =	vand.u32 $0x3FF8, v2;
	vm5 =	vlt.u32 v3, $0x4000;
	v3 =	vand.u32 $0x7, v53  }
0x79: {  	v2 =	vor.u32 v3, v2;
	_ =	sdelay $0x2  }
0x7a: {  	s30 =	sadd.s32 $0xA0, s28  }
0x7b: {  	v3 =	vor.u32 s30, v1  }
0x7c: {  	[tilespmem:v2+s17+$0x0] =	vst.idx.msk vm5, v3  }
0x7d: {  	v2 =	vld [tilespmem:s25+$0xFFFFFFE0]  }
0x7e: {  	v3 =	vld [tilespmem:s24+$0xFFFFFFE0];
	_ =	sdelay $0x1  }
0x7f: {  	v54 =	vld [tilespmem:s23+$0xFFFFFFE0];
	_ =	sdelay $0x2  }
0x80: {  	v2 =	vshll.u32 v2, $0xE;
	v3 =	vshll.u32 v3, $0x6  }
0x81: {  	v2 =	vadd.s32 v2, v3  }
0x82: {  	v2 =	vadd.s32 v54, v2  }
0x83: {  	v3 =	vsub.s32 v2, v0  }
0x84: {  	v2 =	vand.u32 $0x3FF8, v2;
	vm6 =	vlt.u32 v3, $0x4000;
	v3 =	vand.u32 $0x7, v54  }
0x85: {  	v2 =	vor.u32 v3, v2;
	_ =	sdelay $0x2  }
0x86: {  	s31 =	sadd.s32 $0xC0, s28  }
0x87: {  	v3 =	vor.u32 s31, v1  }
0x88: {  	[tilespmem:v2+s17+$0x0] =	vst.idx.msk vm6, v3  }
0x89: {  	v2 =	vld [tilespmem:s25+$0xFFFFFFF0]  }
0x8a: {  	v3 =	vld [tilespmem:s24+$0xFFFFFFF0];
	_ =	sdelay $0x1  }
0x8b: {  	v55 =	vld [tilespmem:s23+$0xFFFFFFF0];
	_ =	sdelay $0x2  }
0x8c: {  	v2 =	vshll.u32 v2, $0xE;
	v3 =	vshll.u32 v3, $0x6  }
0x8d: {  	v2 =	vadd.s32 v2, v3  }
0x8e: {  	v2 =	vadd.s32 v55, v2  }
0x8f: {  	v3 =	vsub.s32 v2, v0  }
0x90: {  	v2 =	vand.u32 $0x3FF8, v2;
	vm7 =	vlt.u32 v3, $0x4000;
	v3 =	vand.u32 $0x7, v55  }
0x91: {  	v2 =	vor.u32 v3, v2;
	_ =	sdelay $0x2  }
0x92: {  	s30 =	sadd.s32 $0xE0, s28  }
0x93: {  	v3 =	vor.u32 s30, v1  }
0x94: {  	[tilespmem:v2+s17+$0x0] =	vst.idx.msk vm7, v3  }
0x95: {  	v2 =	vld [tilespmem:s25+$0x0]  }
0x96: {  	v3 =	vld [tilespmem:s24+$0x0];
	_ =	sdelay $0x1  }
0x97: {  	v56 =	vld [tilespmem:s23+$0x0];
	_ =	sdelay $0x2  }
0x98: {  	v2 =	vshll.u32 v2, $0xE;
	v3 =	vshll.u32 v3, $0x6  }
0x99: {  	v2 =	vadd.s32 v2, v3  }
0x9a: {  	v2 =	vadd.s32 v56, v2  }
0x9b: {  	v3 =	vsub.s32 v2, v0  }
0x9c: {  	v2 =	vand.u32 $0x3FF8, v2;
	vm8 =	vlt.u32 v3, $0x4000;
	v3 =	vand.u32 $0x7, v56  }
0x9d: {  	v2 =	vor.u32 v3, v2;
	_ =	sdelay $0x2  }
0x9e: {  	s31 =	sadd.s32 $0x100, s28  }
0x9f: {  	v3 =	vor.u32 s31, v1  }
0xa0: {  	[tilespmem:v2+s17+$0x0] =	vst.idx.msk vm8, v3  }
0xa1: {  	v2 =	vld [tilespmem:s25+$0x10]  }
0xa2: {  	v3 =	vld [tilespmem:s24+$0x10];
	_ =	sdelay $0x1  }
0xa3: {  	v57 =	vld [tilespmem:s23+$0x10];
	_ =	sdelay $0x2  }
0xa4: {  	v2 =	vshll.u32 v2, $0xE;
	v3 =	vshll.u32 v3, $0x6  }
0xa5: {  	v2 =	vadd.s32 v2, v3  }
0xa6: {  	v2 =	vadd.s32 v57, v2  }
0xa7: {  	v3 =	vsub.s32 v2, v0  }
0xa8: {  	v2 =	vand.u32 $0x3FF8, v2;
	vm9 =	vlt.u32 v3, $0x4000;
	v3 =	vand.u32 $0x7, v57  }
0xa9: {  	v2 =	vor.u32 v3, v2;
	_ =	sdelay $0x2  }
0xaa: {  	s30 =	sadd.s32 $0x120, s28  }
0xab: {  	v3 =	vor.u32 s30, v1  }
0xac: {  	[tilespmem:v2+s17+$0x0] =	vst.idx.msk vm9, v3  }
0xad: {  	v2 =	vld [tilespmem:s25+$0x20]  }
0xae: {  	v3 =	vld [tilespmem:s24+$0x20];
	_ =	sdelay $0x1  }
0xaf: {  	v58 =	vld [tilespmem:s23+$0x20];
	_ =	sdelay $0x2  }
0xb0: {  	v2 =	vshll.u32 v2, $0xE;
	v3 =	vshll.u32 v3, $0x6  }
0xb1: {  	v2 =	vadd.s32 v2, v3  }
0xb2: {  	v2 =	vadd.s32 v58, v2  }
0xb3: {  	v3 =	vsub.s32 v2, v0  }
0xb4: {  	v2 =	vand.u32 $0x3FF8, v2;
	vm10 =	vlt.u32 v3, $0x4000;
	v3 =	vand.u32 $0x7, v58  }
0xb5: {  	v2 =	vor.u32 v3, v2;
	_ =	sdelay $0x2  }
0xb6: {  	s31 =	sadd.s32 $0x140, s28  }
0xb7: {  	v3 =	vor.u32 s31, v1  }
0xb8: {  	[tilespmem:v2+s17+$0x0] =	vst.idx.msk vm10, v3  }
0xb9: {  	v2 =	vld [tilespmem:s25+$0x30]  }
0xba: {  	v3 =	vld [tilespmem:s24+$0x30];
	_ =	sdelay $0x1  }
0xbb: {  	v59 =	vld [tilespmem:s23+$0x30];
	_ =	sdelay $0x2  }
0xbc: {  	v2 =	vshll.u32 v2, $0xE;
	v3 =	vshll.u32 v3, $0x6  }
0xbd: {  	v2 =	vadd.s32 v2, v3  }
0xbe: {  	v2 =	vadd.s32 v59, v2  }
0xbf: {  	v3 =	vsub.s32 v2, v0  }
0xc0: {  	v2 =	vand.u32 $0x3FF8, v2;
	vm11 =	vlt.u32 v3, $0x4000;
	v3 =	vand.u32 $0x7, v59  }
0xc1: {  	v2 =	vor.u32 v3, v2;
	_ =	sdelay $0x2  }
0xc2: {  	s30 =	sadd.s32 $0x160, s28  }
0xc3: {  	v3 =	vor.u32 s30, v1  }
0xc4: {  	[tilespmem:v2+s17+$0x0] =	vst.idx.msk vm11, v3  }
0xc5: {  	v2 =	vld [tilespmem:s25+$0x40]  }
0xc6: {  	v3 =	vld [tilespmem:s24+$0x40];
	_ =	sdelay $0x1  }
0xc7: {  	v60 =	vld [tilespmem:s23+$0x40];
	_ =	sdelay $0x2  }
0xc8: {  	v2 =	vshll.u32 v2, $0xE;
	v3 =	vshll.u32 v3, $0x6  }
0xc9: {  	v2 =	vadd.s32 v2, v3  }
0xca: {  	v2 =	vadd.s32 v60, v2  }
0xcb: {  	v3 =	vsub.s32 v2, v0  }
0xcc: {  	v2 =	vand.u32 $0x3FF8, v2;
	vm12 =	vlt.u32 v3, $0x4000;
	v3 =	vand.u32 $0x7, v60  }
0xcd: {  	v2 =	vor.u32 v3, v2;
	_ =	sdelay $0x2  }
0xce: {  	s31 =	sadd.s32 $0x180, s28  }
0xcf: {  	v3 =	vor.u32 s31, v1  }
0xd0: {  	[tilespmem:v2+s17+$0x0] =	vst.idx.msk vm12, v3  }
0xd1: {  	v2 =	vld [tilespmem:s25+$0x50]  }
0xd2: {  	v3 =	vld [tilespmem:s24+$0x50];
	_ =	sdelay $0x1  }
0xd3: {  	v61 =	vld [tilespmem:s23+$0x50];
	_ =	sdelay $0x2  }
0xd4: {  	v2 =	vshll.u32 v2, $0xE;
	v3 =	vshll.u32 v3, $0x6  }
0xd5: {  	v2 =	vadd.s32 v2, v3  }
0xd6: {  	v2 =	vadd.s32 v61, v2  }
0xd7: {  	v3 =	vsub.s32 v2, v0  }
0xd8: {  	v2 =	vand.u32 $0x3FF8, v2;
	vm13 =	vlt.u32 v3, $0x4000;
	v3 =	vand.u32 $0x7, v61  }
0xd9: {  	v2 =	vor.u32 v3, v2;
	_ =	sdelay $0x2  }
0xda: {  	s30 =	sadd.s32 $0x1A0, s28  }
0xdb: {  	v3 =	vor.u32 s30, v1  }
0xdc: {  	[tilespmem:v2+s17+$0x0] =	vst.idx.msk vm13, v3  }
0xdd: {  	v2 =	vld [tilespmem:s25+$0x60]  }
0xde: {  	v3 =	vld [tilespmem:s24+$0x60];
	_ =	sdelay $0x1  }
0xdf: {  	v62 =	vld [tilespmem:s23+$0x60];
	_ =	sdelay $0x2  }
0xe0: {  	v2 =	vshll.u32 v2, $0xE;
	v3 =	vshll.u32 v3, $0x6  }
0xe1: {  	v2 =	vadd.s32 v2, v3  }
0xe2: {  	v2 =	vadd.s32 v62, v2  }
0xe3: {  	v3 =	vsub.s32 v2, v0  }
0xe4: {  	v2 =	vand.u32 $0x3FF8, v2;
	vm14 =	vlt.u32 v3, $0x4000;
	v3 =	vand.u32 $0x7, v62  }
0xe5: {  	v2 =	vor.u32 v3, v2;
	_ =	sdelay $0x2  }
0xe6: {  	s31 =	sadd.s32 $0x1C0, s28  }
0xe7: {  	v3 =	vor.u32 s31, v1  }
0xe8: {  	[tilespmem:v2+s17+$0x0] =	vst.idx.msk vm14, v3  }
0xe9: {  	v2 =	vld [tilespmem:s25+$0x70]  }
0xea: {  	v3 =	vld [tilespmem:s24+$0x70];
	_ =	sdelay $0x1  }
0xeb: {  	v63 =	vld [tilespmem:s23+$0x70];
	_ =	sdelay $0x2  }
0xec: {  	v2 =	vshll.u32 v2, $0xE;
	v3 =	vshll.u32 v3, $0x6  }
0xed: {  	v2 =	vadd.s32 v2, v3  }
0xee: {  	v2 =	vadd.s32 v63, v2  }
0xef: {  	v3 =	vsub.s32 v2, v0  }
0xf0: {  	v2 =	vand.u32 $0x3FF8, v2;
	vm15 =	vlt.u32 v3, $0x4000;
	v3 =	vand.u32 $0x7, v63  }
0xf1: {  	p0 =	sne.s32 s26, $0x3E00;
	v2 =	vor.u32 v3, v2  }
.Ltmp3:
0xf2: {  	_ = 	snop;
	(pc) =	sbr.rel @p0 .LBB2_5-.Ltmp3, $4  }
0xf3: {  	_ = 	snop  }
0xf4: {  	s28 =	sadd.s32 $0x1E0, s28  }
0xf5: {  	s26 =	sadd.s32 $0x200, s26;
	v3 =	vor.u32 s28, v1  }
0xf6: {  	s23 =	sadd.s32 $0x100, s23;
	s24 =	sadd.s32 $0x100, s24;
	s25 =	sadd.s32 $0x100, s25;
	[tilespmem:v2+s17+$0x0] =	vst.idx.msk vm15, v3  }
0xf7: {  	s23 =	sshll.u32 s22, $0xB;
	p0 =	seq.s32 s22, $0xF  }
0xf8: {  	s24 =	sadd.s32 @!p0 $0x800, s23  }
0xf9: {  	s26 =	simm.s32 @!p0 $0x0;
	s25 =	sadd.s32 @!p0 s1, s24  }
0xfa: {  	[tilespmem:s26], [sflag:$0x1] =	stream.linear.gather @!p0 [hbm4b:s25+s26], $0x2000, $0x38;
	[tilespmem:$0x10000] =	vst v63  }
0xfb: {  	s28 =	simm.s32 @!p0 $0x4000;
	s25 =	sadd.s32 @!p0 s2, s24  }
0xfc: {  	[tilespmem:s28], [sflag:$0x1] =	stream.linear.gather @!p0 [hbm4b:s25+s26], $0x2000, $0x38;
	[tilespmem:$0x10000] =	vst v63  }
0xfd: {  	s24 =	sadd.s32 @!p0 s3, s24;
	s25 =	simm.s32 @!p0 $0x8000  }
0xfe: {  	[tilespmem:s25], [sflag:$0x1] =	stream.linear.gather @!p0 [hbm4b:s24+s26], $0x2000, $0x38;
	[tilespmem:$0x10000] =	vst v63  }
0xff: {  	_ =	swait.ge [sflag:s18], $0x2000  }
0x100: {  	[sflag:s18] =	ssyncset.done $0x0  }
0x101: {  	[sflag:s18] =	ssyncadd.s32 $0xFFFFE000  }
0x102: {  	_ =	swait.ge [sflag:s18], $0x2000  }
0x103: {  	[sflag:s18] =	ssyncset.done $0x0  }
0x104: {  	[sflag:s18] =	ssyncadd.s32 $0xFFFFE000  }
0x105: {  	_ =	swait.ge [sflag:s18], $0x2000  }
0x106: {  	s28 =	simm.s32 $0x2080;
	s24 =	simm.s32 $0x0;
	[sflag:s18] =	ssyncset.done $0x0  }
0x107: {  	s25 =	simm.s32 $0xA080;
	s26 =	simm.s32 $0x6080;
	[sflag:s18] =	ssyncadd.s32 $0xFFFFE000  }
.LBB2_7:
0x108: {  	v2 =	vld [tilespmem:s28+$0xFFFFFF80]  }
0x109: {  	v3 =	vld [tilespmem:s26+$0xFFFFFF80];
	_ =	sdelay $0x1  }
0x10a: {  	v4 =	vld [tilespmem:s25+$0xFFFFFF80];
	_ =	sdelay $0x2  }
0x10b: {  	v2 =	vshll.u32 v2, $0xE;
	v3 =	vshll.u32 v3, $0x6  }
0x10c: {  	v2 =	vadd.s32 v2, v3  }
0x10d: {  	v2 =	vadd.s32 v4, v2  }
0x10e: {  	v3 =	vsub.s32 v2, v0  }
0x10f: {  	v2 =	vand.u32 $0x3FF8, v2;
	vm0 =	vlt.u32 v3, $0x4000;
	v3 =	vand.u32 $0x7, v4  }
0x110: {  	v2 =	vor.u32 v3, v2;
	_ =	sdelay $0x1  }
0x111: {  	s29 =	sadd.s32 s24, s21  }
0x112: {  	s30 =	sadd.s32 $0x4000, s29  }
0x113: {  	v3 =	vor.u32 s30, v1  }
0x114: {  	[tilespmem:v2+s17+$0x0] =	vst.idx.msk vm0, v3  }
0x115: {  	v2 =	vld [tilespmem:s28+$0xFFFFFF90]  }
0x116: {  	v3 =	vld [tilespmem:s26+$0xFFFFFF90];
	_ =	sdelay $0x1  }
0x117: {  	v49 =	vld [tilespmem:s25+$0xFFFFFF90];
	_ =	sdelay $0x2  }
0x118: {  	v2 =	vshll.u32 v2, $0xE;
	v3 =	vshll.u32 v3, $0x6  }
0x119: {  	v2 =	vadd.s32 v2, v3  }
0x11a: {  	v2 =	vadd.s32 v49, v2  }
0x11b: {  	v3 =	vsub.s32 v2, v0  }
0x11c: {  	v2 =	vand.u32 $0x3FF8, v2;
	vm13 =	vlt.u32 v3, $0x4000;
	v3 =	vand.u32 $0x7, v49  }
0x11d: {  	v2 =	vor.u32 v3, v2;
	_ =	sdelay $0x2  }
0x11e: {  	s31 =	sadd.s32 $0x4020, s29  }
0x11f: {  	v3 =	vor.u32 s31, v1  }
0x120: {  	[tilespmem:v2+s17+$0x0] =	vst.idx.msk vm13, v3  }
0x121: {  	v2 =	vld [tilespmem:s28+$0xFFFFFFA0]  }
0x122: {  	v3 =	vld [tilespmem:s26+$0xFFFFFFA0];
	_ =	sdelay $0x1  }
0x123: {  	v50 =	vld [tilespmem:s25+$0xFFFFFFA0];
	_ =	sdelay $0x2  }
0x124: {  	v2 =	vshll.u32 v2, $0xE;
	v3 =	vshll.u32 v3, $0x6  }
0x125: {  	v2 =	vadd.s32 v2, v3  }
0x126: {  	v2 =	vadd.s32 v50, v2  }
0x127: {  	v3 =	vsub.s32 v2, v0  }
0x128: {  	v2 =	vand.u32 $0x3FF8, v2;
	vm14 =	vlt.u32 v3, $0x4000;
	v3 =	vand.u32 $0x7, v50  }
0x129: {  	v2 =	vor.u32 v3, v2;
	_ =	sdelay $0x2  }
0x12a: {  	s31 =	sadd.s32 $0x4040, s29  }
0x12b: {  	v3 =	vor.u32 s31, v1  }
0x12c: {  	[tilespmem:v2+s17+$0x0] =	vst.idx.msk vm14, v3  }
0x12d: {  	v2 =	vld [tilespmem:s28+$0xFFFFFFB0]  }
0x12e: {  	v3 =	vld [tilespmem:s26+$0xFFFFFFB0];
	_ =	sdelay $0x1  }
0x12f: {  	v51 =	vld [tilespmem:s25+$0xFFFFFFB0];
	_ =	sdelay $0x2  }
0x130: {  	v2 =	vshll.u32 v2, $0xE;
	v3 =	vshll.u32 v3, $0x6  }
0x131: {  	v2 =	vadd.s32 v2, v3  }
0x132: {  	v2 =	vadd.s32 v51, v2  }
0x133: {  	v3 =	vsub.s32 v2, v0  }
0x134: {  	v2 =	vand.u32 $0x3FF8, v2;
	vm15 =	vlt.u32 v3, $0x4000;
	v3 =	vand.u32 $0x7, v51  }
0x135: {  	v2 =	vor.u32 v3, v2;
	_ =	sdelay $0x2  }
0x136: {  	s31 =	sadd.s32 $0x4060, s29  }
0x137: {  	v3 =	vor.u32 s31, v1  }
0x138: {  	[tilespmem:v2+s17+$0x0] =	vst.idx.msk vm15, v3  }
0x139: {  	v2 =	vld [tilespmem:s28+$0xFFFFFFC0]  }
0x13a: {  	v3 =	vld [tilespmem:s26+$0xFFFFFFC0];
	_ =	sdelay $0x1  }
0x13b: {  	v52 =	vld [tilespmem:s25+$0xFFFFFFC0];
	_ =	sdelay $0x2  }
0x13c: {  	v2 =	vshll.u32 v2, $0xE;
	v3 =	vshll.u32 v3, $0x6  }
0x13d: {  	v2 =	vadd.s32 v2, v3  }
0x13e: {  	v2 =	vadd.s32 v52, v2  }
0x13f: {  	v3 =	vsub.s32 v2, v0  }
0x140: {  	v2 =	vand.u32 $0x3FF8, v2;
	vm4 =	vlt.u32 v3, $0x4000;
	v3 =	vand.u32 $0x7, v52  }
0x141: {  	v2 =	vor.u32 v3, v2;
	_ =	sdelay $0x2  }
0x142: {  	s31 =	sadd.s32 $0x4080, s29  }
0x143: {  	v3 =	vor.u32 s31, v1  }
0x144: {  	[tilespmem:v2+s17+$0x0] =	vst.idx.msk vm4, v3  }
0x145: {  	v2 =	vld [tilespmem:s28+$0xFFFFFFD0]  }
0x146: {  	v3 =	vld [tilespmem:s26+$0xFFFFFFD0];
	_ =	sdelay $0x1  }
0x147: {  	v53 =	vld [tilespmem:s25+$0xFFFFFFD0];
	_ =	sdelay $0x2  }
0x148: {  	v2 =	vshll.u32 v2, $0xE;
	v3 =	vshll.u32 v3, $0x6  }
0x149: {  	v2 =	vadd.s32 v2, v3  }
0x14a: {  	v2 =	vadd.s32 v53, v2  }
0x14b: {  	v3 =	vsub.s32 v2, v0  }
0x14c: {  	v2 =	vand.u32 $0x3FF8, v2;
	vm5 =	vlt.u32 v3, $0x4000;
	v3 =	vand.u32 $0x7, v53  }
0x14d: {  	v2 =	vor.u32 v3, v2;
	_ =	sdelay $0x2  }
0x14e: {  	s31 =	sadd.s32 $0x40A0, s29  }
0x14f: {  	v3 =	vor.u32 s31, v1  }
0x150: {  	[tilespmem:v2+s17+$0x0] =	vst.idx.msk vm5, v3  }
0x151: {  	v2 =	vld [tilespmem:s28+$0xFFFFFFE0]  }
0x152: {  	v3 =	vld [tilespmem:s26+$0xFFFFFFE0];
	_ =	sdelay $0x1  }
0x153: {  	v54 =	vld [tilespmem:s25+$0xFFFFFFE0];
	_ =	sdelay $0x2  }
0x154: {  	v2 =	vshll.u32 v2, $0xE;
	v3 =	vshll.u32 v3, $0x6  }
0x155: {  	v2 =	vadd.s32 v2, v3  }
0x156: {  	v2 =	vadd.s32 v54, v2  }
0x157: {  	v3 =	vsub.s32 v2, v0  }
0x158: {  	v2 =	vand.u32 $0x3FF8, v2;
	vm6 =	vlt.u32 v3, $0x4000;
	v3 =	vand.u32 $0x7, v54  }
0x159: {  	v2 =	vor.u32 v3, v2;
	_ =	sdelay $0x2  }
0x15a: {  	s31 =	sadd.s32 $0x40C0, s29  }
0x15b: {  	v3 =	vor.u32 s31, v1  }
0x15c: {  	[tilespmem:v2+s17+$0x0] =	vst.idx.msk vm6, v3  }
0x15d: {  	v2 =	vld [tilespmem:s28+$0xFFFFFFF0]  }
0x15e: {  	v3 =	vld [tilespmem:s26+$0xFFFFFFF0];
	_ =	sdelay $0x1  }
0x15f: {  	v55 =	vld [tilespmem:s25+$0xFFFFFFF0];
	_ =	sdelay $0x2  }
0x160: {  	v2 =	vshll.u32 v2, $0xE;
	v3 =	vshll.u32 v3, $0x6  }
0x161: {  	v2 =	vadd.s32 v2, v3  }
0x162: {  	v2 =	vadd.s32 v55, v2  }
0x163: {  	v3 =	vsub.s32 v2, v0  }
0x164: {  	v2 =	vand.u32 $0x3FF8, v2;
	vm7 =	vlt.u32 v3, $0x4000;
	v3 =	vand.u32 $0x7, v55  }
0x165: {  	v2 =	vor.u32 v3, v2;
	_ =	sdelay $0x2  }
0x166: {  	s31 =	sadd.s32 $0x40E0, s29  }
0x167: {  	v3 =	vor.u32 s31, v1  }
0x168: {  	[tilespmem:v2+s17+$0x0] =	vst.idx.msk vm7, v3  }
0x169: {  	v2 =	vld [tilespmem:s28+$0x0]  }
0x16a: {  	v3 =	vld [tilespmem:s26+$0x0];
	_ =	sdelay $0x1  }
0x16b: {  	v56 =	vld [tilespmem:s25+$0x0];
	_ =	sdelay $0x2  }
0x16c: {  	v2 =	vshll.u32 v2, $0xE;
	v3 =	vshll.u32 v3, $0x6  }
0x16d: {  	v2 =	vadd.s32 v2, v3  }
0x16e: {  	v2 =	vadd.s32 v56, v2  }
0x16f: {  	v3 =	vsub.s32 v2, v0  }
0x170: {  	v2 =	vand.u32 $0x3FF8, v2;
	vm8 =	vlt.u32 v3, $0x4000;
	v3 =	vand.u32 $0x7, v56  }
0x171: {  	v2 =	vor.u32 v3, v2;
	_ =	sdelay $0x2  }
0x172: {  	s31 =	sadd.s32 $0x4100, s29  }
0x173: {  	v3 =	vor.u32 s31, v1  }
0x174: {  	[tilespmem:v2+s17+$0x0] =	vst.idx.msk vm8, v3  }
0x175: {  	v2 =	vld [tilespmem:s28+$0x10]  }
0x176: {  	v3 =	vld [tilespmem:s26+$0x10];
	_ =	sdelay $0x1  }
0x177: {  	v57 =	vld [tilespmem:s25+$0x10];
	_ =	sdelay $0x2  }
0x178: {  	v2 =	vshll.u32 v2, $0xE;
	v3 =	vshll.u32 v3, $0x6  }
0x179: {  	v2 =	vadd.s32 v2, v3  }
0x17a: {  	v2 =	vadd.s32 v57, v2  }
0x17b: {  	v3 =	vsub.s32 v2, v0  }
0x17c: {  	v2 =	vand.u32 $0x3FF8, v2;
	vm9 =	vlt.u32 v3, $0x4000;
	v3 =	vand.u32 $0x7, v57  }
0x17d: {  	v2 =	vor.u32 v3, v2;
	_ =	sdelay $0x2  }
0x17e: {  	s31 =	sadd.s32 $0x4120, s29  }
0x17f: {  	v3 =	vor.u32 s31, v1  }
0x180: {  	[tilespmem:v2+s17+$0x0] =	vst.idx.msk vm9, v3  }
0x181: {  	v2 =	vld [tilespmem:s28+$0x20]  }
0x182: {  	v3 =	vld [tilespmem:s26+$0x20];
	_ =	sdelay $0x1  }
0x183: {  	v58 =	vld [tilespmem:s25+$0x20];
	_ =	sdelay $0x2  }
0x184: {  	v2 =	vshll.u32 v2, $0xE;
	v3 =	vshll.u32 v3, $0x6  }
0x185: {  	v2 =	vadd.s32 v2, v3  }
0x186: {  	v2 =	vadd.s32 v58, v2  }
0x187: {  	v3 =	vsub.s32 v2, v0  }
0x188: {  	v2 =	vand.u32 $0x3FF8, v2;
	vm10 =	vlt.u32 v3, $0x4000;
	v3 =	vand.u32 $0x7, v58  }
0x189: {  	v2 =	vor.u32 v3, v2;
	_ =	sdelay $0x2  }
0x18a: {  	s31 =	sadd.s32 $0x4140, s29  }
0x18b: {  	v3 =	vor.u32 s31, v1  }
0x18c: {  	[tilespmem:v2+s17+$0x0] =	vst.idx.msk vm10, v3  }
0x18d: {  	v2 =	vld [tilespmem:s28+$0x30]  }
0x18e: {  	v3 =	vld [tilespmem:s26+$0x30];
	_ =	sdelay $0x1  }
0x18f: {  	v59 =	vld [tilespmem:s25+$0x30];
	_ =	sdelay $0x2  }
0x190: {  	v2 =	vshll.u32 v2, $0xE;
	v3 =	vshll.u32 v3, $0x6  }
0x191: {  	v2 =	vadd.s32 v2, v3  }
0x192: {  	v2 =	vadd.s32 v59, v2  }
0x193: {  	v3 =	vsub.s32 v2, v0  }
0x194: {  	v2 =	vand.u32 $0x3FF8, v2;
	vm11 =	vlt.u32 v3, $0x4000;
	v3 =	vand.u32 $0x7, v59  }
0x195: {  	v2 =	vor.u32 v3, v2;
	_ =	sdelay $0x2  }
0x196: {  	s31 =	sadd.s32 $0x4160, s29  }
0x197: {  	v3 =	vor.u32 s31, v1  }
0x198: {  	[tilespmem:v2+s17+$0x0] =	vst.idx.msk vm11, v3  }
0x199: {  	v2 =	vld [tilespmem:s28+$0x40]  }
0x19a: {  	v3 =	vld [tilespmem:s26+$0x40];
	_ =	sdelay $0x1  }
0x19b: {  	v60 =	vld [tilespmem:s25+$0x40];
	_ =	sdelay $0x2  }
0x19c: {  	v2 =	vshll.u32 v2, $0xE;
	v3 =	vshll.u32 v3, $0x6  }
0x19d: {  	v2 =	vadd.s32 v2, v3  }
0x19e: {  	v2 =	vadd.s32 v60, v2  }
0x19f: {  	v3 =	vsub.s32 v2, v0  }
0x1a0: {  	v2 =	vand.u32 $0x3FF8, v2;
	vm12 =	vlt.u32 v3, $0x4000;
	v3 =	vand.u32 $0x7, v60  }
0x1a1: {  	v2 =	vor.u32 v3, v2;
	_ =	sdelay $0x2  }
0x1a2: {  	s31 =	sadd.s32 $0x4180, s29  }
0x1a3: {  	v3 =	vor.u32 s31, v1  }
0x1a4: {  	[tilespmem:v2+s17+$0x0] =	vst.idx.msk vm12, v3  }
0x1a5: {  	v2 =	vld [tilespmem:s28+$0x50]  }
0x1a6: {  	v3 =	vld [tilespmem:s26+$0x50];
	_ =	sdelay $0x1  }
0x1a7: {  	v61 =	vld [tilespmem:s25+$0x50];
	_ =	sdelay $0x2  }
0x1a8: {  	v2 =	vshll.u32 v2, $0xE;
	v3 =	vshll.u32 v3, $0x6  }
0x1a9: {  	v2 =	vadd.s32 v2, v3  }
0x1aa: {  	v2 =	vadd.s32 v61, v2  }
0x1ab: {  	v3 =	vsub.s32 v2, v0  }
0x1ac: {  	v2 =	vand.u32 $0x3FF8, v2;
	vm13 =	vlt.u32 v3, $0x4000;
	v3 =	vand.u32 $0x7, v61  }
0x1ad: {  	v2 =	vor.u32 v3, v2;
	_ =	sdelay $0x2  }
0x1ae: {  	s31 =	sadd.s32 $0x41A0, s29  }
0x1af: {  	v3 =	vor.u32 s31, v1  }
0x1b0: {  	[tilespmem:v2+s17+$0x0] =	vst.idx.msk vm13, v3  }
0x1b1: {  	v2 =	vld [tilespmem:s28+$0x60]  }
0x1b2: {  	v3 =	vld [tilespmem:s26+$0x60];
	_ =	sdelay $0x1  }
0x1b3: {  	v62 =	vld [tilespmem:s25+$0x60];
	_ =	sdelay $0x2  }
0x1b4: {  	v2 =	vshll.u32 v2, $0xE;
	v3 =	vshll.u32 v3, $0x6  }
0x1b5: {  	v2 =	vadd.s32 v2, v3  }
0x1b6: {  	v2 =	vadd.s32 v62, v2  }
0x1b7: {  	v3 =	vsub.s32 v2, v0  }
0x1b8: {  	v2 =	vand.u32 $0x3FF8, v2;
	vm14 =	vlt.u32 v3, $0x4000;
	v3 =	vand.u32 $0x7, v62  }
0x1b9: {  	v2 =	vor.u32 v3, v2;
	_ =	sdelay $0x2  }
0x1ba: {  	s31 =	sadd.s32 $0x41C0, s29  }
0x1bb: {  	v3 =	vor.u32 s31, v1  }
0x1bc: {  	[tilespmem:v2+s17+$0x0] =	vst.idx.msk vm14, v3  }
0x1bd: {  	v2 =	vld [tilespmem:s28+$0x70]  }
0x1be: {  	v3 =	vld [tilespmem:s26+$0x70];
	_ =	sdelay $0x1  }
0x1bf: {  	v63 =	vld [tilespmem:s25+$0x70];
	_ =	sdelay $0x2  }
0x1c0: {  	v2 =	vshll.u32 v2, $0xE;
	v3 =	vshll.u32 v3, $0x6  }
0x1c1: {  	v2 =	vadd.s32 v2, v3  }
0x1c2: {  	v2 =	vadd.s32 v63, v2  }
0x1c3: {  	v3 =	vsub.s32 v2, v0  }
0x1c4: {  	v2 =	vand.u32 $0x3FF8, v2;
	vm15 =	vlt.u32 v3, $0x4000;
	v3 =	vand.u32 $0x7, v63  }
0x1c5: {  	p1 =	sne.s32 s24, $0x3E00;
	v2 =	vor.u32 v3, v2  }
.Ltmp4:
0x1c6: {  	_ = 	snop;
	(pc) =	sbr.rel @p1 .LBB2_7-.Ltmp4, $4  }
0x1c7: {  	_ = 	snop  }
0x1c8: {  	s29 =	sadd.s32 $0x41E0, s29  }
0x1c9: {  	s24 =	sadd.s32 $0x200, s24;
	v3 =	vor.u32 s29, v1  }
0x1ca: {  	s25 =	sadd.s32 $0x100, s25;
	s26 =	sadd.s32 $0x100, s26;
	s28 =	sadd.s32 $0x100, s28;
	[tilespmem:v2+s17+$0x0] =	vst.idx.msk vm15, v3  }
.Ltmp5:
0x1cb: {  	(pc) =	sbr.rel @p0 .LBB2_10-.Ltmp5, $1  }
0x1cc: {  	_ =	sdelay $0x3  }
0x1cd: {  	s23 =	sadd.s32 $0xC00, s23  }
0x1ce: {  	s24 =	sadd.s32 s1, s23  }
0x1cf: {  	[tilespmem:s13], [sflag:$0x2] =	stream.linear.gather [hbm4b:s24+s4], $0x2000, $0x38;
	[tilespmem:$0x10000] =	vst v63  }
.Ltmp6:
0x1d0: {  	_ = 	snop;
	(pc) =	sbr.rel .LBB2_4-.Ltmp6, $4  }
0x1d1: {  	s31 =	sadd.s32 s2, s23  }
0x1d2: {  	[tilespmem:s14], [sflag:$0x2] =	stream.linear.gather [hbm4b:s31+s4], $0x2000, $0x38;
	[tilespmem:$0x10000] =	vst v63  }
0x1d3: {  	s22 =	sadd.s32 $0x1, s22;
	s21 =	sadd.s32 $0x8000, s21;
	s23 =	sadd.s32 s3, s23  }
0x1d4: {  	[tilespmem:s15], [sflag:$0x2] =	stream.linear.gather [hbm4b:s23+s4], $0x2000, $0x38;
	[tilespmem:$0x10000] =	vst v63  }
.LBB2_11:
0x1d5: {  	_ =	sfence.sel $0x180000  }
0x1d6: {  	[bflag:$0x0] =	sbarrier.arrive $0xFFFF  }
0x1d7: {  	p0 =	sne.s32 s5, $0x0;
	_ =	strace $0x90000047  }
0x1d8: {  	s0 =	sadd.s32 @!p0 $0x100000, s0;
	[bflag:$0x2] =	sbarrier.arrive $0xFFFF  }
0x1d9: {  	[sflag:s0] =	ssyncadd.tile.s32 @!p0 $0x1;
	_ =	shalt  }
.Lfunc_end2:
_tile_overlayer_lowered:
.L_overlay_start_2:
0x1da: {  	(tag) =	ssettag $0x2  }
0x1db: {  	s0 =	rddreg [dreg:$0x0];
	s2 =	stileid.u32  }
0x1dc: {  	s1 =	rddreg [dreg:$0x1];
	p0 =	sne.s32 s2, $0x0  }
0x1dd: {  	s3 =	rddreg [dreg:$0x2];
	[bflag:$0x3] =	sbarrier.arrive $0xFFFF;
	s2 =	simm.s32 @!p0 $0x1C03  }
0x1de: {  	[timem:s3], [sflag:s2] =	dma.local @!p0 [hbm:s0], s1  }
0x1df: {  	s0 =	simm.s32 @!p0 $0x3  }
0x1e0: {  	_ =	swait.ge @!p0 [sflag:s0], s1  }
0x1e1: {  	s1 =	ssub.s32 @!p0 $0x0, s1;
	[sflag:s0] =	ssyncset.done @!p0 $0x0  }
0x1e2: {  	[sflag:s0] =	ssyncadd.s32 @!p0 s1  }
0x1e3: {  	[bflag:$0x3] =	sbarrier.arrive $0xFFFF  }
0x1e4: {  	_ =	shalt  }

// kernel: kernel.9.cloned.1.call-start
scs
__scs_entry_jumppad:
0x0: {  	(pc) =	sbr.rel $0x88, $3  }
0x1: {  	(tag) =	ssettag $0x0;
	lr =	simm.s32 $0x1  }
0x2: {  	[smem:$0x3F9C] =	sst lr;
	_ =	strace $0xD0000000  }
0x3: {  	_ = 	snop  }
0x4: {  	_ = 	snop  }
0x5: {  	_ = 	snop  }
0x6: {  	_ = 	snop  }
0x7: {  	_ = 	snop  }
__scs_overlays_trampoline_lowered:
0x8: {  	[smem:$0x3FAB] =	sst s0  }
0x9: {  	[smem:$0x3FAC] =	sst s1  }
0xa: {  	[smem:$0x3FAD] =	sst s2  }
0xb: {  	[smem:$0x3FAE] =	sst s3  }
0xc: {  	[smem:$0x3FAF] =	sst s4  }
0xd: {  	[smem:$0x3FB0] =	sst s5  }
0xe: {  	[smem:$0x3FB1] =	sst s6  }
0xf: {  	[smem:$0x3FB2] =	sst s7  }
0x10: {  	[smem:$0x3FB3] =	sst s8  }
0x11: {  	[smem:$0x3FB4] =	sst s9;
	s0 =	simm.s32 @!p0 $0x0  }
0x12: {  	s1 =	sld [smem:$0x3F9A];
	s0 =	simm.s32 @p0 $0x1  }
0x13: {  	[smem:$0x3FB5] =	sst s0;
	s0 =	simm.s32 @!p1 $0x0  }
0x14: {  	s2 =	sld [smem:$0x3F99];
	s0 =	simm.s32 @p1 $0x1  }
0x15: {  	[smem:$0x3FB6] =	sst s0;
	s0 =	simm.s32 @!p2 $0x0  }
0x16: {  	s3 =	sld [smem:$0x3FDB];
	s0 =	simm.s32 @p2 $0x1  }
0x17: {  	s4 =	simm.s32 $0x1BF5;
	[smem:$0x3FB8] =	sst s0  }
0x18: {  	s0 =	sld [smem:$0x3F9B];
	_ =	swait.ge [sflag:s4], $0x0  }
0x19: {  	s7 =	sld [smem:$0x3F9C]  }
0x1a: {  	s8 =	sadd.s32 $0xFFFFE003, lr  }
0x1b: {  	s9 =	sadd.s32 $0xFFFFFEF7, lr;
	s5 =	simm.s32 $0xFFFFFFFF;
	p2 =	slt.u32 s8, $0xFFFFF086  }
0x1c: {  	p1 =	slt.u32 s9, $0xF7A;
	s5 =	simm.s32 @!p2 $0x0  }
0x1d: {  	s5 =	simm.s32 @p1 $0x1;
	p0 =	seq.s32 s7, s2  }
0x1e: {  	s7 =	smul.u32 @!p0 $0xF7A, s2;
	p2 =	seq.s32 @!p0 s5, $0x0  }
0x1f: {  	s9 =	smul.u32 $0xF7A, s1;
	s8 =	simm.s32 @!p0 $0x1BF5;
	p2 =	por !p2, p0  }
0x20: {  	[sflag:s8] =	ssyncset.s32 @!p0 $0xFFFFF086;
	s6 =	sadd.s32 @!p0 s3, s7;
	s7 =	simm.s32 @!p0 $0x108  }
0x21: {  	s3 =	sadd.s32 s3, s9;
	s6 =	sadd.s32 @!p0 $0x88, s6;
	s7 =	simm.s32 @p2 $0x1082  }
0x22: {  	[simem:s7], [sflag:s8] =	dma.local @!p0 [hbm:s6], $0xF7A  }
0x23: {  	s9 =	sor.u32 $0xD0000000, s2;
	s6 =	simm.s32 $0x108;
	_ =	swait.ge @!p0 [sflag:s8], $0x0  }
0x24: {  	s3 =	sadd.s32 $0x88, s3;
	s6 =	simm.s32 @!p1 $0x1082;
	[sflag:s4] =	ssyncset.s32 $0xFFFFF086  }
0x25: {  	[simem:s6], [sflag:s4] =	dma.local [hbm:s3], $0xF7A  }
0x26: {  	[smem:$0x3F9C] =	sst s1;
	(tag) =	ssettag s2;
	_ =	strace s9  }
0x27: {  	s1 =	sld [smem:$0x3FAC]  }
0x28: {  	s2 =	sld [smem:$0x3FAD]  }
0x29: {  	s4 =	sld [smem:$0x3FAF]  }
0x2a: {  	p0 =	seq.s32 s5, $0x0;
	s5 =	sld [smem:$0x3FB0]  }
0x2b: {  	s6 =	sld [smem:$0x3FB1]  }
0x2c: {  	s7 =	sld [smem:$0x3FB2]  }
0x2d: {  	s3 =	simm.s32 $0x108;
	s8 =	sld [smem:$0x3FB3]  }
0x2e: {  	s3 =	simm.s32 @!p0 $0x1082;
	s9 =	sld [smem:$0x3FB4]  }
0x2f: {  	lr =	sadd.s32 s0, s3;
	s0 =	sld [smem:$0x3FAB]  }
0x30: {  	s3 =	sld [smem:$0x3FAE]  }
0x31: {  	[smem:$0x3FB7] =	sst s10  }
0x32: {  	s10 =	sld [smem:$0x3FB5];
	_ =	sdelay $0x3  }
0x33: {  	p0 =	seq.s32 s10, $0x1;
	s10 =	sld [smem:$0x3FB7];
	_ =	sdelay $0x3  }
0x34: {  	[smem:$0x3FB7] =	sst s10  }
0x35: {  	s10 =	sld [smem:$0x3FB6];
	_ =	sdelay $0x3  }
0x36: {  	p1 =	seq.s32 s10, $0x1;
	s10 =	sld [smem:$0x3FB7];
	_ =	sdelay $0x3  }
0x37: {  	[smem:$0x3FB7] =	sst s10  }
0x38: {  	s10 =	sld [smem:$0x3FB8]  }
0x39: {  	_ = 	snop;
	(pc) =	sbr.ind lr, $3  }
0x3a: {  	_ = 	snop  }
0x3b: {  	_ = 	snop  }
0x3c: {  	p2 =	seq.s32 s10, $0x1;
	s10 =	sld [smem:$0x3FB7]  }
0x3d: {  	_ =	shalt  }
0x3e: {  	_ =	shalt  }
0x3f: {  	_ =	shalt  }
0x40: {  	_ =	shalt  }
0x41: {  	_ =	shalt  }
0x42: {  	_ =	shalt  }
0x43: {  	_ =	shalt  }
0x44: {  	_ =	shalt  }
0x45: {  	_ =	shalt  }
0x46: {  	_ =	shalt  }
0x47: {  	_ =	shalt  }
0x48: {  	_ =	shalt  }
0x49: {  	_ =	shalt  }
0x4a: {  	_ =	shalt  }
0x4b: {  	_ =	shalt  }
0x4c: {  	_ =	shalt  }
0x4d: {  	_ =	shalt  }
0x4e: {  	_ =	shalt  }
0x4f: {  	_ =	shalt  }
0x50: {  	_ =	shalt  }
0x51: {  	_ =	shalt  }
0x52: {  	_ =	shalt  }
0x53: {  	_ =	shalt  }
0x54: {  	_ =	shalt  }
0x55: {  	_ =	shalt  }
0x56: {  	_ =	shalt  }
0x57: {  	_ =	shalt  }
0x58: {  	_ =	shalt  }
0x59: {  	_ =	shalt  }
0x5a: {  	_ =	shalt  }
0x5b: {  	_ =	shalt  }
0x5c: {  	_ =	shalt  }
0x5d: {  	_ =	shalt  }
0x5e: {  	_ =	shalt  }
0x5f: {  	_ =	shalt  }
0x60: {  	_ =	shalt  }
0x61: {  	_ =	shalt  }
0x62: {  	_ =	shalt  }
0x63: {  	_ =	shalt  }
0x64: {  	_ =	shalt  }
0x65: {  	_ =	shalt  }
0x66: {  	_ =	shalt  }
0x67: {  	_ =	shalt  }
0x68: {  	_ =	shalt  }
0x69: {  	_ =	shalt  }
0x6a: {  	_ =	shalt  }
0x6b: {  	_ =	shalt  }
0x6c: {  	_ =	shalt  }
0x6d: {  	_ =	shalt  }
0x6e: {  	_ =	shalt  }
0x6f: {  	_ =	shalt  }
0x70: {  	_ =	shalt  }
0x71: {  	_ =	shalt  }
0x72: {  	_ =	shalt  }
0x73: {  	_ =	shalt  }
0x74: {  	_ =	shalt  }
0x75: {  	_ =	shalt  }
0x76: {  	_ =	shalt  }
0x77: {  	_ =	shalt  }
0x78: {  	_ =	shalt  }
0x79: {  	_ =	shalt  }
0x7a: {  	_ =	shalt  }
0x7b: {  	_ =	shalt  }
0x7c: {  	_ =	shalt  }
0x7d: {  	_ =	shalt  }
0x7e: {  	_ =	shalt  }
0x7f: {  	_ =	shalt  }
0x80: {  	_ =	shalt  }
0x81: {  	_ =	shalt  }
0x82: {  	_ =	shalt  }
0x83: {  	_ =	shalt  }
0x84: {  	_ =	shalt  }
0x85: {  	_ =	shalt  }
0x86: {  	_ =	shalt  }
0x87: {  	_ =	shalt  }
.Lfunc_end0:
.L_simem_size_0:
called_computation.1_lowered:
.L_overlay_start_0:
0x88: {  	s2 =	sld [smem:$0x3FD9]  }
0x89: {  	s3 =	sld [smem:$0x3FFE];
	_ =	sdelay $0x1  }
0x8a: {  	s1 =	srdreg.scid  }
0x8b: {  	s0 =	sand.u32 $0x1, s1  }
0x8c: {  	s17 =	sshll.u32 s0, $0xA;
	s2 =	sadd.s32 s3, s2  }
0x8d: {  	s2 =	sadd.s32 s2, s17  }
0x8e: {  	[smem:$0x3FC3] =	sst s2  }
0x8f: {  	_ = 	snop  }
0x90: {  	s2 =	sld [smem:$0x3FD0];
	(tm) =	ssettm $0x1  }
0x91: {  	s18 =	sld [smem:$0x3FFB];
	_ =	sdelay $0x3  }
0x92: {  	_ =	strace s18  }
0x93: {  	s3 =	sld [smem:$0x3FFC];
	_ =	sdelay $0x3  }
0x94: {  	_ =	strace s3  }
0x95: {  	s3 =	sld [smem:$0x3FFD];
	_ =	sdelay $0x3  }
0x96: {  	_ =	strace s3  }
0x97: {  	_ =	strace $0x8FFFFFFF  }
0x98: {  	s19 =	sld [smem:$0x3FDB];
	_ =	sdelay $0x1  }
0x99: {  	s4 =	simm.s32 $_scs_section_size  }
0x9a: {  	s5 =	simm.s32 $_size__tile_overlayer_lowered;
	s6 =	simm.s32 $_tile_overlayer_lowered  }
0x9b: {  	s22 =	simm.s32 $0x1BFF;
	s21 =	sshll.u32 s6, $0x1;
	s3 =	sadd.s32 s4, s19  }
0x9c: {  	s7 =	simm.s32 $0x0;
	s20 =	sshll.u32 s5, $0x1;
	s5 =	sadd.s32 s21, s3  }
0x9d: {  	[timem:s7], [sflag:s22] =	dma.local [hbm:s5], s20  }
0x9e: {  	_ =	swait.ge [sflag:s22], s20  }
0x9f: {  	s4 =	ssub.s32 $0x0, s20;
	[sflag:s22] =	ssyncset.done $0x0  }
0xa0: {  	[sflag:s22] =	ssyncadd.s32 s4;
	_ =	sdelay $0x1  }
0xa1: {  	s23 =	simm.s32 $0x1B8B  }
0xa2: {  	_ =	swait.ge [sflag:s23], $0x1  }
0xa3: {  	[sflag:s23] =	ssyncset.done $0x0  }
0xa4: {  	s25 =	simm.s32 $0x1B8E;
	s24 =	sld [smem:$0x3FFE];
	[sflag:s23] =	ssyncadd.s32 $0xFFFFFFFF  }
0xa5: {  	s26 =	simm.s32 $execute0_lowered;
	[smem:$0x3FD2] =	sst s25  }
0xa6: {  	s5 =	sshll.u32 s26, $0x1;
	_ =	strace $0x80000049;
	[dreg:$0x1] =	wrdreg $0xFFFFFFFF  }
0xa7: {  	s28 =	simm.s32 $_size_execute0_lowered;
	s3 =	sadd.s32 s3, s5;
	[dreg:$0x0] =	wrdreg $0x0  }
0xa8: {  	s5 =	sshll.u32 s28, $0x1;
	[dreg:$0x2] =	wrdreg s3  }
0xa9: {  	[dreg:$0x3] =	wrdreg s5  }
0xaa: {  	[dreg:$0x4] =	wrdreg $0xC0  }
0xab: {  	_ =	task [dreg:s7], $0x5FFFF  }
0xac: {  	[dreg:$0x1] =	wrdreg $0xFFFFFFFF  }
0xad: {  	[dreg:$0x0] =	wrdreg $0x60  }
0xae: {  	[dreg:$0x2] =	wrdreg s2  }
0xaf: {  	[dreg:$0x3] =	wrdreg s24  }
0xb0: {  	[dreg:$0x4] =	wrdreg $0x9  }
0xb1: {  	_ =	task.clear_ibuf [dreg:s7], $0x5FFFF;
	_ =	strace $0x90000049  }
0xb2: {  	s29 =	simm.s32 $0x9;
	_ =	strace $0x8000004B  }
0xb3: {  	_ =	swait.ge [sflag:s29], $0x1  }
0xb4: {  	[sflag:s29] =	ssyncadd.s32 $0xFFFFFFFF  }
0xb5: {  	_ =	strace $0x9000004B  }
0xb6: {  	_ =	sfence  }
0xb7: {  	s30 =	sld [smem:$0x0];
	_ =	sdelay $0x2  }
0xb8: {  	s31 =	sshll.u32 s1, $0xD;
	s1 =	sshrl.u32 s1, $0x2  }
0xb9: {  	s3 =	sand.u32 $0x4000, s31;
	s1 =	sadd.s32 s1, s30  }
0xba: {  	s0 =	sor.u32 s3, s0;
	s1 =	sshll.u32 s1, $0x11  }
0xbb: {  	s0 =	sor.u32 s1, s0  }
0xbc: {  	s0 =	sadd.s32 $0x8F2B, s0  }
0xbd: {  	[sflag:s0] =	ssyncadd.remote.s32 $0x1  }
0xbe: {  	_ =	sfence.sel $0xFFFF  }
0xbf: {  	[dreg:$0x0] =	wrdreg $0xFFFFFFFF;
	(pc) =	sbr.abs _section_cstart, $3  }
0xc0: {  	[dreg:$0x1] =	wrdreg $0xFFFFFFFF  }
0xc1: {  	_ =	task.clear_ibuf [dreg:s7], $0x2FFFF;
	_ =	strace $0x9FFFFFFF  }
0xc2: {  	(tm) =	ssettm $0x7FFFFFFF  }
0xc3: {  	_ =	shalt  }
tec
execute0_lowered:
.L_overlay_start_1:
0x0: {  	(tag) =	ssettag $0x1  }
0x1: {  	s0 =	rddreg [dreg:$0x0]  }
0x2: {  	s2 =	rddreg [dreg:$0x1]  }
0x3: {  	s1 =	simm.s32 $0x0;
	s4 =	srdreg.scid;
	s10 =	stileid.u32  }
0x4: {  	s13 =	simm.s32 $0x9;
	s14 =	simm.s32 $0x80;
	s15 =	simm.s32 $0x4000  }
0x5: {  	s16 =	simm.s32 $0x6000;
	s18 =	simm.s32 $0x8000;
	s19 =	simm.s32 $0x1  }
0x6: {  	s21 =	simm.s32 $0xA000;
	s22 =	simm.s32 $0x2;
	s23 =	simm.s32 $0x5  }
0x7: {  	s24 =	simm.s32 $0x3;
	s28 =	simm.s32 $0x7;
	s29 =	simm.s32 $0x8  }
0x8: {  	s30 =	simm.s32 $0x0;
	[smem:$0x7FF] =	sst s1;
	s3 =	sadd.s32 $0x800, s2  }
0x9: {  	s7 =	sand.u32 $0x1, s4;
	s5 =	sshll.u32 s10, $0xF;
	s2 =	sadd.s32 $0x404800, s2  }
0xa: {  	s26 =	sshll.u32 s10, $0x12;
	_ =	strace $0x8000004A;
	s6 =	sshll.u32 s7, $0xE  }
0xb: {  	s4 =	ssub.s32 $0x2, s7;
	s31 =	sshll.u32 s7, $0x11;
	s5 =	sor.u32 s6, s5  }
0xc: {  	s8 =	sshrl.u32 s4, $0x1;
	s25 =	sshrl.u32 s5, $0x3;
	s5 =	sshll.u32 s5, $0x3  }
0xd: {  	s9 =	ssub.s32 s4, s8;
	s0 =	sadd.s32 s0, s25;
	s5 =	sadd.s32 s5, s2  }
0xe: {  	s9 =	smax.u32 s9, $0x1;
	s25 =	simm.s32 $0x6;
	[dreg:$0x3] =	wrdreg s0  }
0xf: {  	s6 =	sadd.s32 $0x400, s5;
	s0 =	sadd.s32 s26, s2;
	s7 =	sadd.s32 $0x1F800, s5  }
0x10: {  	s8 =	sadd.s32 $0x1FC00, s5;
	s11 =	sadd.s32 $0xC00, s5;
	s0 =	sadd.s32 s31, s0  }
0x11: {  	s12 =	sadd.s32 $0x800, s5;
	s26 =	simm.s32 $0x4;
	s10 =	sadd.s32 $0x1000, s0  }
.LBB2_1:
0x12: {  	s0 =	rddreg [dreg:$0x3]  }
0x13: {  	[tilespmem:s1], [sflag:$0x9] =	stream.linear.gather [hbm4b:s0+s1], $0x4000, $0x38;
	[tilespmem:$0xC000] =	vst v63  }
0x14: {  	_ =	swait.ge [sflag:s13], $0x4000  }
0x15: {  	[sflag:s13] =	ssyncset.done $0x0  }
0x16: {  	[sflag:s13] =	ssyncadd.s32 $0xFFFFC000  }
0x17: {  	[tilespmem:s15], [sflag:$0x1] =	stream.indirect.gather [hbm4b:s3+s14], $0x40, s1, s14, $0xb8;
	[tilespmem:$0xC000] =	vst v63  }
0x18: {  	_ = 	snop  }
0x19: {  	[tilespmem:s16], [sflag:$0x2] =	stream.indirect.gather [hbm4b:s3+s14], $0x40, s14, s14, $0xb8;
	[tilespmem:$0xC000] =	vst v63  }
0x1a: {  	s17 =	simm.s32 $0x100  }
0x1b: {  	[tilespmem:s18], [sflag:$0x3] =	stream.indirect.gather [hbm4b:s3+s14], $0x40, s17, s14, $0xb8;
	[tilespmem:$0xC000] =	vst v63  }
0x1c: {  	_ =	swait.ge [sflag:s19], $0x2000  }
0x1d: {  	[sflag:s19] =	ssyncset.done $0x0  }
0x1e: {  	[sflag:s19] =	ssyncadd.s32 $0xFFFFE000  }
0x1f: {  	[hbm4b:s5+s1] =	stream.linear.scatter [tilespmem:s15], [sflag:$0x5], $0x2000, $0x38;
	[tilespmem:$0xC000] =	vst v63  }
0x20: {  	s20 =	simm.s32 $0x180  }
0x21: {  	[tilespmem:s21], [sflag:$0x4] =	stream.indirect.gather [hbm4b:s3+s14], $0x40, s20, s14, $0xb8;
	[tilespmem:$0xC000] =	vst v63  }
0x22: {  	_ =	swait.ge [sflag:s22], $0x2000  }
0x23: {  	[sflag:s22] =	ssyncset.done $0x0  }
0x24: {  	[sflag:s22] =	ssyncadd.s32 $0xFFFFE000  }
0x25: {  	[hbm4b:s6+s1] =	stream.linear.scatter [tilespmem:s16], [sflag:$0x6], $0x2000, $0x38;
	[tilespmem:$0xC000] =	vst v63  }
0x26: {  	_ =	swait.ge [sflag:s23], $0x2000  }
0x27: {  	[sflag:s23] =	ssyncset.done $0x0  }
0x28: {  	s2 =	simm.s32 $0x200;
	[sflag:s23] =	ssyncadd.s32 $0xFFFFE000  }
0x29: {  	[tilespmem:s15], [sflag:$0x1] =	stream.indirect.gather [hbm4b:s3+s14], $0x40, s2, s14, $0xb8;
	[tilespmem:$0xC000] =	vst v63  }
0x2a: {  	_ =	swait.ge [sflag:s24], $0x2000  }
0x2b: {  	[sflag:s24] =	ssyncset.done $0x0  }
0x2c: {  	[sflag:s24] =	ssyncadd.s32 $0xFFFFE000  }
0x2d: {  	[hbm4b:s12+s1] =	stream.linear.scatter [tilespmem:s18], [sflag:$0x7], $0x2000, $0x38;
	[tilespmem:$0xC000] =	vst v63  }
0x2e: {  	_ =	swait.ge [sflag:s25], $0x2000  }
0x2f: {  	[sflag:s25] =	ssyncset.done $0x0  }
0x30: {  	s4 =	simm.s32 $0x280;
	[sflag:s25] =	ssyncadd.s32 $0xFFFFE000  }
0x31: {  	[tilespmem:s16], [sflag:$0x2] =	stream.indirect.gather [hbm4b:s3+s14], $0x40, s4, s14, $0xb8;
	[tilespmem:$0xC000] =	vst v63  }
0x32: {  	_ =	swait.ge [sflag:s26], $0x2000  }
0x33: {  	[sflag:s26] =	ssyncset.done $0x0  }
0x34: {  	[sflag:s26] =	ssyncadd.s32 $0xFFFFE000  }
0x35: {  	[hbm4b:s11+s1] =	stream.linear.scatter [tilespmem:s21], [sflag:$0x8], $0x2000, $0x38;
	[tilespmem:$0xC000] =	vst v63  }
0x36: {  	_ =	swait.ge [sflag:s28], $0x2000  }
0x37: {  	[sflag:s28] =	ssyncset.done $0x0  }
0x38: {  	s17 =	simm.s32 $0x300;
	[sflag:s28] =	ssyncadd.s32 $0xFFFFE000  }
0x39: {  	[tilespmem:s18], [sflag:$0x3] =	stream.indirect.gather [hbm4b:s3+s14], $0x40, s17, s14, $0xb8;
	[tilespmem:$0xC000] =	vst v63  }
0x3a: {  	_ =	swait.ge [sflag:s19], $0x2000  }
0x3b: {  	[sflag:s19] =	ssyncset.done $0x0  }
0x3c: {  	[sflag:s19] =	ssyncadd.s32 $0xFFFFE000  }
0x3d: {  	[hbm4b:s10+s1] =	stream.linear.scatter [tilespmem:s15], [sflag:$0x5], $0x2000, $0x38;
	[tilespmem:$0xC000] =	vst v63  }
0x3e: {  	_ =	swait.ge [sflag:s29], $0x2000  }
0x3f: {  	[sflag:s29] =	ssyncset.done $0x0  }
0x40: {  	s20 =	simm.s32 $0x380;
	[sflag:s29] =	ssyncadd.s32 $0xFFFFE000  }
0x41: {  	[tilespmem:s21], [sflag:$0x4] =	stream.indirect.gather [hbm4b:s3+s14], $0x40, s20, s14, $0xb8;
	[tilespmem:$0xC000] =	vst v63  }
0x42: {  	s31 =	simm.s32 $0x800;
	_ =	swait.ge [sflag:s22], $0x2000  }
0x43: {  	s0 =	sadd.s32 $0x1000, s11;
	s2 =	sadd.s32 $0x1000, s12;
	[sflag:s22] =	ssyncset.done $0x0  }
0x44: {  	s17 =	sadd.s32 $0x1000, s10;
	s20 =	sadd.s32 $0x400, s10;
	[sflag:s22] =	ssyncadd.s32 $0xFFFFE000  }
.LBB2_2:
0x45: {  	[hbm4b:s20+s1] =	stream.linear.scatter [tilespmem:s16], [sflag:$0x6], $0x2000, $0x38;
	[tilespmem:$0xC000] =	vst v63  }
0x46: {  	s20 =	smov.u32 s31  }
0x47: {  	p0 =	sne.s32 s31, $0xF000;
	s31 =	sadd.s32 $0x800, s31;
	_ =	swait.ge [sflag:s23], $0x2000  }
0x48: {  	s20 =	sshra.s32 s20, $0x2;
	[sflag:s23] =	ssyncset.done $0x0  }
0x49: {  	s4 =	sadd.s32 $0x200, s20;
	[sflag:s23] =	ssyncadd.s32 $0xFFFFE000  }
0x4a: {  	[tilespmem:s15], [sflag:$0x1] =	stream.indirect.gather [hbm4b:s3+s14], $0x40, s4, s14, $0xb8;
	[tilespmem:$0xC000] =	vst v63  }
0x4b: {  	_ =	swait.ge [sflag:s24], $0x2000  }
0x4c: {  	[sflag:s24] =	ssyncset.done $0x0  }
0x4d: {  	[sflag:s24] =	ssyncadd.s32 $0xFFFFE000  }
0x4e: {  	[hbm4b:s2+s1] =	stream.linear.scatter [tilespmem:s18], [sflag:$0x7], $0x2000, $0x38;
	[tilespmem:$0xC000] =	vst v63  }
0x4f: {  	_ =	swait.ge [sflag:s25], $0x2000  }
0x50: {  	[sflag:s25] =	ssyncset.done $0x0  }
0x51: {  	s4 =	sadd.s32 $0x280, s20;
	[sflag:s25] =	ssyncadd.s32 $0xFFFFE000  }
0x52: {  	[tilespmem:s16], [sflag:$0x2] =	stream.indirect.gather [hbm4b:s3+s14], $0x40, s4, s14, $0xb8;
	[tilespmem:$0xC000] =	vst v63  }
0x53: {  	_ =	swait.ge [sflag:s26], $0x2000  }
0x54: {  	[sflag:s26] =	ssyncset.done $0x0  }
0x55: {  	[sflag:s26] =	ssyncadd.s32 $0xFFFFE000  }
0x56: {  	[hbm4b:s0+s1] =	stream.linear.scatter [tilespmem:s21], [sflag:$0x8], $0x2000, $0x38;
	[tilespmem:$0xC000] =	vst v63  }
0x57: {  	_ =	swait.ge [sflag:s28], $0x2000  }
0x58: {  	[sflag:s28] =	ssyncset.done $0x0  }
0x59: {  	s4 =	sadd.s32 $0x300, s20;
	[sflag:s28] =	ssyncadd.s32 $0xFFFFE000  }
0x5a: {  	[tilespmem:s18], [sflag:$0x3] =	stream.indirect.gather [hbm4b:s3+s14], $0x40, s4, s14, $0xb8;
	[tilespmem:$0xC000] =	vst v63  }
0x5b: {  	_ =	swait.ge [sflag:s19], $0x2000  }
0x5c: {  	[sflag:s19] =	ssyncset.done $0x0  }
0x5d: {  	[sflag:s19] =	ssyncadd.s32 $0xFFFFE000  }
0x5e: {  	[hbm4b:s17+s1] =	stream.linear.scatter [tilespmem:s15], [sflag:$0x5], $0x2000, $0x38;
	[tilespmem:$0xC000] =	vst v63  }
0x5f: {  	_ =	swait.ge [sflag:s29], $0x2000  }
0x60: {  	[sflag:s29] =	ssyncset.done $0x0  }
.Ltmp0:
0x61: {  	s4 =	sadd.s32 $0x380, s20;
	[sflag:s29] =	ssyncadd.s32 $0xFFFFE000;
	(pc) =	sbr.rel @p0 .LBB2_2-.Ltmp0, $4  }
0x62: {  	[tilespmem:s21], [sflag:$0x4] =	stream.indirect.gather [hbm4b:s3+s14], $0x40, s4, s14, $0xb8;
	[tilespmem:$0xC000] =	vst v63  }
0x63: {  	_ =	swait.ge [sflag:s22], $0x2000  }
0x64: {  	s2 =	sadd.s32 $0x1000, s2;
	s0 =	sadd.s32 $0x1000, s0;
	[sflag:s22] =	ssyncset.done $0x0  }
0x65: {  	s20 =	sadd.s32 $0x400, s17;
	s17 =	sadd.s32 $0x1000, s17;
	[sflag:s22] =	ssyncadd.s32 $0xFFFFE000  }
0x66: {  	[hbm4b:s20+s1] =	stream.linear.scatter [tilespmem:s16], [sflag:$0x6], $0x2000, $0x38;
	[tilespmem:$0xC000] =	vst v63  }
0x67: {  	_ =	swait.ge [sflag:s24], $0x2000  }
0x68: {  	[sflag:s24] =	ssyncset.done $0x0  }
0x69: {  	[sflag:s24] =	ssyncadd.s32 $0xFFFFE000  }
0x6a: {  	[hbm4b:s7+s1] =	stream.linear.scatter [tilespmem:s18], [sflag:$0x7], $0x2000, $0x38;
	[tilespmem:$0xC000] =	vst v63  }
0x6b: {  	_ =	swait.ge [sflag:s26], $0x2000  }
0x6c: {  	[sflag:s26] =	ssyncset.done $0x0  }
0x6d: {  	[sflag:s26] =	ssyncadd.s32 $0xFFFFE000  }
0x6e: {  	[hbm4b:s8+s1] =	stream.linear.scatter [tilespmem:s21], [sflag:$0x8], $0x2000, $0x38;
	[tilespmem:$0xC000] =	vst v63  }
0x6f: {  	_ =	swait.ge [sflag:s23], $0x2000  }
0x70: {  	[sflag:s23] =	ssyncset.done $0x0  }
0x71: {  	[sflag:s23] =	ssyncadd.s32 $0xFFFFE000  }
0x72: {  	_ =	swait.ge [sflag:s25], $0x2000  }
0x73: {  	[sflag:s25] =	ssyncset.done $0x0  }
0x74: {  	s30 =	sadd.s32 $0x1, s30;
	[sflag:s25] =	ssyncadd.s32 $0xFFFFE000  }
0x75: {  	p0 =	sne.s32 s30, s9;
	_ =	swait.ge [sflag:s28], $0x2000  }
.Ltmp1:
0x76: {  	[sflag:s28] =	ssyncset.done $0x0;
	(pc) =	sbr.rel @p0 .LBB2_1-.Ltmp1, $4  }
0x77: {  	[sflag:s28] =	ssyncadd.s32 $0xFFFFE000  }
0x78: {  	_ =	swait.ge [sflag:s29], $0x2000  }
0x79: {  	[sflag:s29] =	ssyncset.done $0x0  }
0x7a: {  	[sflag:s29] =	ssyncadd.s32 $0xFFFFE000  }
0x7b: {  	_ =	sfence.sel $0x180000  }
0x7c: {  	[bflag:$0x0] =	sbarrier.arrive $0xFFFF  }
0x7d: {  	_ =	strace $0x9000004A  }
0x7e: {  	s0 =	stileid.u32;
	[bflag:$0x2] =	sbarrier.arrive $0xFFFF  }
0x7f: {  	p0 =	sne.s32 s0, $0x0;
	s0 =	rddreg [dreg:$0x2]  }
0x80: {  	s0 =	sadd.s32 @!p0 $0x100000, s0  }
0x81: {  	[sflag:s0] =	ssyncadd.tile.s32 @!p0 $0x1;
	_ =	shalt  }
.Lfunc_end2:
_tile_overlayer_lowered:
.L_overlay_start_2:
0x82: {  	(tag) =	ssettag $0x2  }
0x83: {  	s0 =	rddreg [dreg:$0x0];
	s2 =	stileid.u32  }
0x84: {  	s1 =	rddreg [dreg:$0x1];
	p0 =	sne.s32 s2, $0x0  }
0x85: {  	s3 =	rddreg [dreg:$0x2];
	[bflag:$0x3] =	sbarrier.arrive $0xFFFF;
	s2 =	simm.s32 @!p0 $0x1C09  }
0x86: {  	[timem:s3], [sflag:s2] =	dma.local @!p0 [hbm:s0], s1  }
0x87: {  	s0 =	simm.s32 @!p0 $0x9  }
0x88: {  	_ =	swait.ge @!p0 [sflag:s0], s1  }
0x89: {  	s1 =	ssub.s32 @!p0 $0x0, s1;
	[sflag:s0] =	ssyncset.done @!p0 $0x0  }
0x8a: {  	[sflag:s0] =	ssyncadd.s32 @!p0 s1  }
0x8b: {  	[bflag:$0x3] =	sbarrier.arrive $0xFFFF  }
0x8c: {  	_ =	shalt  }

</sc_bundles>
